<compile_context>
chip_gen: v7x
topology: tpu7x:2x2x1
jax: 0.10.2.dev20260603
libtpu: 0.0.44.dev20260713+nightly
codegen_flags: <defaults>
</compile_context>

<pallas_src>
import functools

import jax
import jax.numpy as jnp
from jax import lax
from jax.experimental import pallas as pl
from jax.experimental.pallas import tpu as pltpu
from jax.experimental.pallas import tpu_sc as plsc

N = 100000
NUM_COPIERS = 15
CHUNK = 6672
TAIL = N - (NUM_COPIERS - 1) * CHUNK
L = 16
STAGES = 17


def _sc_body(parent_hbm, rank_hbm, params_hbm,
             out_parent, out_rank,
             prm_v, idx_v, val_i, val_f, src_i, src_f, sti_v, stf_v,
             pbuf, rbuf, sem, sem2):
    cid = lax.axis_index("c")
    sid = lax.axis_index("s")

    @pl.when(cid == 0)
    def _core0():
        lane = lax.iota(jnp.int32, L)

        for w in range(1, NUM_COPIERS + 1):
            sbase = (w - 1) * CHUNK
            ssize = CHUNK if w < NUM_COPIERS else TAIL

            @pl.when(sid == w)
            def _copy(sbase=sbase, ssize=ssize):
                ci1 = pltpu.async_copy(parent_hbm.at[pl.ds(sbase, ssize)],
                                       pbuf.at[pl.ds(0, ssize)], sem)
                ci2 = pltpu.async_copy(rank_hbm.at[pl.ds(sbase, ssize)],
                                       rbuf.at[pl.ds(0, ssize)], sem2)
                ci1.wait()
                ci2.wait()
                co1 = pltpu.async_copy(pbuf.at[pl.ds(0, ssize)],
                                       out_parent.at[pl.ds(sbase, ssize)], sem)
                co2 = pltpu.async_copy(rbuf.at[pl.ds(0, ssize)],
                                       out_rank.at[pl.ds(sbase, ssize)], sem2)
                co1.wait()
                co2.wait()

        @pl.when(sid == 0)
        def _find():
            pltpu.sync_copy(params_hbm, prm_v)
            prm = prm_v[...]
            x = prm[0]
            y = prm[1]
            sim_ok = prm[2]

            def _gather1(i):
                idx_v[...] = jnp.full((L,), i, jnp.int32)
                pltpu.async_copy(parent_hbm.at[idx_v], val_i, sem).wait()
                return val_i[...][0]

            idx_v[...] = jnp.where(lane == 0, x, y)
            pltpu.async_copy(parent_hbm.at[idx_v], val_i, sem).wait()
            pv = val_i[...]
            px = pv[0]
            py = pv[1]

            def _chase(r0, v0):
                def _ladder():
                    def stage(k, carry):
                        r, v = carry
                        n = jnp.where(v == r, 0, 1 << k)

                        def step(_, c):
                            _, vv = c
                            return vv, _gather1(vv)

                        return lax.fori_loop(0, n, step, (r, v))

                    r, _ = lax.fori_loop(0, STAGES, stage, (r0, v0))
                    return r

                return lax.cond(v0 == r0, lambda: r0, _ladder)

            root_x = _chase(x, px)
            root_y = _chase(y, py)

            idx_v[...] = jnp.where(lane == 0, root_x, root_y)
            pltpu.async_copy(rank_hbm.at[idx_v], val_f, sem)

            st = jnp.where(lane == 0, x, y)
            st = jnp.where(lane == 2, px, st)
            st = jnp.where(lane == 3, py, st)
            st = jnp.where(lane == 4, root_x, st)
            st = jnp.where(lane == 5, root_y, st)
            st = jnp.where(lane == 6, sim_ok, st)
            sti_v[...] = st

        plsc.subcore_barrier()

        @pl.when(sid == 0)
        def _apply():
            st = sti_v[...]
            x = st[0]
            y = st[1]
            px = st[2]
            py = st[3]
            root_x = st[4]
            root_y = st[5]
            sim_ok = st[6]
            pltpu.make_async_copy(rank_hbm.at[idx_v], val_f, sem).wait()
            rnk = val_f[...]
            rx = rnk[0]
            ry = rnk[1]

            def _gather1(i):
                idx_v[...] = jnp.full((L,), i, jnp.int32)
                pltpu.async_copy(parent_hbm.at[idx_v], val_i, sem).wait()
                return val_i[...][0]

            def _scatter_parent(i, v):
                idx_v[...] = jnp.full((L,), i, jnp.int32)
                src_i[...] = jnp.full((L,), v, jnp.int32)
                pltpu.async_copy(src_i, out_parent.at[idx_v], sem).wait()

            def _compress(n0, v0, root):
                def _ladder():
                    def stage(k, carry):
                        nde, v = carry
                        cnt = jnp.where(v == root, 0, 1 << k)

                        def step(_, c):
                            nn, vv = c
                            _scatter_parent(nn, root)
                            return vv, _gather1(vv)

                        return lax.fori_loop(0, cnt, step, (nde, v))

                    lax.fori_loop(0, STAGES, stage, (n0, v0))

                pl.when(v0 != root)(_ladder)

            _compress(x, px, root_x)
            _compress(y, py, root_y)

            do_union = jnp.logical_and(root_x != root_y, sim_ok != 0)

            @pl.when(do_union)
            def _union():
                x_wins = rx > ry
                winner = jnp.where(x_wins, root_x, root_y)
                loser = jnp.where(x_wins, root_y, root_x)
                idx_v[...] = jnp.full((L,), loser, jnp.int32)
                src_i[...] = jnp.full((L,), winner, jnp.int32)
                cu = pltpu.async_copy(src_i, out_parent.at[idx_v], sem)
                val_i[...] = jnp.full((L,), winner, jnp.int32)
                src_f[...] = jnp.full((L,), rx + ry, jnp.float32)
                cr = pltpu.async_copy(src_f, out_rank.at[val_i], sem2)
                cu.wait()
                cr.wait()


@functools.partial(
    pl.kernel,
    out_type=(
        jax.ShapeDtypeStruct((N,), jnp.int32),
        jax.ShapeDtypeStruct((N,), jnp.float32),
    ),
    mesh=plsc.VectorSubcoreMesh(core_axis_name="c", subcore_axis_name="s", num_cores=1),
    scratch_types=[
        pltpu.VMEM((L,), jnp.int32),
        pltpu.VMEM((L,), jnp.int32),
        pltpu.VMEM((L,), jnp.int32),
        pltpu.VMEM((L,), jnp.float32),
        pltpu.VMEM((L,), jnp.int32),
        pltpu.VMEM((L,), jnp.float32),
        pltpu.VMEM((L,), jnp.int32),
        pltpu.VMEM((L,), jnp.float32),
        pltpu.VMEM((CHUNK,), jnp.int32),
        pltpu.VMEM((CHUNK,), jnp.float32),
        pltpu.SemaphoreType.DMA,
        pltpu.SemaphoreType.DMA,
    ],
)
def _union_find_sc(parent_hbm, rank_hbm, params_hbm, out_parent, out_rank,
                   *rest):
    _sc_body(parent_hbm, rank_hbm, params_hbm, out_parent, out_rank, *rest)


def kernel(parent, rank, x, y, sim):
    x = jnp.asarray(x, jnp.int32)
    y = jnp.asarray(y, jnp.int32)
    sim_ok = (jnp.asarray(sim, jnp.float32) >= 0.6).astype(jnp.int32)
    params = jnp.zeros((L,), jnp.int32).at[0].set(x).at[1].set(y)
    params = params.at[2].set(sim_ok)
    return _union_find_sc(parent, rank, params)

# --- scband reference (transcript-rebuilt; emitter-appended) ---
"""Pipeline reference for scband-fast-disjoint-set-37744172597261 (READ-ONLY COPY).

The authoritative reference and input builder live on the scoring server;
editing this copy changes nothing except your own understanding.
"""

import jax, jax.numpy as jnp
from jax import lax
import numpy as np

NUM_NODES = 100000


def setup_inputs(seed: int = 0) -> dict:
    key = jax.random.key(seed)
    parent = jnp.arange(NUM_NODES, dtype=jnp.int32)
    rank = jnp.ones((NUM_NODES,), dtype=jnp.float32)
    x = 12345
    y = 67890
    sim = jnp.ones((), dtype=jnp.float32)
    return {"parent": parent, "rank": rank, "x": x, "y": y, "sim": sim}


def _find(parent, x):
    # path-compression find, faithful to the torch loop; traced via while_loop
    x = jnp.asarray(x, dtype=jnp.int32)
    root = lax.while_loop(
        lambda r: parent[r] != r,
        lambda r: parent[r],
        x,
    )

    def _compress_body(carry):
        p, xx = carry
        nxt = p[xx]
        p = p.at[xx].set(root)
        return p, nxt

    parent, _ = lax.while_loop(
        lambda carry: carry[0][carry[1]] != root,
        _compress_body,
        (parent, x),
    )
    return parent, root


def reference(parent, rank, x, y, sim):
    # union(x, y, sim): returns the updated (parent, rank) state
    parent, root_x = _find(parent, x)
    parent, root_y = _find(parent, y)

    skip = jnp.logical_or(root_x == root_y, sim < 0.6)

    def _no_union(parent, rank):
        return parent, rank

    def _do_union(parent, rank):
        def _attach_y_to_x(parent, rank):
            parent2 = parent.at[root_y].set(root_x)
            rank2 = rank.at[root_x].add(rank[root_y])
            return parent2, rank2

        def _attach_x_to_y(parent, rank):
            parent2 = parent.at[root_x].set(root_y)
            rank2 = rank.at[root_y].add(rank[root_x])
            return parent2, rank2

        return lax.cond(
            rank[root_x] > rank[root_y],
            _attach_y_to_x,
            _attach_x_to_y,
            parent,
            rank,
        )

    return lax.cond(skip, _no_union, _do_union, parent, rank)

if __name__ == "__main__":
    import jax
    _d = setup_inputs()
    print(jax.jit(kernel)(*tuple(_d.values())))

</pallas_src>

<mosaic_0001>
#map = affine_map<(d0, d1) -> (0)>
module attributes {stable_mosaic.version = 14 : i64} {
  func.func @_union_find_sc(%arg0: i32, %arg1: i32, %arg2: memref<100000xi32, #tpu.memory_space<hbm>>, %arg3: memref<100000xf32, #tpu.memory_space<hbm>>, %arg4: memref<16xi32, #tpu.memory_space<hbm>>, %arg5: memref<100000xi32, #tpu.memory_space<hbm>>, %arg6: memref<100000xf32, #tpu.memory_space<hbm>>, %arg7: memref<16xi32, #tpu.memory_space<vmem>>, %arg8: memref<16xi32, #tpu.memory_space<vmem>>, %arg9: memref<16xi32, #tpu.memory_space<vmem>>, %arg10: memref<16xf32, #tpu.memory_space<vmem>>, %arg11: memref<16xi32, #tpu.memory_space<vmem>>, %arg12: memref<16xf32, #tpu.memory_space<vmem>>, %arg13: memref<16xi32, #tpu.memory_space<vmem>>, %arg14: memref<16xf32, #tpu.memory_space<vmem>>, %arg15: memref<6672xi32, #tpu.memory_space<vmem>>, %arg16: memref<6672xf32, #tpu.memory_space<vmem>>, %arg17: memref<!tpu.dma_semaphore, #tpu.memory_space<semaphore_mem>>, %arg18: memref<!tpu.dma_semaphore, #tpu.memory_space<semaphore_mem>>) attributes {dimension_semantics = [#tpu.dimension_semantics<core_parallel>, #tpu.dimension_semantics<subcore_parallel>], iteration_bounds = array<i64: 1, 16>, scalar_prefetch = 0 : i64, scratch_operands = 12 : i64, tpu.core_type = #tpu.core_type<sc_vector_subcore>, window_params = [{transform_indices = #map}, {transform_indices = #map}, {transform_indices = #map}, {transform_indices = #map}, {transform_indices = #map}]} {
    %eq3A = arith.constant 0 : i32
    %eq3A_0 = arith.cmpi eq, %arg0, %eq3A : i32
    %convert_element_type3A = arith.extui %eq3A_0 : i1 to i32
    %cond3A = arith.constant 0 : i32
    %cond3A_1 = arith.cmpi ne, %convert_element_type3A, %cond3A : i32
    scf.if %cond3A_1 {
      %iota3A = tpu.iota {dimensions = array<i32: 0>} : vector<16xi32>
      %eq3A_2 = arith.constant 1 : i32
      %eq3A_3 = arith.cmpi eq, %arg1, %eq3A_2 : i32
      %convert_element_type3A_4 = arith.extui %eq3A_3 : i1 to i32
      %cond3A_5 = arith.constant 0 : i32
      %cond3A_6 = arith.cmpi ne, %convert_element_type3A_4, %cond3A_5 : i32
      scf.if %cond3A_6 {
        %dma_start3A = arith.constant 0 : i32
        %dma_start3A_87 = tpu.memref_slice %arg15[%dma_start3A] : memref<6672xi32, #tpu.memory_space<vmem>> -> memref<6672xi32, #tpu.memory_space<vmem>>
        %dma_start3A_88 = arith.constant 0 : i32
        %dma_start3A_89 = tpu.memref_slice %arg2[%dma_start3A_88] : memref<100000xi32, #tpu.memory_space<hbm>> -> memref<6672xi32, #tpu.memory_space<hbm>>
        %dma_start3A_90 = arith.constant 0 : i32
        %dma_start3A_91 = tpu.memref_slice %arg15[%dma_start3A_90] : memref<6672xi32, #tpu.memory_space<vmem>> -> memref<6672xi32, #tpu.memory_space<vmem>>
        %dma_start3A_92 = arith.constant 0 : i32
        %dma_start3A_93 = tpu.memref_slice %arg2[%dma_start3A_92] : memref<100000xi32, #tpu.memory_space<hbm>> -> memref<6672xi32, #tpu.memory_space<hbm>>
        tpu.enqueue_dma source(%dma_start3A_93 : memref<6672xi32, #tpu.memory_space<hbm>>) target(%dma_start3A_91 : memref<6672xi32, #tpu.memory_space<vmem>>) target_semaphore(%arg17 : memref<!tpu.dma_semaphore, #tpu.memory_space<semaphore_mem>>)
        %dma_start3A_94 = arith.constant 0 : i32
        %dma_start3A_95 = tpu.memref_slice %arg16[%dma_start3A_94] : memref<6672xf32, #tpu.memory_space<vmem>> -> memref<6672xf32, #tpu.memory_space<vmem>>
        %dma_start3A_96 = arith.constant 0 : i32
        %dma_start3A_97 = tpu.memref_slice %arg3[%dma_start3A_96] : memref<100000xf32, #tpu.memory_space<hbm>> -> memref<6672xf32, #tpu.memory_space<hbm>>
        %dma_start3A_98 = arith.constant 0 : i32
        %dma_start3A_99 = tpu.memref_slice %arg16[%dma_start3A_98] : memref<6672xf32, #tpu.memory_space<vmem>> -> memref<6672xf32, #tpu.memory_space<vmem>>
        %dma_start3A_100 = arith.constant 0 : i32
        %dma_start3A_101 = tpu.memref_slice %arg3[%dma_start3A_100] : memref<100000xf32, #tpu.memory_space<hbm>> -> memref<6672xf32, #tpu.memory_space<hbm>>
        tpu.enqueue_dma source(%dma_start3A_101 : memref<6672xf32, #tpu.memory_space<hbm>>) target(%dma_start3A_99 : memref<6672xf32, #tpu.memory_space<vmem>>) target_semaphore(%arg18 : memref<!tpu.dma_semaphore, #tpu.memory_space<semaphore_mem>>)
        %dma_wait3A = arith.constant 0 : i32
        %dma_wait3A_102 = tpu.memref_slice %arg15[%dma_wait3A] : memref<6672xi32, #tpu.memory_space<vmem>> -> memref<6672xi32, #tpu.memory_space<vmem>>
        %dma_wait3A_103 = arith.constant 0 : i32
        %dma_wait3A_104 = tpu.memref_slice %arg2[%dma_wait3A_103] : memref<100000xi32, #tpu.memory_space<hbm>> -> memref<6672xi32, #tpu.memory_space<hbm>>
        %dma_wait3A_105 = arith.constant 0 : i32
        %dma_wait3A_106 = tpu.memref_slice %arg15[%dma_wait3A_105] : memref<6672xi32, #tpu.memory_space<vmem>> -> memref<6672xi32, #tpu.memory_space<vmem>>
        %dma_wait3A_107 = arith.constant 0 : i32
        %dma_wait3A_108 = tpu.memref_slice %arg2[%dma_wait3A_107] : memref<100000xi32, #tpu.memory_space<hbm>> -> memref<6672xi32, #tpu.memory_space<hbm>>
        tpu.wait_dma2 semaphore(%arg17 : memref<!tpu.dma_semaphore, #tpu.memory_space<semaphore_mem>>) src(%dma_wait3A_108 : memref<6672xi32, #tpu.memory_space<hbm>>) dst(%dma_wait3A_106 : memref<6672xi32, #tpu.memory_space<vmem>>)
        %dma_wait3A_109 = arith.constant 0 : i32
        %dma_wait3A_110 = tpu.memref_slice %arg16[%dma_wait3A_109] : memref<6672xf32, #tpu.memory_space<vmem>> -> memref<6672xf32, #tpu.memory_space<vmem>>
        %dma_wait3A_111 = arith.constant 0 : i32
        %dma_wait3A_112 = tpu.memref_slice %arg3[%dma_wait3A_111] : memref<100000xf32, #tpu.memory_space<hbm>> -> memref<6672xf32, #tpu.memory_space<hbm>>
        %dma_wait3A_113 = arith.constant 0 : i32
        %dma_wait3A_114 = tpu.memref_slice %arg16[%dma_wait3A_113] : memref<6672xf32, #tpu.memory_space<vmem>> -> memref<6672xf32, #tpu.memory_space<vmem>>
        %dma_wait3A_115 = arith.constant 0 : i32
        %dma_wait3A_116 = tpu.memref_slice %arg3[%dma_wait3A_115] : memref<100000xf32, #tpu.memory_space<hbm>> -> memref<6672xf32, #tpu.memory_space<hbm>>
        tpu.wait_dma2 semaphore(%arg18 : memref<!tpu.dma_semaphore, #tpu.memory_space<semaphore_mem>>) src(%dma_wait3A_116 : memref<6672xf32, #tpu.memory_space<hbm>>) dst(%dma_wait3A_114 : memref<6672xf32, #tpu.memory_space<vmem>>)
        %dma_start3A_117 = arith.constant 0 : i32
        %dma_start3A_118 = tpu.memref_slice %arg15[%dma_start3A_117] : memref<6672xi32, #tpu.memory_space<vmem>> -> memref<6672xi32, #tpu.memory_space<vmem>>
        %dma_start3A_119 = arith.constant 0 : i32
        %dma_start3A_120 = tpu.memref_slice %arg5[%dma_start3A_119] : memref<100000xi32, #tpu.memory_space<hbm>> -> memref<6672xi32, #tpu.memory_space<hbm>>
        %dma_start3A_121 = arith.constant 0 : i32
        %dma_start3A_122 = tpu.memref_slice %arg5[%dma_start3A_121] : memref<100000xi32, #tpu.memory_space<hbm>> -> memref<6672xi32, #tpu.memory_space<hbm>>
        %dma_start3A_123 = arith.constant 0 : i32
        %dma_start3A_124 = tpu.memref_slice %arg15[%dma_start3A_123] : memref<6672xi32, #tpu.memory_space<vmem>> -> memref<6672xi32, #tpu.memory_space<vmem>>
        tpu.enqueue_dma source(%dma_start3A_124 : memref<6672xi32, #tpu.memory_space<vmem>>) target(%dma_start3A_122 : memref<6672xi32, #tpu.memory_space<hbm>>) target_semaphore(%arg17 : memref<!tpu.dma_semaphore, #tpu.memory_space<semaphore_mem>>)
        %dma_start3A_125 = arith.constant 0 : i32
        %dma_start3A_126 = tpu.memref_slice %arg16[%dma_start3A_125] : memref<6672xf32, #tpu.memory_space<vmem>> -> memref<6672xf32, #tpu.memory_space<vmem>>
        %dma_start3A_127 = arith.constant 0 : i32
        %dma_start3A_128 = tpu.memref_slice %arg6[%dma_start3A_127] : memref<100000xf32, #tpu.memory_space<hbm>> -> memref<6672xf32, #tpu.memory_space<hbm>>
        %dma_start3A_129 = arith.constant 0 : i32
        %dma_start3A_130 = tpu.memref_slice %arg6[%dma_start3A_129] : memref<100000xf32, #tpu.memory_space<hbm>> -> memref<6672xf32, #tpu.memory_space<hbm>>
        %dma_start3A_131 = arith.constant 0 : i32
        %dma_start3A_132 = tpu.memref_slice %arg16[%dma_start3A_131] : memref<6672xf32, #tpu.memory_space<vmem>> -> memref<6672xf32, #tpu.memory_space<vmem>>
        tpu.enqueue_dma source(%dma_start3A_132 : memref<6672xf32, #tpu.memory_space<vmem>>) target(%dma_start3A_130 : memref<6672xf32, #tpu.memory_space<hbm>>) target_semaphore(%arg18 : memref<!tpu.dma_semaphore, #tpu.memory_space<semaphore_mem>>)
        %dma_wait3A_133 = arith.constant 0 : i32
        %dma_wait3A_134 = tpu.memref_slice %arg15[%dma_wait3A_133] : memref<6672xi32, #tpu.memory_space<vmem>> -> memref<6672xi32, #tpu.memory_space<vmem>>
        %dma_wait3A_135 = arith.constant 0 : i32
        %dma_wait3A_136 = tpu.memref_slice %arg5[%dma_wait3A_135] : memref<100000xi32, #tpu.memory_space<hbm>> -> memref<6672xi32, #tpu.memory_space<hbm>>
        %dma_wait3A_137 = arith.constant 0 : i32
        %dma_wait3A_138 = tpu.memref_slice %arg5[%dma_wait3A_137] : memref<100000xi32, #tpu.memory_space<hbm>> -> memref<6672xi32, #tpu.memory_space<hbm>>
        %dma_wait3A_139 = arith.constant 0 : i32
        %dma_wait3A_140 = tpu.memref_slice %arg15[%dma_wait3A_139] : memref<6672xi32, #tpu.memory_space<vmem>> -> memref<6672xi32, #tpu.memory_space<vmem>>
        tpu.wait_dma2 semaphore(%arg17 : memref<!tpu.dma_semaphore, #tpu.memory_space<semaphore_mem>>) src(%dma_wait3A_140 : memref<6672xi32, #tpu.memory_space<vmem>>) dst(%dma_wait3A_138 : memref<6672xi32, #tpu.memory_space<hbm>>)
        %dma_wait3A_141 = arith.constant 0 : i32
        %dma_wait3A_142 = tpu.memref_slice %arg16[%dma_wait3A_141] : memref<6672xf32, #tpu.memory_space<vmem>> -> memref<6672xf32, #tpu.memory_space<vmem>>
        %dma_wait3A_143 = arith.constant 0 : i32
        %dma_wait3A_144 = tpu.memref_slice %arg6[%dma_wait3A_143] : memref<100000xf32, #tpu.memory_space<hbm>> -> memref<6672xf32, #tpu.memory_space<hbm>>
        %dma_wait3A_145 = arith.constant 0 : i32
        %dma_wait3A_146 = tpu.memref_slice %arg6[%dma_wait3A_145] : memref<100000xf32, #tpu.memory_space<hbm>> -> memref<6672xf32, #tpu.memory_space<hbm>>
        %dma_wait3A_147 = arith.constant 0 : i32
        %dma_wait3A_148 = tpu.memref_slice %arg16[%dma_wait3A_147] : memref<6672xf32, #tpu.memory_space<vmem>> -> memref<6672xf32, #tpu.memory_space<vmem>>
        tpu.wait_dma2 semaphore(%arg18 : memref<!tpu.dma_semaphore, #tpu.memory_space<semaphore_mem>>) src(%dma_wait3A_148 : memref<6672xf32, #tpu.memory_space<vmem>>) dst(%dma_wait3A_146 : memref<6672xf32, #tpu.memory_space<hbm>>)
      } else {
      }
      %eq3A_7 = arith.constant 2 : i32
      %eq3A_8 = arith.cmpi eq, %arg1, %eq3A_7 : i32
      %convert_element_type3A_9 = arith.extui %eq3A_8 : i1 to i32
      %cond3A_10 = arith.constant 0 : i32
      %cond3A_11 = arith.cmpi ne, %convert_element_type3A_9, %cond3A_10 : i32
      scf.if %cond3A_11 {
        %dma_start3A = arith.constant 0 : i32
        %dma_start3A_87 = tpu.memref_slice %arg15[%dma_start3A] : memref<6672xi32, #tpu.memory_space<vmem>> -> memref<6672xi32, #tpu.memory_space<vmem>>
        %dma_start3A_88 = arith.constant 6672 : i32
        %dma_start3A_89 = tpu.memref_slice %arg2[%dma_start3A_88] : memref<100000xi32, #tpu.memory_space<hbm>> -> memref<6672xi32, #tpu.memory_space<hbm>>
        %dma_start3A_90 = arith.constant 0 : i32
        %dma_start3A_91 = tpu.memref_slice %arg15[%dma_start3A_90] : memref<6672xi32, #tpu.memory_space<vmem>> -> memref<6672xi32, #tpu.memory_space<vmem>>
        %dma_start3A_92 = arith.constant 6672 : i32
        %dma_start3A_93 = tpu.memref_slice %arg2[%dma_start3A_92] : memref<100000xi32, #tpu.memory_space<hbm>> -> memref<6672xi32, #tpu.memory_space<hbm>>
        tpu.enqueue_dma source(%dma_start3A_93 : memref<6672xi32, #tpu.memory_space<hbm>>) target(%dma_start3A_91 : memref<6672xi32, #tpu.memory_space<vmem>>) target_semaphore(%arg17 : memref<!tpu.dma_semaphore, #tpu.memory_space<semaphore_mem>>)
        %dma_start3A_94 = arith.constant 0 : i32
        %dma_start3A_95 = tpu.memref_slice %arg16[%dma_start3A_94] : memref<6672xf32, #tpu.memory_space<vmem>> -> memref<6672xf32, #tpu.memory_space<vmem>>
        %dma_start3A_96 = arith.constant 6672 : i32
        %dma_start3A_97 = tpu.memref_slice %arg3[%dma_start3A_96] : memref<100000xf32, #tpu.memory_space<hbm>> -> memref<6672xf32, #tpu.memory_space<hbm>>
        %dma_start3A_98 = arith.constant 0 : i32
        %dma_start3A_99 = tpu.memref_slice %arg16[%dma_start3A_98] : memref<6672xf32, #tpu.memory_space<vmem>> -> memref<6672xf32, #tpu.memory_space<vmem>>
        %dma_start3A_100 = arith.constant 6672 : i32
        %dma_start3A_101 = tpu.memref_slice %arg3[%dma_start3A_100] : memref<100000xf32, #tpu.memory_space<hbm>> -> memref<6672xf32, #tpu.memory_space<hbm>>
        tpu.enqueue_dma source(%dma_start3A_101 : memref<6672xf32, #tpu.memory_space<hbm>>) target(%dma_start3A_99 : memref<6672xf32, #tpu.memory_space<vmem>>) target_semaphore(%arg18 : memref<!tpu.dma_semaphore, #tpu.memory_space<semaphore_mem>>)
        %dma_wait3A = arith.constant 0 : i32
        %dma_wait3A_102 = tpu.memref_slice %arg15[%dma_wait3A] : memref<6672xi32, #tpu.memory_space<vmem>> -> memref<6672xi32, #tpu.memory_space<vmem>>
        %dma_wait3A_103 = arith.constant 6672 : i32
        %dma_wait3A_104 = tpu.memref_slice %arg2[%dma_wait3A_103] : memref<100000xi32, #tpu.memory_space<hbm>> -> memref<6672xi32, #tpu.memory_space<hbm>>
        %dma_wait3A_105 = arith.constant 0 : i32
        %dma_wait3A_106 = tpu.memref_slice %arg15[%dma_wait3A_105] : memref<6672xi32, #tpu.memory_space<vmem>> -> memref<6672xi32, #tpu.memory_space<vmem>>
        %dma_wait3A_107 = arith.constant 6672 : i32
        %dma_wait3A_108 = tpu.memref_slice %arg2[%dma_wait3A_107] : memref<100000xi32, #tpu.memory_space<hbm>> -> memref<6672xi32, #tpu.memory_space<hbm>>
        tpu.wait_dma2 semaphore(%arg17 : memref<!tpu.dma_semaphore, #tpu.memory_space<semaphore_mem>>) src(%dma_wait3A_108 : memref<6672xi32, #tpu.memory_space<hbm>>) dst(%dma_wait3A_106 : memref<6672xi32, #tpu.memory_space<vmem>>)
        %dma_wait3A_109 = arith.constant 0 : i32
        %dma_wait3A_110 = tpu.memref_slice %arg16[%dma_wait3A_109] : memref<6672xf32, #tpu.memory_space<vmem>> -> memref<6672xf32, #tpu.memory_space<vmem>>
        %dma_wait3A_111 = arith.constant 6672 : i32
        %dma_wait3A_112 = tpu.memref_slice %arg3[%dma_wait3A_111] : memref<100000xf32, #tpu.memory_space<hbm>> -> memref<6672xf32, #tpu.memory_space<hbm>>
        %dma_wait3A_113 = arith.constant 0 : i32
        %dma_wait3A_114 = tpu.memref_slice %arg16[%dma_wait3A_113] : memref<6672xf32, #tpu.memory_space<vmem>> -> memref<6672xf32, #tpu.memory_space<vmem>>
        %dma_wait3A_115 = arith.constant 6672 : i32
        %dma_wait3A_116 = tpu.memref_slice %arg3[%dma_wait3A_115] : memref<100000xf32, #tpu.memory_space<hbm>> -> memref<6672xf32, #tpu.memory_space<hbm>>
        tpu.wait_dma2 semaphore(%arg18 : memref<!tpu.dma_semaphore, #tpu.memory_space<semaphore_mem>>) src(%dma_wait3A_116 : memref<6672xf32, #tpu.memory_space<hbm>>) dst(%dma_wait3A_114 : memref<6672xf32, #tpu.memory_space<vmem>>)
        %dma_start3A_117 = arith.constant 0 : i32
        %dma_start3A_118 = tpu.memref_slice %arg15[%dma_start3A_117] : memref<6672xi32, #tpu.memory_space<vmem>> -> memref<6672xi32, #tpu.memory_space<vmem>>
        %dma_start3A_119 = arith.constant 6672 : i32
        %dma_start3A_120 = tpu.memref_slice %arg5[%dma_start3A_119] : memref<100000xi32, #tpu.memory_space<hbm>> -> memref<6672xi32, #tpu.memory_space<hbm>>
        %dma_start3A_121 = arith.constant 6672 : i32
        %dma_start3A_122 = tpu.memref_slice %arg5[%dma_start3A_121] : memref<100000xi32, #tpu.memory_space<hbm>> -> memref<6672xi32, #tpu.memory_space<hbm>>
        %dma_start3A_123 = arith.constant 0 : i32
        %dma_start3A_124 = tpu.memref_slice %arg15[%dma_start3A_123] : memref<6672xi32, #tpu.memory_space<vmem>> -> memref<6672xi32, #tpu.memory_space<vmem>>
        tpu.enqueue_dma source(%dma_start3A_124 : memref<6672xi32, #tpu.memory_space<vmem>>) target(%dma_start3A_122 : memref<6672xi32, #tpu.memory_space<hbm>>) target_semaphore(%arg17 : memref<!tpu.dma_semaphore, #tpu.memory_space<semaphore_mem>>)
        %dma_start3A_125 = arith.constant 0 : i32
        %dma_start3A_126 = tpu.memref_slice %arg16[%dma_start3A_125] : memref<6672xf32, #tpu.memory_space<vmem>> -> memref<6672xf32, #tpu.memory_space<vmem>>
        %dma_start3A_127 = arith.constant 6672 : i32
        %dma_start3A_128 = tpu.memref_slice %arg6[%dma_start3A_127] : memref<100000xf32, #tpu.memory_space<hbm>> -> memref<6672xf32, #tpu.memory_space<hbm>>
        %dma_start3A_129 = arith.constant 6672 : i32
        %dma_start3A_130 = tpu.memref_slice %arg6[%dma_start3A_129] : memref<100000xf32, #tpu.memory_space<hbm>> -> memref<6672xf32, #tpu.memory_space<hbm>>
        %dma_start3A_131 = arith.constant 0 : i32
        %dma_start3A_132 = tpu.memref_slice %arg16[%dma_start3A_131] : memref<6672xf32, #tpu.memory_space<vmem>> -> memref<6672xf32, #tpu.memory_space<vmem>>
        tpu.enqueue_dma source(%dma_start3A_132 : memref<6672xf32, #tpu.memory_space<vmem>>) target(%dma_start3A_130 : memref<6672xf32, #tpu.memory_space<hbm>>) target_semaphore(%arg18 : memref<!tpu.dma_semaphore, #tpu.memory_space<semaphore_mem>>)
        %dma_wait3A_133 = arith.constant 0 : i32
        %dma_wait3A_134 = tpu.memref_slice %arg15[%dma_wait3A_133] : memref<6672xi32, #tpu.memory_space<vmem>> -> memref<6672xi32, #tpu.memory_space<vmem>>
        %dma_wait3A_135 = arith.constant 6672 : i32
        %dma_wait3A_136 = tpu.memref_slice %arg5[%dma_wait3A_135] : memref<100000xi32, #tpu.memory_space<hbm>> -> memref<6672xi32, #tpu.memory_space<hbm>>
        %dma_wait3A_137 = arith.constant 6672 : i32
        %dma_wait3A_138 = tpu.memref_slice %arg5[%dma_wait3A_137] : memref<100000xi32, #tpu.memory_space<hbm>> -> memref<6672xi32, #tpu.memory_space<hbm>>
        %dma_wait3A_139 = arith.constant 0 : i32
        %dma_wait3A_140 = tpu.memref_slice %arg15[%dma_wait3A_139] : memref<6672xi32, #tpu.memory_space<vmem>> -> memref<6672xi32, #tpu.memory_space<vmem>>
        tpu.wait_dma2 semaphore(%arg17 : memref<!tpu.dma_semaphore, #tpu.memory_space<semaphore_mem>>) src(%dma_wait3A_140 : memref<6672xi32, #tpu.memory_space<vmem>>) dst(%dma_wait3A_138 : memref<6672xi32, #tpu.memory_space<hbm>>)
        %dma_wait3A_141 = arith.constant 0 : i32
        %dma_wait3A_142 = tpu.memref_slice %arg16[%dma_wait3A_141] : memref<6672xf32, #tpu.memory_space<vmem>> -> memref<6672xf32, #tpu.memory_space<vmem>>
        %dma_wait3A_143 = arith.constant 6672 : i32
        %dma_wait3A_144 = tpu.memref_slice %arg6[%dma_wait3A_143] : memref<100000xf32, #tpu.memory_space<hbm>> -> memref<6672xf32, #tpu.memory_space<hbm>>
        %dma_wait3A_145 = arith.constant 6672 : i32
        %dma_wait3A_146 = tpu.memref_slice %arg6[%dma_wait3A_145] : memref<100000xf32, #tpu.memory_space<hbm>> -> memref<6672xf32, #tpu.memory_space<hbm>>
        %dma_wait3A_147 = arith.constant 0 : i32
        %dma_wait3A_148 = tpu.memref_slice %arg16[%dma_wait3A_147] : memref<6672xf32, #tpu.memory_space<vmem>> -> memref<6672xf32, #tpu.memory_space<vmem>>
        tpu.wait_dma2 semaphore(%arg18 : memref<!tpu.dma_semaphore, #tpu.memory_space<semaphore_mem>>) src(%dma_wait3A_148 : memref<6672xf32, #tpu.memory_space<vmem>>) dst(%dma_wait3A_146 : memref<6672xf32, #tpu.memory_space<hbm>>)
      } else {
      }
      %eq3A_12 = arith.constant 3 : i32
      %eq3A_13 = arith.cmpi eq, %arg1, %eq3A_12 : i32
      %convert_element_type3A_14 = arith.extui %eq3A_13 : i1 to i32
      %cond3A_15 = arith.constant 0 : i32
      %cond3A_16 = arith.cmpi ne, %convert_element_type3A_14, %cond3A_15 : i32
      scf.if %cond3A_16 {
        %dma_start3A = arith.constant 0 : i32
        %dma_start3A_87 = tpu.memref_slice %arg15[%dma_start3A] : memref<6672xi32, #tpu.memory_space<vmem>> -> memref<6672xi32, #tpu.memory_space<vmem>>
        %dma_start3A_88 = arith.constant 13344 : i32
        %dma_start3A_89 = tpu.memref_slice %arg2[%dma_start3A_88] : memref<100000xi32, #tpu.memory_space<hbm>> -> memref<6672xi32, #tpu.memory_space<hbm>>
        %dma_start3A_90 = arith.constant 0 : i32
        %dma_start3A_91 = tpu.memref_slice %arg15[%dma_start3A_90] : memref<6672xi32, #tpu.memory_space<vmem>> -> memref<6672xi32, #tpu.memory_space<vmem>>
        %dma_start3A_92 = arith.constant 13344 : i32
        %dma_start3A_93 = tpu.memref_slice %arg2[%dma_start3A_92] : memref<100000xi32, #tpu.memory_space<hbm>> -> memref<6672xi32, #tpu.memory_space<hbm>>
        tpu.enqueue_dma source(%dma_start3A_93 : memref<6672xi32, #tpu.memory_space<hbm>>) target(%dma_start3A_91 : memref<6672xi32, #tpu.memory_space<vmem>>) target_semaphore(%arg17 : memref<!tpu.dma_semaphore, #tpu.memory_space<semaphore_mem>>)
        %dma_start3A_94 = arith.constant 0 : i32
        %dma_start3A_95 = tpu.memref_slice %arg16[%dma_start3A_94] : memref<6672xf32, #tpu.memory_space<vmem>> -> memref<6672xf32, #tpu.memory_space<vmem>>
        %dma_start3A_96 = arith.constant 13344 : i32
        %dma_start3A_97 = tpu.memref_slice %arg3[%dma_start3A_96] : memref<100000xf32, #tpu.memory_space<hbm>> -> memref<6672xf32, #tpu.memory_space<hbm>>
        %dma_start3A_98 = arith.constant 0 : i32
        %dma_start3A_99 = tpu.memref_slice %arg16[%dma_start3A_98] : memref<6672xf32, #tpu.memory_space<vmem>> -> memref<6672xf32, #tpu.memory_space<vmem>>
        %dma_start3A_100 = arith.constant 13344 : i32
        %dma_start3A_101 = tpu.memref_slice %arg3[%dma_start3A_100] : memref<100000xf32, #tpu.memory_space<hbm>> -> memref<6672xf32, #tpu.memory_space<hbm>>
        tpu.enqueue_dma source(%dma_start3A_101 : memref<6672xf32, #tpu.memory_space<hbm>>) target(%dma_start3A_99 : memref<6672xf32, #tpu.memory_space<vmem>>) target_semaphore(%arg18 : memref<!tpu.dma_semaphore, #tpu.memory_space<semaphore_mem>>)
        %dma_wait3A = arith.constant 0 : i32
        %dma_wait3A_102 = tpu.memref_slice %arg15[%dma_wait3A] : memref<6672xi32, #tpu.memory_space<vmem>> -> memref<6672xi32, #tpu.memory_space<vmem>>
        %dma_wait3A_103 = arith.constant 13344 : i32
        %dma_wait3A_104 = tpu.memref_slice %arg2[%dma_wait3A_103] : memref<100000xi32, #tpu.memory_space<hbm>> -> memref<6672xi32, #tpu.memory_space<hbm>>
        %dma_wait3A_105 = arith.constant 0 : i32
        %dma_wait3A_106 = tpu.memref_slice %arg15[%dma_wait3A_105] : memref<6672xi32, #tpu.memory_space<vmem>> -> memref<6672xi32, #tpu.memory_space<vmem>>
        %dma_wait3A_107 = arith.constant 13344 : i32
        %dma_wait3A_108 = tpu.memref_slice %arg2[%dma_wait3A_107] : memref<100000xi32, #tpu.memory_space<hbm>> -> memref<6672xi32, #tpu.memory_space<hbm>>
        tpu.wait_dma2 semaphore(%arg17 : memref<!tpu.dma_semaphore, #tpu.memory_space<semaphore_mem>>) src(%dma_wait3A_108 : memref<6672xi32, #tpu.memory_space<hbm>>) dst(%dma_wait3A_106 : memref<6672xi32, #tpu.memory_space<vmem>>)
        %dma_wait3A_109 = arith.constant 0 : i32
        %dma_wait3A_110 = tpu.memref_slice %arg16[%dma_wait3A_109] : memref<6672xf32, #tpu.memory_space<vmem>> -> memref<6672xf32, #tpu.memory_space<vmem>>
        %dma_wait3A_111 = arith.constant 13344 : i32
        %dma_wait3A_112 = tpu.memref_slice %arg3[%dma_wait3A_111] : memref<100000xf32, #tpu.memory_space<hbm>> -> memref<6672xf32, #tpu.memory_space<hbm>>
        %dma_wait3A_113 = arith.constant 0 : i32
        %dma_wait3A_114 = tpu.memref_slice %arg16[%dma_wait3A_113] : memref<6672xf32, #tpu.memory_space<vmem>> -> memref<6672xf32, #tpu.memory_space<vmem>>
        %dma_wait3A_115 = arith.constant 13344 : i32
        %dma_wait3A_116 = tpu.memref_slice %arg3[%dma_wait3A_115] : memref<100000xf32, #tpu.memory_space<hbm>> -> memref<6672xf32, #tpu.memory_space<hbm>>
        tpu.wait_dma2 semaphore(%arg18 : memref<!tpu.dma_semaphore, #tpu.memory_space<semaphore_mem>>) src(%dma_wait3A_116 : memref<6672xf32, #tpu.memory_space<hbm>>) dst(%dma_wait3A_114 : memref<6672xf32, #tpu.memory_space<vmem>>)
        %dma_start3A_117 = arith.constant 0 : i32
        %dma_start3A_118 = tpu.memref_slice %arg15[%dma_start3A_117] : memref<6672xi32, #tpu.memory_space<vmem>> -> memref<6672xi32, #tpu.memory_space<vmem>>
        %dma_start3A_119 = arith.constant 13344 : i32
        %dma_start3A_120 = tpu.memref_slice %arg5[%dma_start3A_119] : memref<100000xi32, #tpu.memory_space<hbm>> -> memref<6672xi32, #tpu.memory_space<hbm>>
        %dma_start3A_121 = arith.constant 13344 : i32
        %dma_start3A_122 = tpu.memref_slice %arg5[%dma_start3A_121] : memref<100000xi32, #tpu.memory_space<hbm>> -> memref<6672xi32, #tpu.memory_space<hbm>>
        %dma_start3A_123 = arith.constant 0 : i32
        %dma_start3A_124 = tpu.memref_slice %arg15[%dma_start3A_123] : memref<6672xi32, #tpu.memory_space<vmem>> -> memref<6672xi32, #tpu.memory_space<vmem>>
        tpu.enqueue_dma source(%dma_start3A_124 : memref<6672xi32, #tpu.memory_space<vmem>>) target(%dma_start3A_122 : memref<6672xi32, #tpu.memory_space<hbm>>) target_semaphore(%arg17 : memref<!tpu.dma_semaphore, #tpu.memory_space<semaphore_mem>>)
        %dma_start3A_125 = arith.constant 0 : i32
        %dma_start3A_126 = tpu.memref_slice %arg16[%dma_start3A_125] : memref<6672xf32, #tpu.memory_space<vmem>> -> memref<6672xf32, #tpu.memory_space<vmem>>
        %dma_start3A_127 = arith.constant 13344 : i32
        %dma_start3A_128 = tpu.memref_slice %arg6[%dma_start3A_127] : memref<100000xf32, #tpu.memory_space<hbm>> -> memref<6672xf32, #tpu.memory_space<hbm>>
        %dma_start3A_129 = arith.constant 13344 : i32
        %dma_start3A_130 = tpu.memref_slice %arg6[%dma_start3A_129] : memref<100000xf32, #tpu.memory_space<hbm>> -> memref<6672xf32, #tpu.memory_space<hbm>>
        %dma_start3A_131 = arith.constant 0 : i32
        %dma_start3A_132 = tpu.memref_slice %arg16[%dma_start3A_131] : memref<6672xf32, #tpu.memory_space<vmem>> -> memref<6672xf32, #tpu.memory_space<vmem>>
        tpu.enqueue_dma source(%dma_start3A_132 : memref<6672xf32, #tpu.memory_space<vmem>>) target(%dma_start3A_130 : memref<6672xf32, #tpu.memory_space<hbm>>) target_semaphore(%arg18 : memref<!tpu.dma_semaphore, #tpu.memory_space<semaphore_mem>>)
        %dma_wait3A_133 = arith.constant 0 : i32
        %dma_wait3A_134 = tpu.memref_slice %arg15[%dma_wait3A_133] : memref<6672xi32, #tpu.memory_space<vmem>> -> memref<6672xi32, #tpu.memory_space<vmem>>
        %dma_wait3A_135 = arith.constant 13344 : i32
        %dma_wait3A_136 = tpu.memref_slice %arg5[%dma_wait3A_135] : memref<100000xi32, #tpu.memory_space<hbm>> -> memref<6672xi32, #tpu.memory_space<hbm>>
        %dma_wait3A_137 = arith.constant 13344 : i32
        %dma_wait3A_138 = tpu.memref_slice %arg5[%dma_wait3A_137] : memref<100000xi32, #tpu.memory_space<hbm>> -> memref<6672xi32, #tpu.memory_space<hbm>>
        %dma_wait3A_139 = arith.constant 0 : i32
        %dma_wait3A_140 = tpu.memref_slice %arg15[%dma_wait3A_139] : memref<6672xi32, #tpu.memory_space<vmem>> -> memref<6672xi32, #tpu.memory_space<vmem>>
        tpu.wait_dma2 semaphore(%arg17 : memref<!tpu.dma_semaphore, #tpu.memory_space<semaphore_mem>>) src(%dma_wait3A_140 : memref<6672xi32, #tpu.memory_space<vmem>>) dst(%dma_wait3A_138 : memref<6672xi32, #tpu.memory_space<hbm>>)
        %dma_wait3A_141 = arith.constant 0 : i32
        %dma_wait3A_142 = tpu.memref_slice %arg16[%dma_wait3A_141] : memref<6672xf32, #tpu.memory_space<vmem>> -> memref<6672xf32, #tpu.memory_space<vmem>>
        %dma_wait3A_143 = arith.constant 13344 : i32
        %dma_wait3A_144 = tpu.memref_slice %arg6[%dma_wait3A_143] : memref<100000xf32, #tpu.memory_space<hbm>> -> memref<6672xf32, #tpu.memory_space<hbm>>
        %dma_wait3A_145 = arith.constant 13344 : i32
        %dma_wait3A_146 = tpu.memref_slice %arg6[%dma_wait3A_145] : memref<100000xf32, #tpu.memory_space<hbm>> -> memref<6672xf32, #tpu.memory_space<hbm>>
        %dma_wait3A_147 = arith.constant 0 : i32
        %dma_wait3A_148 = tpu.memref_slice %arg16[%dma_wait3A_147] : memref<6672xf32, #tpu.memory_space<vmem>> -> memref<6672xf32, #tpu.memory_space<vmem>>
        tpu.wait_dma2 semaphore(%arg18 : memref<!tpu.dma_semaphore, #tpu.memory_space<semaphore_mem>>) src(%dma_wait3A_148 : memref<6672xf32, #tpu.memory_space<vmem>>) dst(%dma_wait3A_146 : memref<6672xf32, #tpu.memory_space<hbm>>)
      } else {
      }
      %eq3A_17 = arith.constant 4 : i32
      %eq3A_18 = arith.cmpi eq, %arg1, %eq3A_17 : i32
      %convert_element_type3A_19 = arith.extui %eq3A_18 : i1 to i32
      %cond3A_20 = arith.constant 0 : i32
      %cond3A_21 = arith.cmpi ne, %convert_element_type3A_19, %cond3A_20 : i32
      scf.if %cond3A_21 {
        %dma_start3A = arith.constant 0 : i32
        %dma_start3A_87 = tpu.memref_slice %arg15[%dma_start3A] : memref<6672xi32, #tpu.memory_space<vmem>> -> memref<6672xi32, #tpu.memory_space<vmem>>
        %dma_start3A_88 = arith.constant 20016 : i32
        %dma_start3A_89 = tpu.memref_slice %arg2[%dma_start3A_88] : memref<100000xi32, #tpu.memory_space<hbm>> -> memref<6672xi32, #tpu.memory_space<hbm>>
        %dma_start3A_90 = arith.constant 0 : i32
        %dma_start3A_91 = tpu.memref_slice %arg15[%dma_start3A_90] : memref<6672xi32, #tpu.memory_space<vmem>> -> memref<6672xi32, #tpu.memory_space<vmem>>
        %dma_start3A_92 = arith.constant 20016 : i32
        %dma_start3A_93 = tpu.memref_slice %arg2[%dma_start3A_92] : memref<100000xi32, #tpu.memory_space<hbm>> -> memref<6672xi32, #tpu.memory_space<hbm>>
        tpu.enqueue_dma source(%dma_start3A_93 : memref<6672xi32, #tpu.memory_space<hbm>>) target(%dma_start3A_91 : memref<6672xi32, #tpu.memory_space<vmem>>) target_semaphore(%arg17 : memref<!tpu.dma_semaphore, #tpu.memory_space<semaphore_mem>>)
        %dma_start3A_94 = arith.constant 0 : i32
        %dma_start3A_95 = tpu.memref_slice %arg16[%dma_start3A_94] : memref<6672xf32, #tpu.memory_space<vmem>> -> memref<6672xf32, #tpu.memory_space<vmem>>
        %dma_start3A_96 = arith.constant 20016 : i32
        %dma_start3A_97 = tpu.memref_slice %arg3[%dma_start3A_96] : memref<100000xf32, #tpu.memory_space<hbm>> -> memref<6672xf32, #tpu.memory_space<hbm>>
        %dma_start3A_98 = arith.constant 0 : i32
        %dma_start3A_99 = tpu.memref_slice %arg16[%dma_start3A_98] : memref<6672xf32, #tpu.memory_space<vmem>> -> memref<6672xf32, #tpu.memory_space<vmem>>
        %dma_start3A_100 = arith.constant 20016 : i32
        %dma_start3A_101 = tpu.memref_slice %arg3[%dma_start3A_100] : memref<100000xf32, #tpu.memory_space<hbm>> -> memref<6672xf32, #tpu.memory_space<hbm>>
        tpu.enqueue_dma source(%dma_start3A_101 : memref<6672xf32, #tpu.memory_space<hbm>>) target(%dma_start3A_99 : memref<6672xf32, #tpu.memory_space<vmem>>) target_semaphore(%arg18 : memref<!tpu.dma_semaphore, #tpu.memory_space<semaphore_mem>>)
        %dma_wait3A = arith.constant 0 : i32
        %dma_wait3A_102 = tpu.memref_slice %arg15[%dma_wait3A] : memref<6672xi32, #tpu.memory_space<vmem>> -> memref<6672xi32, #tpu.memory_space<vmem>>
        %dma_wait3A_103 = arith.constant 20016 : i32
        %dma_wait3A_104 = tpu.memref_slice %arg2[%dma_wait3A_103] : memref<100000xi32, #tpu.memory_space<hbm>> -> memref<6672xi32, #tpu.memory_space<hbm>>
        %dma_wait3A_105 = arith.constant 0 : i32
        %dma_wait3A_106 = tpu.memref_slice %arg15[%dma_wait3A_105] : memref<6672xi32, #tpu.memory_space<vmem>> -> memref<6672xi32, #tpu.memory_space<vmem>>
        %dma_wait3A_107 = arith.constant 20016 : i32
        %dma_wait3A_108 = tpu.memref_slice %arg2[%dma_wait3A_107] : memref<100000xi32, #tpu.memory_space<hbm>> -> memref<6672xi32, #tpu.memory_space<hbm>>
        tpu.wait_dma2 semaphore(%arg17 : memref<!tpu.dma_semaphore, #tpu.memory_space<semaphore_mem>>) src(%dma_wait3A_108 : memref<6672xi32, #tpu.memory_space<hbm>>) dst(%dma_wait3A_106 : memref<6672xi32, #tpu.memory_space<vmem>>)
        %dma_wait3A_109 = arith.constant 0 : i32
        %dma_wait3A_110 = tpu.memref_slice %arg16[%dma_wait3A_109] : memref<6672xf32, #tpu.memory_space<vmem>> -> memref<6672xf32, #tpu.memory_space<vmem>>
        %dma_wait3A_111 = arith.constant 20016 : i32
        %dma_wait3A_112 = tpu.memref_slice %arg3[%dma_wait3A_111] : memref<100000xf32, #tpu.memory_space<hbm>> -> memref<6672xf32, #tpu.memory_space<hbm>>
        %dma_wait3A_113 = arith.constant 0 : i32
        %dma_wait3A_114 = tpu.memref_slice %arg16[%dma_wait3A_113] : memref<6672xf32, #tpu.memory_space<vmem>> -> memref<6672xf32, #tpu.memory_space<vmem>>
        %dma_wait3A_115 = arith.constant 20016 : i32
        %dma_wait3A_116 = tpu.memref_slice %arg3[%dma_wait3A_115] : memref<100000xf32, #tpu.memory_space<hbm>> -> memref<6672xf32, #tpu.memory_space<hbm>>
        tpu.wait_dma2 semaphore(%arg18 : memref<!tpu.dma_semaphore, #tpu.memory_space<semaphore_mem>>) src(%dma_wait3A_116 : memref<6672xf32, #tpu.memory_space<hbm>>) dst(%dma_wait3A_114 : memref<6672xf32, #tpu.memory_space<vmem>>)
        %dma_start3A_117 = arith.constant 0 : i32
        %dma_start3A_118 = tpu.memref_slice %arg15[%dma_start3A_117] : memref<6672xi32, #tpu.memory_space<vmem>> -> memref<6672xi32, #tpu.memory_space<vmem>>
        %dma_start3A_119 = arith.constant 20016 : i32
        %dma_start3A_120 = tpu.memref_slice %arg5[%dma_start3A_119] : memref<100000xi32, #tpu.memory_space<hbm>> -> memref<6672xi32, #tpu.memory_space<hbm>>
        %dma_start3A_121 = arith.constant 20016 : i32
        %dma_start3A_122 = tpu.memref_slice %arg5[%dma_start3A_121] : memref<100000xi32, #tpu.memory_space<hbm>> -> memref<6672xi32, #tpu.memory_space<hbm>>
        %dma_start3A_123 = arith.constant 0 : i32
        %dma_start3A_124 = tpu.memref_slice %arg15[%dma_start3A_123] : memref<6672xi32, #tpu.memory_space<vmem>> -> memref<6672xi32, #tpu.memory_space<vmem>>
        tpu.enqueue_dma source(%dma_start3A_124 : memref<6672xi32, #tpu.memory_space<vmem>>) target(%dma_start3A_122 : memref<6672xi32, #tpu.memory_space<hbm>>) target_semaphore(%arg17 : memref<!tpu.dma_semaphore, #tpu.memory_space<semaphore_mem>>)
        %dma_start3A_125 = arith.constant 0 : i32
        %dma_start3A_126 = tpu.memref_slice %arg16[%dma_start3A_125] : memref<6672xf32, #tpu.memory_space<vmem>> -> memref<6672xf32, #tpu.memory_space<vmem>>
        %dma_start3A_127 = arith.constant 20016 : i32
        %dma_start3A_128 = tpu.memref_slice %arg6[%dma_start3A_127] : memref<100000xf32, #tpu.memory_space<hbm>> -> memref<6672xf32, #tpu.memory_space<hbm>>
        %dma_start3A_129 = arith.constant 20016 : i32
        %dma_start3A_130 = tpu.memref_slice %arg6[%dma_start3A_129] : memref<100000xf32, #tpu.memory_space<hbm>> -> memref<6672xf32, #tpu.memory_space<hbm>>
        %dma_start3A_131 = arith.constant 0 : i32
        %dma_start3A_132 = tpu.memref_slice %arg16[%dma_start3A_131] : memref<6672xf32, #tpu.memory_space<vmem>> -> memref<6672xf32, #tpu.memory_space<vmem>>
        tpu.enqueue_dma source(%dma_start3A_132 : memref<6672xf32, #tpu.memory_space<vmem>>) target(%dma_start3A_130 : memref<6672xf32, #tpu.memory_space<hbm>>) target_semaphore(%arg18 : memref<!tpu.dma_semaphore, #tpu.memory_space<semaphore_mem>>)
        %dma_wait3A_133 = arith.constant 0 : i32
        %dma_wait3A_134 = tpu.memref_slice %arg15[%dma_wait3A_133] : memref<6672xi32, #tpu.memory_space<vmem>> -> memref<6672xi32, #tpu.memory_space<vmem>>
        %dma_wait3A_135 = arith.constant 20016 : i32
        %dma_wait3A_136 = tpu.memref_slice %arg5[%dma_wait3A_135] : memref<100000xi32, #tpu.memory_space<hbm>> -> memref<6672xi32, #tpu.memory_space<hbm>>
        %dma_wait3A_137 = arith.constant 20016 : i32
        %dma_wait3A_138 = tpu.memref_slice %arg5[%dma_wait3A_137] : memref<100000xi32, #tpu.memory_space<hbm>> -> memref<6672xi32, #tpu.memory_space<hbm>>
        %dma_wait3A_139 = arith.constant 0 : i32
        %dma_wait3A_140 = tpu.memref_slice %arg15[%dma_wait3A_139] : memref<6672xi32, #tpu.memory_space<vmem>> -> memref<6672xi32, #tpu.memory_space<vmem>>
        tpu.wait_dma2 semaphore(%arg17 : memref<!tpu.dma_semaphore, #tpu.memory_space<semaphore_mem>>) src(%dma_wait3A_140 : memref<6672xi32, #tpu.memory_space<vmem>>) dst(%dma_wait3A_138 : memref<6672xi32, #tpu.memory_space<hbm>>)
        %dma_wait3A_141 = arith.constant 0 : i32
        %dma_wait3A_142 = tpu.memref_slice %arg16[%dma_wait3A_141] : memref<6672xf32, #tpu.memory_space<vmem>> -> memref<6672xf32, #tpu.memory_space<vmem>>
        %dma_wait3A_143 = arith.constant 20016 : i32
        %dma_wait3A_144 = tpu.memref_slice %arg6[%dma_wait3A_143] : memref<100000xf32, #tpu.memory_space<hbm>> -> memref<6672xf32, #tpu.memory_space<hbm>>
        %dma_wait3A_145 = arith.constant 20016 : i32
        %dma_wait3A_146 = tpu.memref_slice %arg6[%dma_wait3A_145] : memref<100000xf32, #tpu.memory_space<hbm>> -> memref<6672xf32, #tpu.memory_space<hbm>>
        %dma_wait3A_147 = arith.constant 0 : i32
        %dma_wait3A_148 = tpu.memref_slice %arg16[%dma_wait3A_147] : memref<6672xf32, #tpu.memory_space<vmem>> -> memref<6672xf32, #tpu.memory_space<vmem>>
        tpu.wait_dma2 semaphore(%arg18 : memref<!tpu.dma_semaphore, #tpu.memory_space<semaphore_mem>>) src(%dma_wait3A_148 : memref<6672xf32, #tpu.memory_space<vmem>>) dst(%dma_wait3A_146 : memref<6672xf32, #tpu.memory_space<hbm>>)
      } else {
      }
      %eq3A_22 = arith.constant 5 : i32
      %eq3A_23 = arith.cmpi eq, %arg1, %eq3A_22 : i32
      %convert_element_type3A_24 = arith.extui %eq3A_23 : i1 to i32
      %cond3A_25 = arith.constant 0 : i32
      %cond3A_26 = arith.cmpi ne, %convert_element_type3A_24, %cond3A_25 : i32
      scf.if %cond3A_26 {
        %dma_start3A = arith.constant 0 : i32
        %dma_start3A_87 = tpu.memref_slice %arg15[%dma_start3A] : memref<6672xi32, #tpu.memory_space<vmem>> -> memref<6672xi32, #tpu.memory_space<vmem>>
        %dma_start3A_88 = arith.constant 26688 : i32
        %dma_start3A_89 = tpu.memref_slice %arg2[%dma_start3A_88] : memref<100000xi32, #tpu.memory_space<hbm>> -> memref<6672xi32, #tpu.memory_space<hbm>>
        %dma_start3A_90 = arith.constant 0 : i32
        %dma_start3A_91 = tpu.memref_slice %arg15[%dma_start3A_90] : memref<6672xi32, #tpu.memory_space<vmem>> -> memref<6672xi32, #tpu.memory_space<vmem>>
        %dma_start3A_92 = arith.constant 26688 : i32
        %dma_start3A_93 = tpu.memref_slice %arg2[%dma_start3A_92] : memref<100000xi32, #tpu.memory_space<hbm>> -> memref<6672xi32, #tpu.memory_space<hbm>>
        tpu.enqueue_dma source(%dma_start3A_93 : memref<6672xi32, #tpu.memory_space<hbm>>) target(%dma_start3A_91 : memref<6672xi32, #tpu.memory_space<vmem>>) target_semaphore(%arg17 : memref<!tpu.dma_semaphore, #tpu.memory_space<semaphore_mem>>)
        %dma_start3A_94 = arith.constant 0 : i32
        %dma_start3A_95 = tpu.memref_slice %arg16[%dma_start3A_94] : memref<6672xf32, #tpu.memory_space<vmem>> -> memref<6672xf32, #tpu.memory_space<vmem>>
        %dma_start3A_96 = arith.constant 26688 : i32
        %dma_start3A_97 = tpu.memref_slice %arg3[%dma_start3A_96] : memref<100000xf32, #tpu.memory_space<hbm>> -> memref<6672xf32, #tpu.memory_space<hbm>>
        %dma_start3A_98 = arith.constant 0 : i32
        %dma_start3A_99 = tpu.memref_slice %arg16[%dma_start3A_98] : memref<6672xf32, #tpu.memory_space<vmem>> -> memref<6672xf32, #tpu.memory_space<vmem>>
        %dma_start3A_100 = arith.constant 26688 : i32
        %dma_start3A_101 = tpu.memref_slice %arg3[%dma_start3A_100] : memref<100000xf32, #tpu.memory_space<hbm>> -> memref<6672xf32, #tpu.memory_space<hbm>>
        tpu.enqueue_dma source(%dma_start3A_101 : memref<6672xf32, #tpu.memory_space<hbm>>) target(%dma_start3A_99 : memref<6672xf32, #tpu.memory_space<vmem>>) target_semaphore(%arg18 : memref<!tpu.dma_semaphore, #tpu.memory_space<semaphore_mem>>)
        %dma_wait3A = arith.constant 0 : i32
        %dma_wait3A_102 = tpu.memref_slice %arg15[%dma_wait3A] : memref<6672xi32, #tpu.memory_space<vmem>> -> memref<6672xi32, #tpu.memory_space<vmem>>
        %dma_wait3A_103 = arith.constant 26688 : i32
        %dma_wait3A_104 = tpu.memref_slice %arg2[%dma_wait3A_103] : memref<100000xi32, #tpu.memory_space<hbm>> -> memref<6672xi32, #tpu.memory_space<hbm>>
        %dma_wait3A_105 = arith.constant 0 : i32
        %dma_wait3A_106 = tpu.memref_slice %arg15[%dma_wait3A_105] : memref<6672xi32, #tpu.memory_space<vmem>> -> memref<6672xi32, #tpu.memory_space<vmem>>
        %dma_wait3A_107 = arith.constant 26688 : i32
        %dma_wait3A_108 = tpu.memref_slice %arg2[%dma_wait3A_107] : memref<100000xi32, #tpu.memory_space<hbm>> -> memref<6672xi32, #tpu.memory_space<hbm>>
        tpu.wait_dma2 semaphore(%arg17 : memref<!tpu.dma_semaphore, #tpu.memory_space<semaphore_mem>>) src(%dma_wait3A_108 : memref<6672xi32, #tpu.memory_space<hbm>>) dst(%dma_wait3A_106 : memref<6672xi32, #tpu.memory_space<vmem>>)
        %dma_wait3A_109 = arith.constant 0 : i32
        %dma_wait3A_110 = tpu.memref_slice %arg16[%dma_wait3A_109] : memref<6672xf32, #tpu.memory_space<vmem>> -> memref<6672xf32, #tpu.memory_space<vmem>>
        %dma_wait3A_111 = arith.constant 26688 : i32
        %dma_wait3A_112 = tpu.memref_slice %arg3[%dma_wait3A_111] : memref<100000xf32, #tpu.memory_space<hbm>> -> memref<6672xf32, #tpu.memory_space<hbm>>
        %dma_wait3A_113 = arith.constant 0 : i32
        %dma_wait3A_114 = tpu.memref_slice %arg16[%dma_wait3A_113] : memref<6672xf32, #tpu.memory_space<vmem>> -> memref<6672xf32, #tpu.memory_space<vmem>>
        %dma_wait3A_115 = arith.constant 26688 : i32
        %dma_wait3A_116 = tpu.memref_slice %arg3[%dma_wait3A_115] : memref<100000xf32, #tpu.memory_space<hbm>> -> memref<6672xf32, #tpu.memory_space<hbm>>
        tpu.wait_dma2 semaphore(%arg18 : memref<!tpu.dma_semaphore, #tpu.memory_space<semaphore_mem>>) src(%dma_wait3A_116 : memref<6672xf32, #tpu.memory_space<hbm>>) dst(%dma_wait3A_114 : memref<6672xf32, #tpu.memory_space<vmem>>)
        %dma_start3A_117 = arith.constant 0 : i32
        %dma_start3A_118 = tpu.memref_slice %arg15[%dma_start3A_117] : memref<6672xi32, #tpu.memory_space<vmem>> -> memref<6672xi32, #tpu.memory_space<vmem>>
        %dma_start3A_119 = arith.constant 26688 : i32
        %dma_start3A_120 = tpu.memref_slice %arg5[%dma_start3A_119] : memref<100000xi32, #tpu.memory_space<hbm>> -> memref<6672xi32, #tpu.memory_space<hbm>>
        %dma_start3A_121 = arith.constant 26688 : i32
        %dma_start3A_122 = tpu.memref_slice %arg5[%dma_start3A_121] : memref<100000xi32, #tpu.memory_space<hbm>> -> memref<6672xi32, #tpu.memory_space<hbm>>
        %dma_start3A_123 = arith.constant 0 : i32
        %dma_start3A_124 = tpu.memref_slice %arg15[%dma_start3A_123] : memref<6672xi32, #tpu.memory_space<vmem>> -> memref<6672xi32, #tpu.memory_space<vmem>>
        tpu.enqueue_dma source(%dma_start3A_124 : memref<6672xi32, #tpu.memory_space<vmem>>) target(%dma_start3A_122 : memref<6672xi32, #tpu.memory_space<hbm>>) target_semaphore(%arg17 : memref<!tpu.dma_semaphore, #tpu.memory_space<semaphore_mem>>)
        %dma_start3A_125 = arith.constant 0 : i32
        %dma_start3A_126 = tpu.memref_slice %arg16[%dma_start3A_125] : memref<6672xf32, #tpu.memory_space<vmem>> -> memref<6672xf32, #tpu.memory_space<vmem>>
        %dma_start3A_127 = arith.constant 26688 : i32
        %dma_start3A_128 = tpu.memref_slice %arg6[%dma_start3A_127] : memref<100000xf32, #tpu.memory_space<hbm>> -> memref<6672xf32, #tpu.memory_space<hbm>>
        %dma_start3A_129 = arith.constant 26688 : i32
        %dma_start3A_130 = tpu.memref_slice %arg6[%dma_start3A_129] : memref<100000xf32, #tpu.memory_space<hbm>> -> memref<6672xf32, #tpu.memory_space<hbm>>
        %dma_start3A_131 = arith.constant 0 : i32
        %dma_start3A_132 = tpu.memref_slice %arg16[%dma_start3A_131] : memref<6672xf32, #tpu.memory_space<vmem>> -> memref<6672xf32, #tpu.memory_space<vmem>>
        tpu.enqueue_dma source(%dma_start3A_132 : memref<6672xf32, #tpu.memory_space<vmem>>) target(%dma_start3A_130 : memref<6672xf32, #tpu.memory_space<hbm>>) target_semaphore(%arg18 : memref<!tpu.dma_semaphore, #tpu.memory_space<semaphore_mem>>)
        %dma_wait3A_133 = arith.constant 0 : i32
        %dma_wait3A_134 = tpu.memref_slice %arg15[%dma_wait3A_133] : memref<6672xi32, #tpu.memory_space<vmem>> -> memref<6672xi32, #tpu.memory_space<vmem>>
        %dma_wait3A_135 = arith.constant 26688 : i32
        %dma_wait3A_136 = tpu.memref_slice %arg5[%dma_wait3A_135] : memref<100000xi32, #tpu.memory_space<hbm>> -> memref<6672xi32, #tpu.memory_space<hbm>>
        %dma_wait3A_137 = arith.constant 26688 : i32
        %dma_wait3A_138 = tpu.memref_slice %arg5[%dma_wait3A_137] : memref<100000xi32, #tpu.memory_space<hbm>> -> memref<6672xi32, #tpu.memory_space<hbm>>
        %dma_wait3A_139 = arith.constant 0 : i32
        %dma_wait3A_140 = tpu.memref_slice %arg15[%dma_wait3A_139] : memref<6672xi32, #tpu.memory_space<vmem>> -> memref<6672xi32, #tpu.memory_space<vmem>>
        tpu.wait_dma2 semaphore(%arg17 : memref<!tpu.dma_semaphore, #tpu.memory_space<semaphore_mem>>) src(%dma_wait3A_140 : memref<6672xi32, #tpu.memory_space<vmem>>) dst(%dma_wait3A_138 : memref<6672xi32, #tpu.memory_space<hbm>>)
        %dma_wait3A_141 = arith.constant 0 : i32
        %dma_wait3A_142 = tpu.memref_slice %arg16[%dma_wait3A_141] : memref<6672xf32, #tpu.memory_space<vmem>> -> memref<6672xf32, #tpu.memory_space<vmem>>
        %dma_wait3A_143 = arith.constant 26688 : i32
        %dma_wait3A_144 = tpu.memref_slice %arg6[%dma_wait3A_143] : memref<100000xf32, #tpu.memory_space<hbm>> -> memref<6672xf32, #tpu.memory_space<hbm>>
        %dma_wait3A_145 = arith.constant 26688 : i32
        %dma_wait3A_146 = tpu.memref_slice %arg6[%dma_wait3A_145] : memref<100000xf32, #tpu.memory_space<hbm>> -> memref<6672xf32, #tpu.memory_space<hbm>>
        %dma_wait3A_147 = arith.constant 0 : i32
        %dma_wait3A_148 = tpu.memref_slice %arg16[%dma_wait3A_147] : memref<6672xf32, #tpu.memory_space<vmem>> -> memref<6672xf32, #tpu.memory_space<vmem>>
        tpu.wait_dma2 semaphore(%arg18 : memref<!tpu.dma_semaphore, #tpu.memory_space<semaphore_mem>>) src(%dma_wait3A_148 : memref<6672xf32, #tpu.memory_space<vmem>>) dst(%dma_wait3A_146 : memref<6672xf32, #tpu.memory_space<hbm>>)
      } else {
      }
      %eq3A_27 = arith.constant 6 : i32
      %eq3A_28 = arith.cmpi eq, %arg1, %eq3A_27 : i32
      %convert_element_type3A_29 = arith.extui %eq3A_28 : i1 to i32
      %cond3A_30 = arith.constant 0 : i32
      %cond3A_31 = arith.cmpi ne, %convert_element_type3A_29, %cond3A_30 : i32
      scf.if %cond3A_31 {
        %dma_start3A = arith.constant 0 : i32
        %dma_start3A_87 = tpu.memref_slice %arg15[%dma_start3A] : memref<6672xi32, #tpu.memory_space<vmem>> -> memref<6672xi32, #tpu.memory_space<vmem>>
        %dma_start3A_88 = arith.constant 33360 : i32
        %dma_start3A_89 = tpu.memref_slice %arg2[%dma_start3A_88] : memref<100000xi32, #tpu.memory_space<hbm>> -> memref<6672xi32, #tpu.memory_space<hbm>>
        %dma_start3A_90 = arith.constant 0 : i32
        %dma_start3A_91 = tpu.memref_slice %arg15[%dma_start3A_90] : memref<6672xi32, #tpu.memory_space<vmem>> -> memref<6672xi32, #tpu.memory_space<vmem>>
        %dma_start3A_92 = arith.constant 33360 : i32
        %dma_start3A_93 = tpu.memref_slice %arg2[%dma_start3A_92] : memref<100000xi32, #tpu.memory_space<hbm>> -> memref<6672xi32, #tpu.memory_space<hbm>>
        tpu.enqueue_dma source(%dma_start3A_93 : memref<6672xi32, #tpu.memory_space<hbm>>) target(%dma_start3A_91 : memref<6672xi32, #tpu.memory_space<vmem>>) target_semaphore(%arg17 : memref<!tpu.dma_semaphore, #tpu.memory_space<semaphore_mem>>)
        %dma_start3A_94 = arith.constant 0 : i32
        %dma_start3A_95 = tpu.memref_slice %arg16[%dma_start3A_94] : memref<6672xf32, #tpu.memory_space<vmem>> -> memref<6672xf32, #tpu.memory_space<vmem>>
        %dma_start3A_96 = arith.constant 33360 : i32
        %dma_start3A_97 = tpu.memref_slice %arg3[%dma_start3A_96] : memref<100000xf32, #tpu.memory_space<hbm>> -> memref<6672xf32, #tpu.memory_space<hbm>>
        %dma_start3A_98 = arith.constant 0 : i32
        %dma_start3A_99 = tpu.memref_slice %arg16[%dma_start3A_98] : memref<6672xf32, #tpu.memory_space<vmem>> -> memref<6672xf32, #tpu.memory_space<vmem>>
        %dma_start3A_100 = arith.constant 33360 : i32
        %dma_start3A_101 = tpu.memref_slice %arg3[%dma_start3A_100] : memref<100000xf32, #tpu.memory_space<hbm>> -> memref<6672xf32, #tpu.memory_space<hbm>>
        tpu.enqueue_dma source(%dma_start3A_101 : memref<6672xf32, #tpu.memory_space<hbm>>) target(%dma_start3A_99 : memref<6672xf32, #tpu.memory_space<vmem>>) target_semaphore(%arg18 : memref<!tpu.dma_semaphore, #tpu.memory_space<semaphore_mem>>)
        %dma_wait3A = arith.constant 0 : i32
        %dma_wait3A_102 = tpu.memref_slice %arg15[%dma_wait3A] : memref<6672xi32, #tpu.memory_space<vmem>> -> memref<6672xi32, #tpu.memory_space<vmem>>
        %dma_wait3A_103 = arith.constant 33360 : i32
        %dma_wait3A_104 = tpu.memref_slice %arg2[%dma_wait3A_103] : memref<100000xi32, #tpu.memory_space<hbm>> -> memref<6672xi32, #tpu.memory_space<hbm>>
        %dma_wait3A_105 = arith.constant 0 : i32
        %dma_wait3A_106 = tpu.memref_slice %arg15[%dma_wait3A_105] : memref<6672xi32, #tpu.memory_space<vmem>> -> memref<6672xi32, #tpu.memory_space<vmem>>
        %dma_wait3A_107 = arith.constant 33360 : i32
        %dma_wait3A_108 = tpu.memref_slice %arg2[%dma_wait3A_107] : memref<100000xi32, #tpu.memory_space<hbm>> -> memref<6672xi32, #tpu.memory_space<hbm>>
        tpu.wait_dma2 semaphore(%arg17 : memref<!tpu.dma_semaphore, #tpu.memory_space<semaphore_mem>>) src(%dma_wait3A_108 : memref<6672xi32, #tpu.memory_space<hbm>>) dst(%dma_wait3A_106 : memref<6672xi32, #tpu.memory_space<vmem>>)
        %dma_wait3A_109 = arith.constant 0 : i32
        %dma_wait3A_110 = tpu.memref_slice %arg16[%dma_wait3A_109] : memref<6672xf32, #tpu.memory_space<vmem>> -> memref<6672xf32, #tpu.memory_space<vmem>>
        %dma_wait3A_111 = arith.constant 33360 : i32
        %dma_wait3A_112 = tpu.memref_slice %arg3[%dma_wait3A_111] : memref<100000xf32, #tpu.memory_space<hbm>> -> memref<6672xf32, #tpu.memory_space<hbm>>
        %dma_wait3A_113 = arith.constant 0 : i32
        %dma_wait3A_114 = tpu.memref_slice %arg16[%dma_wait3A_113] : memref<6672xf32, #tpu.memory_space<vmem>> -> memref<6672xf32, #tpu.memory_space<vmem>>
        %dma_wait3A_115 = arith.constant 33360 : i32
        %dma_wait3A_116 = tpu.memref_slice %arg3[%dma_wait3A_115] : memref<100000xf32, #tpu.memory_space<hbm>> -> memref<6672xf32, #tpu.memory_space<hbm>>
        tpu.wait_dma2 semaphore(%arg18 : memref<!tpu.dma_semaphore, #tpu.memory_space<semaphore_mem>>) src(%dma_wait3A_116 : memref<6672xf32, #tpu.memory_space<hbm>>) dst(%dma_wait3A_114 : memref<6672xf32, #tpu.memory_space<vmem>>)
        %dma_start3A_117 = arith.constant 0 : i32
        %dma_start3A_118 = tpu.memref_slice %arg15[%dma_start3A_117] : memref<6672xi32, #tpu.memory_space<vmem>> -> memref<6672xi32, #tpu.memory_space<vmem>>
        %dma_start3A_119 = arith.constant 33360 : i32
        %dma_start3A_120 = tpu.memref_slice %arg5[%dma_start3A_119] : memref<100000xi32, #tpu.memory_space<hbm>> -> memref<6672xi32, #tpu.memory_space<hbm>>
        %dma_start3A_121 = arith.constant 33360 : i32
        %dma_start3A_122 = tpu.memref_slice %arg5[%dma_start3A_121] : memref<100000xi32, #tpu.memory_space<hbm>> -> memref<6672xi32, #tpu.memory_space<hbm>>
        %dma_start3A_123 = arith.constant 0 : i32
        %dma_start3A_124 = tpu.memref_slice %arg15[%dma_start3A_123] : memref<6672xi32, #tpu.memory_space<vmem>> -> memref<6672xi32, #tpu.memory_space<vmem>>
        tpu.enqueue_dma source(%dma_start3A_124 : memref<6672xi32, #tpu.memory_space<vmem>>) target(%dma_start3A_122 : memref<6672xi32, #tpu.memory_space<hbm>>) target_semaphore(%arg17 : memref<!tpu.dma_semaphore, #tpu.memory_space<semaphore_mem>>)
        %dma_start3A_125 = arith.constant 0 : i32
        %dma_start3A_126 = tpu.memref_slice %arg16[%dma_start3A_125] : memref<6672xf32, #tpu.memory_space<vmem>> -> memref<6672xf32, #tpu.memory_space<vmem>>
        %dma_start3A_127 = arith.constant 33360 : i32
        %dma_start3A_128 = tpu.memref_slice %arg6[%dma_start3A_127] : memref<100000xf32, #tpu.memory_space<hbm>> -> memref<6672xf32, #tpu.memory_space<hbm>>
        %dma_start3A_129 = arith.constant 33360 : i32
        %dma_start3A_130 = tpu.memref_slice %arg6[%dma_start3A_129] : memref<100000xf32, #tpu.memory_space<hbm>> -> memref<6672xf32, #tpu.memory_space<hbm>>
        %dma_start3A_131 = arith.constant 0 : i32
        %dma_start3A_132 = tpu.memref_slice %arg16[%dma_start3A_131] : memref<6672xf32, #tpu.memory_space<vmem>> -> memref<6672xf32, #tpu.memory_space<vmem>>
        tpu.enqueue_dma source(%dma_start3A_132 : memref<6672xf32, #tpu.memory_space<vmem>>) target(%dma_start3A_130 : memref<6672xf32, #tpu.memory_space<hbm>>) target_semaphore(%arg18 : memref<!tpu.dma_semaphore, #tpu.memory_space<semaphore_mem>>)
        %dma_wait3A_133 = arith.constant 0 : i32
        %dma_wait3A_134 = tpu.memref_slice %arg15[%dma_wait3A_133] : memref<6672xi32, #tpu.memory_space<vmem>> -> memref<6672xi32, #tpu.memory_space<vmem>>
        %dma_wait3A_135 = arith.constant 33360 : i32
        %dma_wait3A_136 = tpu.memref_slice %arg5[%dma_wait3A_135] : memref<100000xi32, #tpu.memory_space<hbm>> -> memref<6672xi32, #tpu.memory_space<hbm>>
        %dma_wait3A_137 = arith.constant 33360 : i32
        %dma_wait3A_138 = tpu.memref_slice %arg5[%dma_wait3A_137] : memref<100000xi32, #tpu.memory_space<hbm>> -> memref<6672xi32, #tpu.memory_space<hbm>>
        %dma_wait3A_139 = arith.constant 0 : i32
        %dma_wait3A_140 = tpu.memref_slice %arg15[%dma_wait3A_139] : memref<6672xi32, #tpu.memory_space<vmem>> -> memref<6672xi32, #tpu.memory_space<vmem>>
        tpu.wait_dma2 semaphore(%arg17 : memref<!tpu.dma_semaphore, #tpu.memory_space<semaphore_mem>>) src(%dma_wait3A_140 : memref<6672xi32, #tpu.memory_space<vmem>>) dst(%dma_wait3A_138 : memref<6672xi32, #tpu.memory_space<hbm>>)
        %dma_wait3A_141 = arith.constant 0 : i32
        %dma_wait3A_142 = tpu.memref_slice %arg16[%dma_wait3A_141] : memref<6672xf32, #tpu.memory_space<vmem>> -> memref<6672xf32, #tpu.memory_space<vmem>>
        %dma_wait3A_143 = arith.constant 33360 : i32
        %dma_wait3A_144 = tpu.memref_slice %arg6[%dma_wait3A_143] : memref<100000xf32, #tpu.memory_space<hbm>> -> memref<6672xf32, #tpu.memory_space<hbm>>
        %dma_wait3A_145 = arith.constant 33360 : i32
        %dma_wait3A_146 = tpu.memref_slice %arg6[%dma_wait3A_145] : memref<100000xf32, #tpu.memory_space<hbm>> -> memref<6672xf32, #tpu.memory_space<hbm>>
        %dma_wait3A_147 = arith.constant 0 : i32
        %dma_wait3A_148 = tpu.memref_slice %arg16[%dma_wait3A_147] : memref<6672xf32, #tpu.memory_space<vmem>> -> memref<6672xf32, #tpu.memory_space<vmem>>
        tpu.wait_dma2 semaphore(%arg18 : memref<!tpu.dma_semaphore, #tpu.memory_space<semaphore_mem>>) src(%dma_wait3A_148 : memref<6672xf32, #tpu.memory_space<vmem>>) dst(%dma_wait3A_146 : memref<6672xf32, #tpu.memory_space<hbm>>)
      } else {
      }
      %eq3A_32 = arith.constant 7 : i32
      %eq3A_33 = arith.cmpi eq, %arg1, %eq3A_32 : i32
      %convert_element_type3A_34 = arith.extui %eq3A_33 : i1 to i32
      %cond3A_35 = arith.constant 0 : i32
      %cond3A_36 = arith.cmpi ne, %convert_element_type3A_34, %cond3A_35 : i32
      scf.if %cond3A_36 {
        %dma_start3A = arith.constant 0 : i32
        %dma_start3A_87 = tpu.memref_slice %arg15[%dma_start3A] : memref<6672xi32, #tpu.memory_space<vmem>> -> memref<6672xi32, #tpu.memory_space<vmem>>
        %dma_start3A_88 = arith.constant 40032 : i32
        %dma_start3A_89 = tpu.memref_slice %arg2[%dma_start3A_88] : memref<100000xi32, #tpu.memory_space<hbm>> -> memref<6672xi32, #tpu.memory_space<hbm>>
        %dma_start3A_90 = arith.constant 0 : i32
        %dma_start3A_91 = tpu.memref_slice %arg15[%dma_start3A_90] : memref<6672xi32, #tpu.memory_space<vmem>> -> memref<6672xi32, #tpu.memory_space<vmem>>
        %dma_start3A_92 = arith.constant 40032 : i32
        %dma_start3A_93 = tpu.memref_slice %arg2[%dma_start3A_92] : memref<100000xi32, #tpu.memory_space<hbm>> -> memref<6672xi32, #tpu.memory_space<hbm>>
        tpu.enqueue_dma source(%dma_start3A_93 : memref<6672xi32, #tpu.memory_space<hbm>>) target(%dma_start3A_91 : memref<6672xi32, #tpu.memory_space<vmem>>) target_semaphore(%arg17 : memref<!tpu.dma_semaphore, #tpu.memory_space<semaphore_mem>>)
        %dma_start3A_94 = arith.constant 0 : i32
        %dma_start3A_95 = tpu.memref_slice %arg16[%dma_start3A_94] : memref<6672xf32, #tpu.memory_space<vmem>> -> memref<6672xf32, #tpu.memory_space<vmem>>
        %dma_start3A_96 = arith.constant 40032 : i32
        %dma_start3A_97 = tpu.memref_slice %arg3[%dma_start3A_96] : memref<100000xf32, #tpu.memory_space<hbm>> -> memref<6672xf32, #tpu.memory_space<hbm>>
        %dma_start3A_98 = arith.constant 0 : i32
        %dma_start3A_99 = tpu.memref_slice %arg16[%dma_start3A_98] : memref<6672xf32, #tpu.memory_space<vmem>> -> memref<6672xf32, #tpu.memory_space<vmem>>
        %dma_start3A_100 = arith.constant 40032 : i32
        %dma_start3A_101 = tpu.memref_slice %arg3[%dma_start3A_100] : memref<100000xf32, #tpu.memory_space<hbm>> -> memref<6672xf32, #tpu.memory_space<hbm>>
        tpu.enqueue_dma source(%dma_start3A_101 : memref<6672xf32, #tpu.memory_space<hbm>>) target(%dma_start3A_99 : memref<6672xf32, #tpu.memory_space<vmem>>) target_semaphore(%arg18 : memref<!tpu.dma_semaphore, #tpu.memory_space<semaphore_mem>>)
        %dma_wait3A = arith.constant 0 : i32
        %dma_wait3A_102 = tpu.memref_slice %arg15[%dma_wait3A] : memref<6672xi32, #tpu.memory_space<vmem>> -> memref<6672xi32, #tpu.memory_space<vmem>>
        %dma_wait3A_103 = arith.constant 40032 : i32
        %dma_wait3A_104 = tpu.memref_slice %arg2[%dma_wait3A_103] : memref<100000xi32, #tpu.memory_space<hbm>> -> memref<6672xi32, #tpu.memory_space<hbm>>
        %dma_wait3A_105 = arith.constant 0 : i32
        %dma_wait3A_106 = tpu.memref_slice %arg15[%dma_wait3A_105] : memref<6672xi32, #tpu.memory_space<vmem>> -> memref<6672xi32, #tpu.memory_space<vmem>>
        %dma_wait3A_107 = arith.constant 40032 : i32
        %dma_wait3A_108 = tpu.memref_slice %arg2[%dma_wait3A_107] : memref<100000xi32, #tpu.memory_space<hbm>> -> memref<6672xi32, #tpu.memory_space<hbm>>
        tpu.wait_dma2 semaphore(%arg17 : memref<!tpu.dma_semaphore, #tpu.memory_space<semaphore_mem>>) src(%dma_wait3A_108 : memref<6672xi32, #tpu.memory_space<hbm>>) dst(%dma_wait3A_106 : memref<6672xi32, #tpu.memory_space<vmem>>)
        %dma_wait3A_109 = arith.constant 0 : i32
        %dma_wait3A_110 = tpu.memref_slice %arg16[%dma_wait3A_109] : memref<6672xf32, #tpu.memory_space<vmem>> -> memref<6672xf32, #tpu.memory_space<vmem>>
        %dma_wait3A_111 = arith.constant 40032 : i32
        %dma_wait3A_112 = tpu.memref_slice %arg3[%dma_wait3A_111] : memref<100000xf32, #tpu.memory_space<hbm>> -> memref<6672xf32, #tpu.memory_space<hbm>>
        %dma_wait3A_113 = arith.constant 0 : i32
        %dma_wait3A_114 = tpu.memref_slice %arg16[%dma_wait3A_113] : memref<6672xf32, #tpu.memory_space<vmem>> -> memref<6672xf32, #tpu.memory_space<vmem>>
        %dma_wait3A_115 = arith.constant 40032 : i32
        %dma_wait3A_116 = tpu.memref_slice %arg3[%dma_wait3A_115] : memref<100000xf32, #tpu.memory_space<hbm>> -> memref<6672xf32, #tpu.memory_space<hbm>>
        tpu.wait_dma2 semaphore(%arg18 : memref<!tpu.dma_semaphore, #tpu.memory_space<semaphore_mem>>) src(%dma_wait3A_116 : memref<6672xf32, #tpu.memory_space<hbm>>) dst(%dma_wait3A_114 : memref<6672xf32, #tpu.memory_space<vmem>>)
        %dma_start3A_117 = arith.constant 0 : i32
        %dma_start3A_118 = tpu.memref_slice %arg15[%dma_start3A_117] : memref<6672xi32, #tpu.memory_space<vmem>> -> memref<6672xi32, #tpu.memory_space<vmem>>
        %dma_start3A_119 = arith.constant 40032 : i32
        %dma_start3A_120 = tpu.memref_slice %arg5[%dma_start3A_119] : memref<100000xi32, #tpu.memory_space<hbm>> -> memref<6672xi32, #tpu.memory_space<hbm>>
        %dma_start3A_121 = arith.constant 40032 : i32
        %dma_start3A_122 = tpu.memref_slice %arg5[%dma_start3A_121] : memref<100000xi32, #tpu.memory_space<hbm>> -> memref<6672xi32, #tpu.memory_space<hbm>>
        %dma_start3A_123 = arith.constant 0 : i32
        %dma_start3A_124 = tpu.memref_slice %arg15[%dma_start3A_123] : memref<6672xi32, #tpu.memory_space<vmem>> -> memref<6672xi32, #tpu.memory_space<vmem>>
        tpu.enqueue_dma source(%dma_start3A_124 : memref<6672xi32, #tpu.memory_space<vmem>>) target(%dma_start3A_122 : memref<6672xi32, #tpu.memory_space<hbm>>) target_semaphore(%arg17 : memref<!tpu.dma_semaphore, #tpu.memory_space<semaphore_mem>>)
        %dma_start3A_125 = arith.constant 0 : i32
        %dma_start3A_126 = tpu.memref_slice %arg16[%dma_start3A_125] : memref<6672xf32, #tpu.memory_space<vmem>> -> memref<6672xf32, #tpu.memory_space<vmem>>
        %dma_start3A_127 = arith.constant 40032 : i32
        %dma_start3A_128 = tpu.memref_slice %arg6[%dma_start3A_127] : memref<100000xf32, #tpu.memory_space<hbm>> -> memref<6672xf32, #tpu.memory_space<hbm>>
        %dma_start3A_129 = arith.constant 40032 : i32
        %dma_start3A_130 = tpu.memref_slice %arg6[%dma_start3A_129] : memref<100000xf32, #tpu.memory_space<hbm>> -> memref<6672xf32, #tpu.memory_space<hbm>>
        %dma_start3A_131 = arith.constant 0 : i32
        %dma_start3A_132 = tpu.memref_slice %arg16[%dma_start3A_131] : memref<6672xf32, #tpu.memory_space<vmem>> -> memref<6672xf32, #tpu.memory_space<vmem>>
        tpu.enqueue_dma source(%dma_start3A_132 : memref<6672xf32, #tpu.memory_space<vmem>>) target(%dma_start3A_130 : memref<6672xf32, #tpu.memory_space<hbm>>) target_semaphore(%arg18 : memref<!tpu.dma_semaphore, #tpu.memory_space<semaphore_mem>>)
        %dma_wait3A_133 = arith.constant 0 : i32
        %dma_wait3A_134 = tpu.memref_slice %arg15[%dma_wait3A_133] : memref<6672xi32, #tpu.memory_space<vmem>> -> memref<6672xi32, #tpu.memory_space<vmem>>
        %dma_wait3A_135 = arith.constant 40032 : i32
        %dma_wait3A_136 = tpu.memref_slice %arg5[%dma_wait3A_135] : memref<100000xi32, #tpu.memory_space<hbm>> -> memref<6672xi32, #tpu.memory_space<hbm>>
        %dma_wait3A_137 = arith.constant 40032 : i32
        %dma_wait3A_138 = tpu.memref_slice %arg5[%dma_wait3A_137] : memref<100000xi32, #tpu.memory_space<hbm>> -> memref<6672xi32, #tpu.memory_space<hbm>>
        %dma_wait3A_139 = arith.constant 0 : i32
        %dma_wait3A_140 = tpu.memref_slice %arg15[%dma_wait3A_139] : memref<6672xi32, #tpu.memory_space<vmem>> -> memref<6672xi32, #tpu.memory_space<vmem>>
        tpu.wait_dma2 semaphore(%arg17 : memref<!tpu.dma_semaphore, #tpu.memory_space<semaphore_mem>>) src(%dma_wait3A_140 : memref<6672xi32, #tpu.memory_space<vmem>>) dst(%dma_wait3A_138 : memref<6672xi32, #tpu.memory_space<hbm>>)
        %dma_wait3A_141 = arith.constant 0 : i32
        %dma_wait3A_142 = tpu.memref_slice %arg16[%dma_wait3A_141] : memref<6672xf32, #tpu.memory_space<vmem>> -> memref<6672xf32, #tpu.memory_space<vmem>>
        %dma_wait3A_143 = arith.constant 40032 : i32
        %dma_wait3A_144 = tpu.memref_slice %arg6[%dma_wait3A_143] : memref<100000xf32, #tpu.memory_space<hbm>> -> memref<6672xf32, #tpu.memory_space<hbm>>
        %dma_wait3A_145 = arith.constant 40032 : i32
        %dma_wait3A_146 = tpu.memref_slice %arg6[%dma_wait3A_145] : memref<100000xf32, #tpu.memory_space<hbm>> -> memref<6672xf32, #tpu.memory_space<hbm>>
        %dma_wait3A_147 = arith.constant 0 : i32
        %dma_wait3A_148 = tpu.memref_slice %arg16[%dma_wait3A_147] : memref<6672xf32, #tpu.memory_space<vmem>> -> memref<6672xf32, #tpu.memory_space<vmem>>
        tpu.wait_dma2 semaphore(%arg18 : memref<!tpu.dma_semaphore, #tpu.memory_space<semaphore_mem>>) src(%dma_wait3A_148 : memref<6672xf32, #tpu.memory_space<vmem>>) dst(%dma_wait3A_146 : memref<6672xf32, #tpu.memory_space<hbm>>)
      } else {
      }
      %eq3A_37 = arith.constant 8 : i32
      %eq3A_38 = arith.cmpi eq, %arg1, %eq3A_37 : i32
      %convert_element_type3A_39 = arith.extui %eq3A_38 : i1 to i32
      %cond3A_40 = arith.constant 0 : i32
      %cond3A_41 = arith.cmpi ne, %convert_element_type3A_39, %cond3A_40 : i32
      scf.if %cond3A_41 {
        %dma_start3A = arith.constant 0 : i32
        %dma_start3A_87 = tpu.memref_slice %arg15[%dma_start3A] : memref<6672xi32, #tpu.memory_space<vmem>> -> memref<6672xi32, #tpu.memory_space<vmem>>
        %dma_start3A_88 = arith.constant 46704 : i32
        %dma_start3A_89 = tpu.memref_slice %arg2[%dma_start3A_88] : memref<100000xi32, #tpu.memory_space<hbm>> -> memref<6672xi32, #tpu.memory_space<hbm>>
        %dma_start3A_90 = arith.constant 0 : i32
        %dma_start3A_91 = tpu.memref_slice %arg15[%dma_start3A_90] : memref<6672xi32, #tpu.memory_space<vmem>> -> memref<6672xi32, #tpu.memory_space<vmem>>
        %dma_start3A_92 = arith.constant 46704 : i32
        %dma_start3A_93 = tpu.memref_slice %arg2[%dma_start3A_92] : memref<100000xi32, #tpu.memory_space<hbm>> -> memref<6672xi32, #tpu.memory_space<hbm>>
        tpu.enqueue_dma source(%dma_start3A_93 : memref<6672xi32, #tpu.memory_space<hbm>>) target(%dma_start3A_91 : memref<6672xi32, #tpu.memory_space<vmem>>) target_semaphore(%arg17 : memref<!tpu.dma_semaphore, #tpu.memory_space<semaphore_mem>>)
        %dma_start3A_94 = arith.constant 0 : i32
        %dma_start3A_95 = tpu.memref_slice %arg16[%dma_start3A_94] : memref<6672xf32, #tpu.memory_space<vmem>> -> memref<6672xf32, #tpu.memory_space<vmem>>
        %dma_start3A_96 = arith.constant 46704 : i32
        %dma_start3A_97 = tpu.memref_slice %arg3[%dma_start3A_96] : memref<100000xf32, #tpu.memory_space<hbm>> -> memref<6672xf32, #tpu.memory_space<hbm>>
        %dma_start3A_98 = arith.constant 0 : i32
        %dma_start3A_99 = tpu.memref_slice %arg16[%dma_start3A_98] : memref<6672xf32, #tpu.memory_space<vmem>> -> memref<6672xf32, #tpu.memory_space<vmem>>
        %dma_start3A_100 = arith.constant 46704 : i32
        %dma_start3A_101 = tpu.memref_slice %arg3[%dma_start3A_100] : memref<100000xf32, #tpu.memory_space<hbm>> -> memref<6672xf32, #tpu.memory_space<hbm>>
        tpu.enqueue_dma source(%dma_start3A_101 : memref<6672xf32, #tpu.memory_space<hbm>>) target(%dma_start3A_99 : memref<6672xf32, #tpu.memory_space<vmem>>) target_semaphore(%arg18 : memref<!tpu.dma_semaphore, #tpu.memory_space<semaphore_mem>>)
        %dma_wait3A = arith.constant 0 : i32
        %dma_wait3A_102 = tpu.memref_slice %arg15[%dma_wait3A] : memref<6672xi32, #tpu.memory_space<vmem>> -> memref<6672xi32, #tpu.memory_space<vmem>>
        %dma_wait3A_103 = arith.constant 46704 : i32
        %dma_wait3A_104 = tpu.memref_slice %arg2[%dma_wait3A_103] : memref<100000xi32, #tpu.memory_space<hbm>> -> memref<6672xi32, #tpu.memory_space<hbm>>
        %dma_wait3A_105 = arith.constant 0 : i32
        %dma_wait3A_106 = tpu.memref_slice %arg15[%dma_wait3A_105] : memref<6672xi32, #tpu.memory_space<vmem>> -> memref<6672xi32, #tpu.memory_space<vmem>>
        %dma_wait3A_107 = arith.constant 46704 : i32
        %dma_wait3A_108 = tpu.memref_slice %arg2[%dma_wait3A_107] : memref<100000xi32, #tpu.memory_space<hbm>> -> memref<6672xi32, #tpu.memory_space<hbm>>
        tpu.wait_dma2 semaphore(%arg17 : memref<!tpu.dma_semaphore, #tpu.memory_space<semaphore_mem>>) src(%dma_wait3A_108 : memref<6672xi32, #tpu.memory_space<hbm>>) dst(%dma_wait3A_106 : memref<6672xi32, #tpu.memory_space<vmem>>)
        %dma_wait3A_109 = arith.constant 0 : i32
        %dma_wait3A_110 = tpu.memref_slice %arg16[%dma_wait3A_109] : memref<6672xf32, #tpu.memory_space<vmem>> -> memref<6672xf32, #tpu.memory_space<vmem>>
        %dma_wait3A_111 = arith.constant 46704 : i32
        %dma_wait3A_112 = tpu.memref_slice %arg3[%dma_wait3A_111] : memref<100000xf32, #tpu.memory_space<hbm>> -> memref<6672xf32, #tpu.memory_space<hbm>>
        %dma_wait3A_113 = arith.constant 0 : i32
        %dma_wait3A_114 = tpu.memref_slice %arg16[%dma_wait3A_113] : memref<6672xf32, #tpu.memory_space<vmem>> -> memref<6672xf32, #tpu.memory_space<vmem>>
        %dma_wait3A_115 = arith.constant 46704 : i32
        %dma_wait3A_116 = tpu.memref_slice %arg3[%dma_wait3A_115] : memref<100000xf32, #tpu.memory_space<hbm>> -> memref<6672xf32, #tpu.memory_space<hbm>>
        tpu.wait_dma2 semaphore(%arg18 : memref<!tpu.dma_semaphore, #tpu.memory_space<semaphore_mem>>) src(%dma_wait3A_116 : memref<6672xf32, #tpu.memory_space<hbm>>) dst(%dma_wait3A_114 : memref<6672xf32, #tpu.memory_space<vmem>>)
        %dma_start3A_117 = arith.constant 0 : i32
        %dma_start3A_118 = tpu.memref_slice %arg15[%dma_start3A_117] : memref<6672xi32, #tpu.memory_space<vmem>> -> memref<6672xi32, #tpu.memory_space<vmem>>
        %dma_start3A_119 = arith.constant 46704 : i32
        %dma_start3A_120 = tpu.memref_slice %arg5[%dma_start3A_119] : memref<100000xi32, #tpu.memory_space<hbm>> -> memref<6672xi32, #tpu.memory_space<hbm>>
        %dma_start3A_121 = arith.constant 46704 : i32
        %dma_start3A_122 = tpu.memref_slice %arg5[%dma_start3A_121] : memref<100000xi32, #tpu.memory_space<hbm>> -> memref<6672xi32, #tpu.memory_space<hbm>>
        %dma_start3A_123 = arith.constant 0 : i32
        %dma_start3A_124 = tpu.memref_slice %arg15[%dma_start3A_123] : memref<6672xi32, #tpu.memory_space<vmem>> -> memref<6672xi32, #tpu.memory_space<vmem>>
        tpu.enqueue_dma source(%dma_start3A_124 : memref<6672xi32, #tpu.memory_space<vmem>>) target(%dma_start3A_122 : memref<6672xi32, #tpu.memory_space<hbm>>) target_semaphore(%arg17 : memref<!tpu.dma_semaphore, #tpu.memory_space<semaphore_mem>>)
        %dma_start3A_125 = arith.constant 0 : i32
        %dma_start3A_126 = tpu.memref_slice %arg16[%dma_start3A_125] : memref<6672xf32, #tpu.memory_space<vmem>> -> memref<6672xf32, #tpu.memory_space<vmem>>
        %dma_start3A_127 = arith.constant 46704 : i32
        %dma_start3A_128 = tpu.memref_slice %arg6[%dma_start3A_127] : memref<100000xf32, #tpu.memory_space<hbm>> -> memref<6672xf32, #tpu.memory_space<hbm>>
        %dma_start3A_129 = arith.constant 46704 : i32
        %dma_start3A_130 = tpu.memref_slice %arg6[%dma_start3A_129] : memref<100000xf32, #tpu.memory_space<hbm>> -> memref<6672xf32, #tpu.memory_space<hbm>>
        %dma_start3A_131 = arith.constant 0 : i32
        %dma_start3A_132 = tpu.memref_slice %arg16[%dma_start3A_131] : memref<6672xf32, #tpu.memory_space<vmem>> -> memref<6672xf32, #tpu.memory_space<vmem>>
        tpu.enqueue_dma source(%dma_start3A_132 : memref<6672xf32, #tpu.memory_space<vmem>>) target(%dma_start3A_130 : memref<6672xf32, #tpu.memory_space<hbm>>) target_semaphore(%arg18 : memref<!tpu.dma_semaphore, #tpu.memory_space<semaphore_mem>>)
        %dma_wait3A_133 = arith.constant 0 : i32
        %dma_wait3A_134 = tpu.memref_slice %arg15[%dma_wait3A_133] : memref<6672xi32, #tpu.memory_space<vmem>> -> memref<6672xi32, #tpu.memory_space<vmem>>
        %dma_wait3A_135 = arith.constant 46704 : i32
        %dma_wait3A_136 = tpu.memref_slice %arg5[%dma_wait3A_135] : memref<100000xi32, #tpu.memory_space<hbm>> -> memref<6672xi32, #tpu.memory_space<hbm>>
        %dma_wait3A_137 = arith.constant 46704 : i32
        %dma_wait3A_138 = tpu.memref_slice %arg5[%dma_wait3A_137] : memref<100000xi32, #tpu.memory_space<hbm>> -> memref<6672xi32, #tpu.memory_space<hbm>>
        %dma_wait3A_139 = arith.constant 0 : i32
        %dma_wait3A_140 = tpu.memref_slice %arg15[%dma_wait3A_139] : memref<6672xi32, #tpu.memory_space<vmem>> -> memref<6672xi32, #tpu.memory_space<vmem>>
        tpu.wait_dma2 semaphore(%arg17 : memref<!tpu.dma_semaphore, #tpu.memory_space<semaphore_mem>>) src(%dma_wait3A_140 : memref<6672xi32, #tpu.memory_space<vmem>>) dst(%dma_wait3A_138 : memref<6672xi32, #tpu.memory_space<hbm>>)
        %dma_wait3A_141 = arith.constant 0 : i32
        %dma_wait3A_142 = tpu.memref_slice %arg16[%dma_wait3A_141] : memref<6672xf32, #tpu.memory_space<vmem>> -> memref<6672xf32, #tpu.memory_space<vmem>>
        %dma_wait3A_143 = arith.constant 46704 : i32
        %dma_wait3A_144 = tpu.memref_slice %arg6[%dma_wait3A_143] : memref<100000xf32, #tpu.memory_space<hbm>> -> memref<6672xf32, #tpu.memory_space<hbm>>
        %dma_wait3A_145 = arith.constant 46704 : i32
        %dma_wait3A_146 = tpu.memref_slice %arg6[%dma_wait3A_145] : memref<100000xf32, #tpu.memory_space<hbm>> -> memref<6672xf32, #tpu.memory_space<hbm>>
        %dma_wait3A_147 = arith.constant 0 : i32
        %dma_wait3A_148 = tpu.memref_slice %arg16[%dma_wait3A_147] : memref<6672xf32, #tpu.memory_space<vmem>> -> memref<6672xf32, #tpu.memory_space<vmem>>
        tpu.wait_dma2 semaphore(%arg18 : memref<!tpu.dma_semaphore, #tpu.memory_space<semaphore_mem>>) src(%dma_wait3A_148 : memref<6672xf32, #tpu.memory_space<vmem>>) dst(%dma_wait3A_146 : memref<6672xf32, #tpu.memory_space<hbm>>)
      } else {
      }
      %eq3A_42 = arith.constant 9 : i32
      %eq3A_43 = arith.cmpi eq, %arg1, %eq3A_42 : i32
      %convert_element_type3A_44 = arith.extui %eq3A_43 : i1 to i32
      %cond3A_45 = arith.constant 0 : i32
      %cond3A_46 = arith.cmpi ne, %convert_element_type3A_44, %cond3A_45 : i32
      scf.if %cond3A_46 {
        %dma_start3A = arith.constant 0 : i32
        %dma_start3A_87 = tpu.memref_slice %arg15[%dma_start3A] : memref<6672xi32, #tpu.memory_space<vmem>> -> memref<6672xi32, #tpu.memory_space<vmem>>
        %dma_start3A_88 = arith.constant 53376 : i32
        %dma_start3A_89 = tpu.memref_slice %arg2[%dma_start3A_88] : memref<100000xi32, #tpu.memory_space<hbm>> -> memref<6672xi32, #tpu.memory_space<hbm>>
        %dma_start3A_90 = arith.constant 0 : i32
        %dma_start3A_91 = tpu.memref_slice %arg15[%dma_start3A_90] : memref<6672xi32, #tpu.memory_space<vmem>> -> memref<6672xi32, #tpu.memory_space<vmem>>
        %dma_start3A_92 = arith.constant 53376 : i32
        %dma_start3A_93 = tpu.memref_slice %arg2[%dma_start3A_92] : memref<100000xi32, #tpu.memory_space<hbm>> -> memref<6672xi32, #tpu.memory_space<hbm>>
        tpu.enqueue_dma source(%dma_start3A_93 : memref<6672xi32, #tpu.memory_space<hbm>>) target(%dma_start3A_91 : memref<6672xi32, #tpu.memory_space<vmem>>) target_semaphore(%arg17 : memref<!tpu.dma_semaphore, #tpu.memory_space<semaphore_mem>>)
        %dma_start3A_94 = arith.constant 0 : i32
        %dma_start3A_95 = tpu.memref_slice %arg16[%dma_start3A_94] : memref<6672xf32, #tpu.memory_space<vmem>> -> memref<6672xf32, #tpu.memory_space<vmem>>
        %dma_start3A_96 = arith.constant 53376 : i32
        %dma_start3A_97 = tpu.memref_slice %arg3[%dma_start3A_96] : memref<100000xf32, #tpu.memory_space<hbm>> -> memref<6672xf32, #tpu.memory_space<hbm>>
        %dma_start3A_98 = arith.constant 0 : i32
        %dma_start3A_99 = tpu.memref_slice %arg16[%dma_start3A_98] : memref<6672xf32, #tpu.memory_space<vmem>> -> memref<6672xf32, #tpu.memory_space<vmem>>
        %dma_start3A_100 = arith.constant 53376 : i32
        %dma_start3A_101 = tpu.memref_slice %arg3[%dma_start3A_100] : memref<100000xf32, #tpu.memory_space<hbm>> -> memref<6672xf32, #tpu.memory_space<hbm>>
        tpu.enqueue_dma source(%dma_start3A_101 : memref<6672xf32, #tpu.memory_space<hbm>>) target(%dma_start3A_99 : memref<6672xf32, #tpu.memory_space<vmem>>) target_semaphore(%arg18 : memref<!tpu.dma_semaphore, #tpu.memory_space<semaphore_mem>>)
        %dma_wait3A = arith.constant 0 : i32
        %dma_wait3A_102 = tpu.memref_slice %arg15[%dma_wait3A] : memref<6672xi32, #tpu.memory_space<vmem>> -> memref<6672xi32, #tpu.memory_space<vmem>>
        %dma_wait3A_103 = arith.constant 53376 : i32
        %dma_wait3A_104 = tpu.memref_slice %arg2[%dma_wait3A_103] : memref<100000xi32, #tpu.memory_space<hbm>> -> memref<6672xi32, #tpu.memory_space<hbm>>
        %dma_wait3A_105 = arith.constant 0 : i32
        %dma_wait3A_106 = tpu.memref_slice %arg15[%dma_wait3A_105] : memref<6672xi32, #tpu.memory_space<vmem>> -> memref<6672xi32, #tpu.memory_space<vmem>>
        %dma_wait3A_107 = arith.constant 53376 : i32
        %dma_wait3A_108 = tpu.memref_slice %arg2[%dma_wait3A_107] : memref<100000xi32, #tpu.memory_space<hbm>> -> memref<6672xi32, #tpu.memory_space<hbm>>
        tpu.wait_dma2 semaphore(%arg17 : memref<!tpu.dma_semaphore, #tpu.memory_space<semaphore_mem>>) src(%dma_wait3A_108 : memref<6672xi32, #tpu.memory_space<hbm>>) dst(%dma_wait3A_106 : memref<6672xi32, #tpu.memory_space<vmem>>)
        %dma_wait3A_109 = arith.constant 0 : i32
        %dma_wait3A_110 = tpu.memref_slice %arg16[%dma_wait3A_109] : memref<6672xf32, #tpu.memory_space<vmem>> -> memref<6672xf32, #tpu.memory_space<vmem>>
        %dma_wait3A_111 = arith.constant 53376 : i32
        %dma_wait3A_112 = tpu.memref_slice %arg3[%dma_wait3A_111] : memref<100000xf32, #tpu.memory_space<hbm>> -> memref<6672xf32, #tpu.memory_space<hbm>>
        %dma_wait3A_113 = arith.constant 0 : i32
        %dma_wait3A_114 = tpu.memref_slice %arg16[%dma_wait3A_113] : memref<6672xf32, #tpu.memory_space<vmem>> -> memref<6672xf32, #tpu.memory_space<vmem>>
        %dma_wait3A_115 = arith.constant 53376 : i32
        %dma_wait3A_116 = tpu.memref_slice %arg3[%dma_wait3A_115] : memref<100000xf32, #tpu.memory_space<hbm>> -> memref<6672xf32, #tpu.memory_space<hbm>>
        tpu.wait_dma2 semaphore(%arg18 : memref<!tpu.dma_semaphore, #tpu.memory_space<semaphore_mem>>) src(%dma_wait3A_116 : memref<6672xf32, #tpu.memory_space<hbm>>) dst(%dma_wait3A_114 : memref<6672xf32, #tpu.memory_space<vmem>>)
        %dma_start3A_117 = arith.constant 0 : i32
        %dma_start3A_118 = tpu.memref_slice %arg15[%dma_start3A_117] : memref<6672xi32, #tpu.memory_space<vmem>> -> memref<6672xi32, #tpu.memory_space<vmem>>
        %dma_start3A_119 = arith.constant 53376 : i32
        %dma_start3A_120 = tpu.memref_slice %arg5[%dma_start3A_119] : memref<100000xi32, #tpu.memory_space<hbm>> -> memref<6672xi32, #tpu.memory_space<hbm>>
        %dma_start3A_121 = arith.constant 53376 : i32
        %dma_start3A_122 = tpu.memref_slice %arg5[%dma_start3A_121] : memref<100000xi32, #tpu.memory_space<hbm>> -> memref<6672xi32, #tpu.memory_space<hbm>>
        %dma_start3A_123 = arith.constant 0 : i32
        %dma_start3A_124 = tpu.memref_slice %arg15[%dma_start3A_123] : memref<6672xi32, #tpu.memory_space<vmem>> -> memref<6672xi32, #tpu.memory_space<vmem>>
        tpu.enqueue_dma source(%dma_start3A_124 : memref<6672xi32, #tpu.memory_space<vmem>>) target(%dma_start3A_122 : memref<6672xi32, #tpu.memory_space<hbm>>) target_semaphore(%arg17 : memref<!tpu.dma_semaphore, #tpu.memory_space<semaphore_mem>>)
        %dma_start3A_125 = arith.constant 0 : i32
        %dma_start3A_126 = tpu.memref_slice %arg16[%dma_start3A_125] : memref<6672xf32, #tpu.memory_space<vmem>> -> memref<6672xf32, #tpu.memory_space<vmem>>
        %dma_start3A_127 = arith.constant 53376 : i32
        %dma_start3A_128 = tpu.memref_slice %arg6[%dma_start3A_127] : memref<100000xf32, #tpu.memory_space<hbm>> -> memref<6672xf32, #tpu.memory_space<hbm>>
        %dma_start3A_129 = arith.constant 53376 : i32
        %dma_start3A_130 = tpu.memref_slice %arg6[%dma_start3A_129] : memref<100000xf32, #tpu.memory_space<hbm>> -> memref<6672xf32, #tpu.memory_space<hbm>>
        %dma_start3A_131 = arith.constant 0 : i32
        %dma_start3A_132 = tpu.memref_slice %arg16[%dma_start3A_131] : memref<6672xf32, #tpu.memory_space<vmem>> -> memref<6672xf32, #tpu.memory_space<vmem>>
        tpu.enqueue_dma source(%dma_start3A_132 : memref<6672xf32, #tpu.memory_space<vmem>>) target(%dma_start3A_130 : memref<6672xf32, #tpu.memory_space<hbm>>) target_semaphore(%arg18 : memref<!tpu.dma_semaphore, #tpu.memory_space<semaphore_mem>>)
        %dma_wait3A_133 = arith.constant 0 : i32
        %dma_wait3A_134 = tpu.memref_slice %arg15[%dma_wait3A_133] : memref<6672xi32, #tpu.memory_space<vmem>> -> memref<6672xi32, #tpu.memory_space<vmem>>
        %dma_wait3A_135 = arith.constant 53376 : i32
        %dma_wait3A_136 = tpu.memref_slice %arg5[%dma_wait3A_135] : memref<100000xi32, #tpu.memory_space<hbm>> -> memref<6672xi32, #tpu.memory_space<hbm>>
        %dma_wait3A_137 = arith.constant 53376 : i32
        %dma_wait3A_138 = tpu.memref_slice %arg5[%dma_wait3A_137] : memref<100000xi32, #tpu.memory_space<hbm>> -> memref<6672xi32, #tpu.memory_space<hbm>>
        %dma_wait3A_139 = arith.constant 0 : i32
        %dma_wait3A_140 = tpu.memref_slice %arg15[%dma_wait3A_139] : memref<6672xi32, #tpu.memory_space<vmem>> -> memref<6672xi32, #tpu.memory_space<vmem>>
        tpu.wait_dma2 semaphore(%arg17 : memref<!tpu.dma_semaphore, #tpu.memory_space<semaphore_mem>>) src(%dma_wait3A_140 : memref<6672xi32, #tpu.memory_space<vmem>>) dst(%dma_wait3A_138 : memref<6672xi32, #tpu.memory_space<hbm>>)
        %dma_wait3A_141 = arith.constant 0 : i32
        %dma_wait3A_142 = tpu.memref_slice %arg16[%dma_wait3A_141] : memref<6672xf32, #tpu.memory_space<vmem>> -> memref<6672xf32, #tpu.memory_space<vmem>>
        %dma_wait3A_143 = arith.constant 53376 : i32
        %dma_wait3A_144 = tpu.memref_slice %arg6[%dma_wait3A_143] : memref<100000xf32, #tpu.memory_space<hbm>> -> memref<6672xf32, #tpu.memory_space<hbm>>
        %dma_wait3A_145 = arith.constant 53376 : i32
        %dma_wait3A_146 = tpu.memref_slice %arg6[%dma_wait3A_145] : memref<100000xf32, #tpu.memory_space<hbm>> -> memref<6672xf32, #tpu.memory_space<hbm>>
        %dma_wait3A_147 = arith.constant 0 : i32
        %dma_wait3A_148 = tpu.memref_slice %arg16[%dma_wait3A_147] : memref<6672xf32, #tpu.memory_space<vmem>> -> memref<6672xf32, #tpu.memory_space<vmem>>
        tpu.wait_dma2 semaphore(%arg18 : memref<!tpu.dma_semaphore, #tpu.memory_space<semaphore_mem>>) src(%dma_wait3A_148 : memref<6672xf32, #tpu.memory_space<vmem>>) dst(%dma_wait3A_146 : memref<6672xf32, #tpu.memory_space<hbm>>)
      } else {
      }
      %eq3A_47 = arith.constant 10 : i32
      %eq3A_48 = arith.cmpi eq, %arg1, %eq3A_47 : i32
      %convert_element_type3A_49 = arith.extui %eq3A_48 : i1 to i32
      %cond3A_50 = arith.constant 0 : i32
      %cond3A_51 = arith.cmpi ne, %convert_element_type3A_49, %cond3A_50 : i32
      scf.if %cond3A_51 {
        %dma_start3A = arith.constant 0 : i32
        %dma_start3A_87 = tpu.memref_slice %arg15[%dma_start3A] : memref<6672xi32, #tpu.memory_space<vmem>> -> memref<6672xi32, #tpu.memory_space<vmem>>
        %dma_start3A_88 = arith.constant 60048 : i32
        %dma_start3A_89 = tpu.memref_slice %arg2[%dma_start3A_88] : memref<100000xi32, #tpu.memory_space<hbm>> -> memref<6672xi32, #tpu.memory_space<hbm>>
        %dma_start3A_90 = arith.constant 0 : i32
        %dma_start3A_91 = tpu.memref_slice %arg15[%dma_start3A_90] : memref<6672xi32, #tpu.memory_space<vmem>> -> memref<6672xi32, #tpu.memory_space<vmem>>
        %dma_start3A_92 = arith.constant 60048 : i32
        %dma_start3A_93 = tpu.memref_slice %arg2[%dma_start3A_92] : memref<100000xi32, #tpu.memory_space<hbm>> -> memref<6672xi32, #tpu.memory_space<hbm>>
        tpu.enqueue_dma source(%dma_start3A_93 : memref<6672xi32, #tpu.memory_space<hbm>>) target(%dma_start3A_91 : memref<6672xi32, #tpu.memory_space<vmem>>) target_semaphore(%arg17 : memref<!tpu.dma_semaphore, #tpu.memory_space<semaphore_mem>>)
        %dma_start3A_94 = arith.constant 0 : i32
        %dma_start3A_95 = tpu.memref_slice %arg16[%dma_start3A_94] : memref<6672xf32, #tpu.memory_space<vmem>> -> memref<6672xf32, #tpu.memory_space<vmem>>
        %dma_start3A_96 = arith.constant 60048 : i32
        %dma_start3A_97 = tpu.memref_slice %arg3[%dma_start3A_96] : memref<100000xf32, #tpu.memory_space<hbm>> -> memref<6672xf32, #tpu.memory_space<hbm>>
        %dma_start3A_98 = arith.constant 0 : i32
        %dma_start3A_99 = tpu.memref_slice %arg16[%dma_start3A_98] : memref<6672xf32, #tpu.memory_space<vmem>> -> memref<6672xf32, #tpu.memory_space<vmem>>
        %dma_start3A_100 = arith.constant 60048 : i32
        %dma_start3A_101 = tpu.memref_slice %arg3[%dma_start3A_100] : memref<100000xf32, #tpu.memory_space<hbm>> -> memref<6672xf32, #tpu.memory_space<hbm>>
        tpu.enqueue_dma source(%dma_start3A_101 : memref<6672xf32, #tpu.memory_space<hbm>>) target(%dma_start3A_99 : memref<6672xf32, #tpu.memory_space<vmem>>) target_semaphore(%arg18 : memref<!tpu.dma_semaphore, #tpu.memory_space<semaphore_mem>>)
        %dma_wait3A = arith.constant 0 : i32
        %dma_wait3A_102 = tpu.memref_slice %arg15[%dma_wait3A] : memref<6672xi32, #tpu.memory_space<vmem>> -> memref<6672xi32, #tpu.memory_space<vmem>>
        %dma_wait3A_103 = arith.constant 60048 : i32
        %dma_wait3A_104 = tpu.memref_slice %arg2[%dma_wait3A_103] : memref<100000xi32, #tpu.memory_space<hbm>> -> memref<6672xi32, #tpu.memory_space<hbm>>
        %dma_wait3A_105 = arith.constant 0 : i32
        %dma_wait3A_106 = tpu.memref_slice %arg15[%dma_wait3A_105] : memref<6672xi32, #tpu.memory_space<vmem>> -> memref<6672xi32, #tpu.memory_space<vmem>>
        %dma_wait3A_107 = arith.constant 60048 : i32
        %dma_wait3A_108 = tpu.memref_slice %arg2[%dma_wait3A_107] : memref<100000xi32, #tpu.memory_space<hbm>> -> memref<6672xi32, #tpu.memory_space<hbm>>
        tpu.wait_dma2 semaphore(%arg17 : memref<!tpu.dma_semaphore, #tpu.memory_space<semaphore_mem>>) src(%dma_wait3A_108 : memref<6672xi32, #tpu.memory_space<hbm>>) dst(%dma_wait3A_106 : memref<6672xi32, #tpu.memory_space<vmem>>)
        %dma_wait3A_109 = arith.constant 0 : i32
        %dma_wait3A_110 = tpu.memref_slice %arg16[%dma_wait3A_109] : memref<6672xf32, #tpu.memory_space<vmem>> -> memref<6672xf32, #tpu.memory_space<vmem>>
        %dma_wait3A_111 = arith.constant 60048 : i32
        %dma_wait3A_112 = tpu.memref_slice %arg3[%dma_wait3A_111] : memref<100000xf32, #tpu.memory_space<hbm>> -> memref<6672xf32, #tpu.memory_space<hbm>>
        %dma_wait3A_113 = arith.constant 0 : i32
        %dma_wait3A_114 = tpu.memref_slice %arg16[%dma_wait3A_113] : memref<6672xf32, #tpu.memory_space<vmem>> -> memref<6672xf32, #tpu.memory_space<vmem>>
        %dma_wait3A_115 = arith.constant 60048 : i32
        %dma_wait3A_116 = tpu.memref_slice %arg3[%dma_wait3A_115] : memref<100000xf32, #tpu.memory_space<hbm>> -> memref<6672xf32, #tpu.memory_space<hbm>>
        tpu.wait_dma2 semaphore(%arg18 : memref<!tpu.dma_semaphore, #tpu.memory_space<semaphore_mem>>) src(%dma_wait3A_116 : memref<6672xf32, #tpu.memory_space<hbm>>) dst(%dma_wait3A_114 : memref<6672xf32, #tpu.memory_space<vmem>>)
        %dma_start3A_117 = arith.constant 0 : i32
        %dma_start3A_118 = tpu.memref_slice %arg15[%dma_start3A_117] : memref<6672xi32, #tpu.memory_space<vmem>> -> memref<6672xi32, #tpu.memory_space<vmem>>
        %dma_start3A_119 = arith.constant 60048 : i32
        %dma_start3A_120 = tpu.memref_slice %arg5[%dma_start3A_119] : memref<100000xi32, #tpu.memory_space<hbm>> -> memref<6672xi32, #tpu.memory_space<hbm>>
        %dma_start3A_121 = arith.constant 60048 : i32
        %dma_start3A_122 = tpu.memref_slice %arg5[%dma_start3A_121] : memref<100000xi32, #tpu.memory_space<hbm>> -> memref<6672xi32, #tpu.memory_space<hbm>>
        %dma_start3A_123 = arith.constant 0 : i32
        %dma_start3A_124 = tpu.memref_slice %arg15[%dma_start3A_123] : memref<6672xi32, #tpu.memory_space<vmem>> -> memref<6672xi32, #tpu.memory_space<vmem>>
        tpu.enqueue_dma source(%dma_start3A_124 : memref<6672xi32, #tpu.memory_space<vmem>>) target(%dma_start3A_122 : memref<6672xi32, #tpu.memory_space<hbm>>) target_semaphore(%arg17 : memref<!tpu.dma_semaphore, #tpu.memory_space<semaphore_mem>>)
        %dma_start3A_125 = arith.constant 0 : i32
        %dma_start3A_126 = tpu.memref_slice %arg16[%dma_start3A_125] : memref<6672xf32, #tpu.memory_space<vmem>> -> memref<6672xf32, #tpu.memory_space<vmem>>
        %dma_start3A_127 = arith.constant 60048 : i32
        %dma_start3A_128 = tpu.memref_slice %arg6[%dma_start3A_127] : memref<100000xf32, #tpu.memory_space<hbm>> -> memref<6672xf32, #tpu.memory_space<hbm>>
        %dma_start3A_129 = arith.constant 60048 : i32
        %dma_start3A_130 = tpu.memref_slice %arg6[%dma_start3A_129] : memref<100000xf32, #tpu.memory_space<hbm>> -> memref<6672xf32, #tpu.memory_space<hbm>>
        %dma_start3A_131 = arith.constant 0 : i32
        %dma_start3A_132 = tpu.memref_slice %arg16[%dma_start3A_131] : memref<6672xf32, #tpu.memory_space<vmem>> -> memref<6672xf32, #tpu.memory_space<vmem>>
        tpu.enqueue_dma source(%dma_start3A_132 : memref<6672xf32, #tpu.memory_space<vmem>>) target(%dma_start3A_130 : memref<6672xf32, #tpu.memory_space<hbm>>) target_semaphore(%arg18 : memref<!tpu.dma_semaphore, #tpu.memory_space<semaphore_mem>>)
        %dma_wait3A_133 = arith.constant 0 : i32
        %dma_wait3A_134 = tpu.memref_slice %arg15[%dma_wait3A_133] : memref<6672xi32, #tpu.memory_space<vmem>> -> memref<6672xi32, #tpu.memory_space<vmem>>
        %dma_wait3A_135 = arith.constant 60048 : i32
        %dma_wait3A_136 = tpu.memref_slice %arg5[%dma_wait3A_135] : memref<100000xi32, #tpu.memory_space<hbm>> -> memref<6672xi32, #tpu.memory_space<hbm>>
        %dma_wait3A_137 = arith.constant 60048 : i32
        %dma_wait3A_138 = tpu.memref_slice %arg5[%dma_wait3A_137] : memref<100000xi32, #tpu.memory_space<hbm>> -> memref<6672xi32, #tpu.memory_space<hbm>>
        %dma_wait3A_139 = arith.constant 0 : i32
        %dma_wait3A_140 = tpu.memref_slice %arg15[%dma_wait3A_139] : memref<6672xi32, #tpu.memory_space<vmem>> -> memref<6672xi32, #tpu.memory_space<vmem>>
        tpu.wait_dma2 semaphore(%arg17 : memref<!tpu.dma_semaphore, #tpu.memory_space<semaphore_mem>>) src(%dma_wait3A_140 : memref<6672xi32, #tpu.memory_space<vmem>>) dst(%dma_wait3A_138 : memref<6672xi32, #tpu.memory_space<hbm>>)
        %dma_wait3A_141 = arith.constant 0 : i32
        %dma_wait3A_142 = tpu.memref_slice %arg16[%dma_wait3A_141] : memref<6672xf32, #tpu.memory_space<vmem>> -> memref<6672xf32, #tpu.memory_space<vmem>>
        %dma_wait3A_143 = arith.constant 60048 : i32
        %dma_wait3A_144 = tpu.memref_slice %arg6[%dma_wait3A_143] : memref<100000xf32, #tpu.memory_space<hbm>> -> memref<6672xf32, #tpu.memory_space<hbm>>
        %dma_wait3A_145 = arith.constant 60048 : i32
        %dma_wait3A_146 = tpu.memref_slice %arg6[%dma_wait3A_145] : memref<100000xf32, #tpu.memory_space<hbm>> -> memref<6672xf32, #tpu.memory_space<hbm>>
        %dma_wait3A_147 = arith.constant 0 : i32
        %dma_wait3A_148 = tpu.memref_slice %arg16[%dma_wait3A_147] : memref<6672xf32, #tpu.memory_space<vmem>> -> memref<6672xf32, #tpu.memory_space<vmem>>
        tpu.wait_dma2 semaphore(%arg18 : memref<!tpu.dma_semaphore, #tpu.memory_space<semaphore_mem>>) src(%dma_wait3A_148 : memref<6672xf32, #tpu.memory_space<vmem>>) dst(%dma_wait3A_146 : memref<6672xf32, #tpu.memory_space<hbm>>)
      } else {
      }
      %eq3A_52 = arith.constant 11 : i32
      %eq3A_53 = arith.cmpi eq, %arg1, %eq3A_52 : i32
      %convert_element_type3A_54 = arith.extui %eq3A_53 : i1 to i32
      %cond3A_55 = arith.constant 0 : i32
      %cond3A_56 = arith.cmpi ne, %convert_element_type3A_54, %cond3A_55 : i32
      scf.if %cond3A_56 {
        %dma_start3A = arith.constant 0 : i32
        %dma_start3A_87 = tpu.memref_slice %arg15[%dma_start3A] : memref<6672xi32, #tpu.memory_space<vmem>> -> memref<6672xi32, #tpu.memory_space<vmem>>
        %dma_start3A_88 = arith.constant 66720 : i32
        %dma_start3A_89 = tpu.memref_slice %arg2[%dma_start3A_88] : memref<100000xi32, #tpu.memory_space<hbm>> -> memref<6672xi32, #tpu.memory_space<hbm>>
        %dma_start3A_90 = arith.constant 0 : i32
        %dma_start3A_91 = tpu.memref_slice %arg15[%dma_start3A_90] : memref<6672xi32, #tpu.memory_space<vmem>> -> memref<6672xi32, #tpu.memory_space<vmem>>
        %dma_start3A_92 = arith.constant 66720 : i32
        %dma_start3A_93 = tpu.memref_slice %arg2[%dma_start3A_92] : memref<100000xi32, #tpu.memory_space<hbm>> -> memref<6672xi32, #tpu.memory_space<hbm>>
        tpu.enqueue_dma source(%dma_start3A_93 : memref<6672xi32, #tpu.memory_space<hbm>>) target(%dma_start3A_91 : memref<6672xi32, #tpu.memory_space<vmem>>) target_semaphore(%arg17 : memref<!tpu.dma_semaphore, #tpu.memory_space<semaphore_mem>>)
        %dma_start3A_94 = arith.constant 0 : i32
        %dma_start3A_95 = tpu.memref_slice %arg16[%dma_start3A_94] : memref<6672xf32, #tpu.memory_space<vmem>> -> memref<6672xf32, #tpu.memory_space<vmem>>
        %dma_start3A_96 = arith.constant 66720 : i32
        %dma_start3A_97 = tpu.memref_slice %arg3[%dma_start3A_96] : memref<100000xf32, #tpu.memory_space<hbm>> -> memref<6672xf32, #tpu.memory_space<hbm>>
        %dma_start3A_98 = arith.constant 0 : i32
        %dma_start3A_99 = tpu.memref_slice %arg16[%dma_start3A_98] : memref<6672xf32, #tpu.memory_space<vmem>> -> memref<6672xf32, #tpu.memory_space<vmem>>
        %dma_start3A_100 = arith.constant 66720 : i32
        %dma_start3A_101 = tpu.memref_slice %arg3[%dma_start3A_100] : memref<100000xf32, #tpu.memory_space<hbm>> -> memref<6672xf32, #tpu.memory_space<hbm>>
        tpu.enqueue_dma source(%dma_start3A_101 : memref<6672xf32, #tpu.memory_space<hbm>>) target(%dma_start3A_99 : memref<6672xf32, #tpu.memory_space<vmem>>) target_semaphore(%arg18 : memref<!tpu.dma_semaphore, #tpu.memory_space<semaphore_mem>>)
        %dma_wait3A = arith.constant 0 : i32
        %dma_wait3A_102 = tpu.memref_slice %arg15[%dma_wait3A] : memref<6672xi32, #tpu.memory_space<vmem>> -> memref<6672xi32, #tpu.memory_space<vmem>>
        %dma_wait3A_103 = arith.constant 66720 : i32
        %dma_wait3A_104 = tpu.memref_slice %arg2[%dma_wait3A_103] : memref<100000xi32, #tpu.memory_space<hbm>> -> memref<6672xi32, #tpu.memory_space<hbm>>
        %dma_wait3A_105 = arith.constant 0 : i32
        %dma_wait3A_106 = tpu.memref_slice %arg15[%dma_wait3A_105] : memref<6672xi32, #tpu.memory_space<vmem>> -> memref<6672xi32, #tpu.memory_space<vmem>>
        %dma_wait3A_107 = arith.constant 66720 : i32
        %dma_wait3A_108 = tpu.memref_slice %arg2[%dma_wait3A_107] : memref<100000xi32, #tpu.memory_space<hbm>> -> memref<6672xi32, #tpu.memory_space<hbm>>
        tpu.wait_dma2 semaphore(%arg17 : memref<!tpu.dma_semaphore, #tpu.memory_space<semaphore_mem>>) src(%dma_wait3A_108 : memref<6672xi32, #tpu.memory_space<hbm>>) dst(%dma_wait3A_106 : memref<6672xi32, #tpu.memory_space<vmem>>)
        %dma_wait3A_109 = arith.constant 0 : i32
        %dma_wait3A_110 = tpu.memref_slice %arg16[%dma_wait3A_109] : memref<6672xf32, #tpu.memory_space<vmem>> -> memref<6672xf32, #tpu.memory_space<vmem>>
        %dma_wait3A_111 = arith.constant 66720 : i32
        %dma_wait3A_112 = tpu.memref_slice %arg3[%dma_wait3A_111] : memref<100000xf32, #tpu.memory_space<hbm>> -> memref<6672xf32, #tpu.memory_space<hbm>>
        %dma_wait3A_113 = arith.constant 0 : i32
        %dma_wait3A_114 = tpu.memref_slice %arg16[%dma_wait3A_113] : memref<6672xf32, #tpu.memory_space<vmem>> -> memref<6672xf32, #tpu.memory_space<vmem>>
        %dma_wait3A_115 = arith.constant 66720 : i32
        %dma_wait3A_116 = tpu.memref_slice %arg3[%dma_wait3A_115] : memref<100000xf32, #tpu.memory_space<hbm>> -> memref<6672xf32, #tpu.memory_space<hbm>>
        tpu.wait_dma2 semaphore(%arg18 : memref<!tpu.dma_semaphore, #tpu.memory_space<semaphore_mem>>) src(%dma_wait3A_116 : memref<6672xf32, #tpu.memory_space<hbm>>) dst(%dma_wait3A_114 : memref<6672xf32, #tpu.memory_space<vmem>>)
        %dma_start3A_117 = arith.constant 0 : i32
        %dma_start3A_118 = tpu.memref_slice %arg15[%dma_start3A_117] : memref<6672xi32, #tpu.memory_space<vmem>> -> memref<6672xi32, #tpu.memory_space<vmem>>
        %dma_start3A_119 = arith.constant 66720 : i32
        %dma_start3A_120 = tpu.memref_slice %arg5[%dma_start3A_119] : memref<100000xi32, #tpu.memory_space<hbm>> -> memref<6672xi32, #tpu.memory_space<hbm>>
        %dma_start3A_121 = arith.constant 66720 : i32
        %dma_start3A_122 = tpu.memref_slice %arg5[%dma_start3A_121] : memref<100000xi32, #tpu.memory_space<hbm>> -> memref<6672xi32, #tpu.memory_space<hbm>>
        %dma_start3A_123 = arith.constant 0 : i32
        %dma_start3A_124 = tpu.memref_slice %arg15[%dma_start3A_123] : memref<6672xi32, #tpu.memory_space<vmem>> -> memref<6672xi32, #tpu.memory_space<vmem>>
        tpu.enqueue_dma source(%dma_start3A_124 : memref<6672xi32, #tpu.memory_space<vmem>>) target(%dma_start3A_122 : memref<6672xi32, #tpu.memory_space<hbm>>) target_semaphore(%arg17 : memref<!tpu.dma_semaphore, #tpu.memory_space<semaphore_mem>>)
        %dma_start3A_125 = arith.constant 0 : i32
        %dma_start3A_126 = tpu.memref_slice %arg16[%dma_start3A_125] : memref<6672xf32, #tpu.memory_space<vmem>> -> memref<6672xf32, #tpu.memory_space<vmem>>
        %dma_start3A_127 = arith.constant 66720 : i32
        %dma_start3A_128 = tpu.memref_slice %arg6[%dma_start3A_127] : memref<100000xf32, #tpu.memory_space<hbm>> -> memref<6672xf32, #tpu.memory_space<hbm>>
        %dma_start3A_129 = arith.constant 66720 : i32
        %dma_start3A_130 = tpu.memref_slice %arg6[%dma_start3A_129] : memref<100000xf32, #tpu.memory_space<hbm>> -> memref<6672xf32, #tpu.memory_space<hbm>>
        %dma_start3A_131 = arith.constant 0 : i32
        %dma_start3A_132 = tpu.memref_slice %arg16[%dma_start3A_131] : memref<6672xf32, #tpu.memory_space<vmem>> -> memref<6672xf32, #tpu.memory_space<vmem>>
        tpu.enqueue_dma source(%dma_start3A_132 : memref<6672xf32, #tpu.memory_space<vmem>>) target(%dma_start3A_130 : memref<6672xf32, #tpu.memory_space<hbm>>) target_semaphore(%arg18 : memref<!tpu.dma_semaphore, #tpu.memory_space<semaphore_mem>>)
        %dma_wait3A_133 = arith.constant 0 : i32
        %dma_wait3A_134 = tpu.memref_slice %arg15[%dma_wait3A_133] : memref<6672xi32, #tpu.memory_space<vmem>> -> memref<6672xi32, #tpu.memory_space<vmem>>
        %dma_wait3A_135 = arith.constant 66720 : i32
        %dma_wait3A_136 = tpu.memref_slice %arg5[%dma_wait3A_135] : memref<100000xi32, #tpu.memory_space<hbm>> -> memref<6672xi32, #tpu.memory_space<hbm>>
        %dma_wait3A_137 = arith.constant 66720 : i32
        %dma_wait3A_138 = tpu.memref_slice %arg5[%dma_wait3A_137] : memref<100000xi32, #tpu.memory_space<hbm>> -> memref<6672xi32, #tpu.memory_space<hbm>>
        %dma_wait3A_139 = arith.constant 0 : i32
        %dma_wait3A_140 = tpu.memref_slice %arg15[%dma_wait3A_139] : memref<6672xi32, #tpu.memory_space<vmem>> -> memref<6672xi32, #tpu.memory_space<vmem>>
        tpu.wait_dma2 semaphore(%arg17 : memref<!tpu.dma_semaphore, #tpu.memory_space<semaphore_mem>>) src(%dma_wait3A_140 : memref<6672xi32, #tpu.memory_space<vmem>>) dst(%dma_wait3A_138 : memref<6672xi32, #tpu.memory_space<hbm>>)
        %dma_wait3A_141 = arith.constant 0 : i32
        %dma_wait3A_142 = tpu.memref_slice %arg16[%dma_wait3A_141] : memref<6672xf32, #tpu.memory_space<vmem>> -> memref<6672xf32, #tpu.memory_space<vmem>>
        %dma_wait3A_143 = arith.constant 66720 : i32
        %dma_wait3A_144 = tpu.memref_slice %arg6[%dma_wait3A_143] : memref<100000xf32, #tpu.memory_space<hbm>> -> memref<6672xf32, #tpu.memory_space<hbm>>
        %dma_wait3A_145 = arith.constant 66720 : i32
        %dma_wait3A_146 = tpu.memref_slice %arg6[%dma_wait3A_145] : memref<100000xf32, #tpu.memory_space<hbm>> -> memref<6672xf32, #tpu.memory_space<hbm>>
        %dma_wait3A_147 = arith.constant 0 : i32
        %dma_wait3A_148 = tpu.memref_slice %arg16[%dma_wait3A_147] : memref<6672xf32, #tpu.memory_space<vmem>> -> memref<6672xf32, #tpu.memory_space<vmem>>
        tpu.wait_dma2 semaphore(%arg18 : memref<!tpu.dma_semaphore, #tpu.memory_space<semaphore_mem>>) src(%dma_wait3A_148 : memref<6672xf32, #tpu.memory_space<vmem>>) dst(%dma_wait3A_146 : memref<6672xf32, #tpu.memory_space<hbm>>)
      } else {
      }
      %eq3A_57 = arith.constant 12 : i32
      %eq3A_58 = arith.cmpi eq, %arg1, %eq3A_57 : i32
      %convert_element_type3A_59 = arith.extui %eq3A_58 : i1 to i32
      %cond3A_60 = arith.constant 0 : i32
      %cond3A_61 = arith.cmpi ne, %convert_element_type3A_59, %cond3A_60 : i32
      scf.if %cond3A_61 {
        %dma_start3A = arith.constant 0 : i32
        %dma_start3A_87 = tpu.memref_slice %arg15[%dma_start3A] : memref<6672xi32, #tpu.memory_space<vmem>> -> memref<6672xi32, #tpu.memory_space<vmem>>
        %dma_start3A_88 = arith.constant 73392 : i32
        %dma_start3A_89 = tpu.memref_slice %arg2[%dma_start3A_88] : memref<100000xi32, #tpu.memory_space<hbm>> -> memref<6672xi32, #tpu.memory_space<hbm>>
        %dma_start3A_90 = arith.constant 0 : i32
        %dma_start3A_91 = tpu.memref_slice %arg15[%dma_start3A_90] : memref<6672xi32, #tpu.memory_space<vmem>> -> memref<6672xi32, #tpu.memory_space<vmem>>
        %dma_start3A_92 = arith.constant 73392 : i32
        %dma_start3A_93 = tpu.memref_slice %arg2[%dma_start3A_92] : memref<100000xi32, #tpu.memory_space<hbm>> -> memref<6672xi32, #tpu.memory_space<hbm>>
        tpu.enqueue_dma source(%dma_start3A_93 : memref<6672xi32, #tpu.memory_space<hbm>>) target(%dma_start3A_91 : memref<6672xi32, #tpu.memory_space<vmem>>) target_semaphore(%arg17 : memref<!tpu.dma_semaphore, #tpu.memory_space<semaphore_mem>>)
        %dma_start3A_94 = arith.constant 0 : i32
        %dma_start3A_95 = tpu.memref_slice %arg16[%dma_start3A_94] : memref<6672xf32, #tpu.memory_space<vmem>> -> memref<6672xf32, #tpu.memory_space<vmem>>
        %dma_start3A_96 = arith.constant 73392 : i32
        %dma_start3A_97 = tpu.memref_slice %arg3[%dma_start3A_96] : memref<100000xf32, #tpu.memory_space<hbm>> -> memref<6672xf32, #tpu.memory_space<hbm>>
        %dma_start3A_98 = arith.constant 0 : i32
        %dma_start3A_99 = tpu.memref_slice %arg16[%dma_start3A_98] : memref<6672xf32, #tpu.memory_space<vmem>> -> memref<6672xf32, #tpu.memory_space<vmem>>
        %dma_start3A_100 = arith.constant 73392 : i32
        %dma_start3A_101 = tpu.memref_slice %arg3[%dma_start3A_100] : memref<100000xf32, #tpu.memory_space<hbm>> -> memref<6672xf32, #tpu.memory_space<hbm>>
        tpu.enqueue_dma source(%dma_start3A_101 : memref<6672xf32, #tpu.memory_space<hbm>>) target(%dma_start3A_99 : memref<6672xf32, #tpu.memory_space<vmem>>) target_semaphore(%arg18 : memref<!tpu.dma_semaphore, #tpu.memory_space<semaphore_mem>>)
        %dma_wait3A = arith.constant 0 : i32
        %dma_wait3A_102 = tpu.memref_slice %arg15[%dma_wait3A] : memref<6672xi32, #tpu.memory_space<vmem>> -> memref<6672xi32, #tpu.memory_space<vmem>>
        %dma_wait3A_103 = arith.constant 73392 : i32
        %dma_wait3A_104 = tpu.memref_slice %arg2[%dma_wait3A_103] : memref<100000xi32, #tpu.memory_space<hbm>> -> memref<6672xi32, #tpu.memory_space<hbm>>
        %dma_wait3A_105 = arith.constant 0 : i32
        %dma_wait3A_106 = tpu.memref_slice %arg15[%dma_wait3A_105] : memref<6672xi32, #tpu.memory_space<vmem>> -> memref<6672xi32, #tpu.memory_space<vmem>>
        %dma_wait3A_107 = arith.constant 73392 : i32
        %dma_wait3A_108 = tpu.memref_slice %arg2[%dma_wait3A_107] : memref<100000xi32, #tpu.memory_space<hbm>> -> memref<6672xi32, #tpu.memory_space<hbm>>
        tpu.wait_dma2 semaphore(%arg17 : memref<!tpu.dma_semaphore, #tpu.memory_space<semaphore_mem>>) src(%dma_wait3A_108 : memref<6672xi32, #tpu.memory_space<hbm>>) dst(%dma_wait3A_106 : memref<6672xi32, #tpu.memory_space<vmem>>)
        %dma_wait3A_109 = arith.constant 0 : i32
        %dma_wait3A_110 = tpu.memref_slice %arg16[%dma_wait3A_109] : memref<6672xf32, #tpu.memory_space<vmem>> -> memref<6672xf32, #tpu.memory_space<vmem>>
        %dma_wait3A_111 = arith.constant 73392 : i32
        %dma_wait3A_112 = tpu.memref_slice %arg3[%dma_wait3A_111] : memref<100000xf32, #tpu.memory_space<hbm>> -> memref<6672xf32, #tpu.memory_space<hbm>>
        %dma_wait3A_113 = arith.constant 0 : i32
        %dma_wait3A_114 = tpu.memref_slice %arg16[%dma_wait3A_113] : memref<6672xf32, #tpu.memory_space<vmem>> -> memref<6672xf32, #tpu.memory_space<vmem>>
        %dma_wait3A_115 = arith.constant 73392 : i32
        %dma_wait3A_116 = tpu.memref_slice %arg3[%dma_wait3A_115] : memref<100000xf32, #tpu.memory_space<hbm>> -> memref<6672xf32, #tpu.memory_space<hbm>>
        tpu.wait_dma2 semaphore(%arg18 : memref<!tpu.dma_semaphore, #tpu.memory_space<semaphore_mem>>) src(%dma_wait3A_116 : memref<6672xf32, #tpu.memory_space<hbm>>) dst(%dma_wait3A_114 : memref<6672xf32, #tpu.memory_space<vmem>>)
        %dma_start3A_117 = arith.constant 0 : i32
        %dma_start3A_118 = tpu.memref_slice %arg15[%dma_start3A_117] : memref<6672xi32, #tpu.memory_space<vmem>> -> memref<6672xi32, #tpu.memory_space<vmem>>
        %dma_start3A_119 = arith.constant 73392 : i32
        %dma_start3A_120 = tpu.memref_slice %arg5[%dma_start3A_119] : memref<100000xi32, #tpu.memory_space<hbm>> -> memref<6672xi32, #tpu.memory_space<hbm>>
        %dma_start3A_121 = arith.constant 73392 : i32
        %dma_start3A_122 = tpu.memref_slice %arg5[%dma_start3A_121] : memref<100000xi32, #tpu.memory_space<hbm>> -> memref<6672xi32, #tpu.memory_space<hbm>>
        %dma_start3A_123 = arith.constant 0 : i32
        %dma_start3A_124 = tpu.memref_slice %arg15[%dma_start3A_123] : memref<6672xi32, #tpu.memory_space<vmem>> -> memref<6672xi32, #tpu.memory_space<vmem>>
        tpu.enqueue_dma source(%dma_start3A_124 : memref<6672xi32, #tpu.memory_space<vmem>>) target(%dma_start3A_122 : memref<6672xi32, #tpu.memory_space<hbm>>) target_semaphore(%arg17 : memref<!tpu.dma_semaphore, #tpu.memory_space<semaphore_mem>>)
        %dma_start3A_125 = arith.constant 0 : i32
        %dma_start3A_126 = tpu.memref_slice %arg16[%dma_start3A_125] : memref<6672xf32, #tpu.memory_space<vmem>> -> memref<6672xf32, #tpu.memory_space<vmem>>
        %dma_start3A_127 = arith.constant 73392 : i32
        %dma_start3A_128 = tpu.memref_slice %arg6[%dma_start3A_127] : memref<100000xf32, #tpu.memory_space<hbm>> -> memref<6672xf32, #tpu.memory_space<hbm>>
        %dma_start3A_129 = arith.constant 73392 : i32
        %dma_start3A_130 = tpu.memref_slice %arg6[%dma_start3A_129] : memref<100000xf32, #tpu.memory_space<hbm>> -> memref<6672xf32, #tpu.memory_space<hbm>>
        %dma_start3A_131 = arith.constant 0 : i32
        %dma_start3A_132 = tpu.memref_slice %arg16[%dma_start3A_131] : memref<6672xf32, #tpu.memory_space<vmem>> -> memref<6672xf32, #tpu.memory_space<vmem>>
        tpu.enqueue_dma source(%dma_start3A_132 : memref<6672xf32, #tpu.memory_space<vmem>>) target(%dma_start3A_130 : memref<6672xf32, #tpu.memory_space<hbm>>) target_semaphore(%arg18 : memref<!tpu.dma_semaphore, #tpu.memory_space<semaphore_mem>>)
        %dma_wait3A_133 = arith.constant 0 : i32
        %dma_wait3A_134 = tpu.memref_slice %arg15[%dma_wait3A_133] : memref<6672xi32, #tpu.memory_space<vmem>> -> memref<6672xi32, #tpu.memory_space<vmem>>
        %dma_wait3A_135 = arith.constant 73392 : i32
        %dma_wait3A_136 = tpu.memref_slice %arg5[%dma_wait3A_135] : memref<100000xi32, #tpu.memory_space<hbm>> -> memref<6672xi32, #tpu.memory_space<hbm>>
        %dma_wait3A_137 = arith.constant 73392 : i32
        %dma_wait3A_138 = tpu.memref_slice %arg5[%dma_wait3A_137] : memref<100000xi32, #tpu.memory_space<hbm>> -> memref<6672xi32, #tpu.memory_space<hbm>>
        %dma_wait3A_139 = arith.constant 0 : i32
        %dma_wait3A_140 = tpu.memref_slice %arg15[%dma_wait3A_139] : memref<6672xi32, #tpu.memory_space<vmem>> -> memref<6672xi32, #tpu.memory_space<vmem>>
        tpu.wait_dma2 semaphore(%arg17 : memref<!tpu.dma_semaphore, #tpu.memory_space<semaphore_mem>>) src(%dma_wait3A_140 : memref<6672xi32, #tpu.memory_space<vmem>>) dst(%dma_wait3A_138 : memref<6672xi32, #tpu.memory_space<hbm>>)
        %dma_wait3A_141 = arith.constant 0 : i32
        %dma_wait3A_142 = tpu.memref_slice %arg16[%dma_wait3A_141] : memref<6672xf32, #tpu.memory_space<vmem>> -> memref<6672xf32, #tpu.memory_space<vmem>>
        %dma_wait3A_143 = arith.constant 73392 : i32
        %dma_wait3A_144 = tpu.memref_slice %arg6[%dma_wait3A_143] : memref<100000xf32, #tpu.memory_space<hbm>> -> memref<6672xf32, #tpu.memory_space<hbm>>
        %dma_wait3A_145 = arith.constant 73392 : i32
        %dma_wait3A_146 = tpu.memref_slice %arg6[%dma_wait3A_145] : memref<100000xf32, #tpu.memory_space<hbm>> -> memref<6672xf32, #tpu.memory_space<hbm>>
        %dma_wait3A_147 = arith.constant 0 : i32
        %dma_wait3A_148 = tpu.memref_slice %arg16[%dma_wait3A_147] : memref<6672xf32, #tpu.memory_space<vmem>> -> memref<6672xf32, #tpu.memory_space<vmem>>
        tpu.wait_dma2 semaphore(%arg18 : memref<!tpu.dma_semaphore, #tpu.memory_space<semaphore_mem>>) src(%dma_wait3A_148 : memref<6672xf32, #tpu.memory_space<vmem>>) dst(%dma_wait3A_146 : memref<6672xf32, #tpu.memory_space<hbm>>)
      } else {
      }
      %eq3A_62 = arith.constant 13 : i32
      %eq3A_63 = arith.cmpi eq, %arg1, %eq3A_62 : i32
      %convert_element_type3A_64 = arith.extui %eq3A_63 : i1 to i32
      %cond3A_65 = arith.constant 0 : i32
      %cond3A_66 = arith.cmpi ne, %convert_element_type3A_64, %cond3A_65 : i32
      scf.if %cond3A_66 {
        %dma_start3A = arith.constant 0 : i32
        %dma_start3A_87 = tpu.memref_slice %arg15[%dma_start3A] : memref<6672xi32, #tpu.memory_space<vmem>> -> memref<6672xi32, #tpu.memory_space<vmem>>
        %dma_start3A_88 = arith.constant 80064 : i32
        %dma_start3A_89 = tpu.memref_slice %arg2[%dma_start3A_88] : memref<100000xi32, #tpu.memory_space<hbm>> -> memref<6672xi32, #tpu.memory_space<hbm>>
        %dma_start3A_90 = arith.constant 0 : i32
        %dma_start3A_91 = tpu.memref_slice %arg15[%dma_start3A_90] : memref<6672xi32, #tpu.memory_space<vmem>> -> memref<6672xi32, #tpu.memory_space<vmem>>
        %dma_start3A_92 = arith.constant 80064 : i32
        %dma_start3A_93 = tpu.memref_slice %arg2[%dma_start3A_92] : memref<100000xi32, #tpu.memory_space<hbm>> -> memref<6672xi32, #tpu.memory_space<hbm>>
        tpu.enqueue_dma source(%dma_start3A_93 : memref<6672xi32, #tpu.memory_space<hbm>>) target(%dma_start3A_91 : memref<6672xi32, #tpu.memory_space<vmem>>) target_semaphore(%arg17 : memref<!tpu.dma_semaphore, #tpu.memory_space<semaphore_mem>>)
        %dma_start3A_94 = arith.constant 0 : i32
        %dma_start3A_95 = tpu.memref_slice %arg16[%dma_start3A_94] : memref<6672xf32, #tpu.memory_space<vmem>> -> memref<6672xf32, #tpu.memory_space<vmem>>
        %dma_start3A_96 = arith.constant 80064 : i32
        %dma_start3A_97 = tpu.memref_slice %arg3[%dma_start3A_96] : memref<100000xf32, #tpu.memory_space<hbm>> -> memref<6672xf32, #tpu.memory_space<hbm>>
        %dma_start3A_98 = arith.constant 0 : i32
        %dma_start3A_99 = tpu.memref_slice %arg16[%dma_start3A_98] : memref<6672xf32, #tpu.memory_space<vmem>> -> memref<6672xf32, #tpu.memory_space<vmem>>
        %dma_start3A_100 = arith.constant 80064 : i32
        %dma_start3A_101 = tpu.memref_slice %arg3[%dma_start3A_100] : memref<100000xf32, #tpu.memory_space<hbm>> -> memref<6672xf32, #tpu.memory_space<hbm>>
        tpu.enqueue_dma source(%dma_start3A_101 : memref<6672xf32, #tpu.memory_space<hbm>>) target(%dma_start3A_99 : memref<6672xf32, #tpu.memory_space<vmem>>) target_semaphore(%arg18 : memref<!tpu.dma_semaphore, #tpu.memory_space<semaphore_mem>>)
        %dma_wait3A = arith.constant 0 : i32
        %dma_wait3A_102 = tpu.memref_slice %arg15[%dma_wait3A] : memref<6672xi32, #tpu.memory_space<vmem>> -> memref<6672xi32, #tpu.memory_space<vmem>>
        %dma_wait3A_103 = arith.constant 80064 : i32
        %dma_wait3A_104 = tpu.memref_slice %arg2[%dma_wait3A_103] : memref<100000xi32, #tpu.memory_space<hbm>> -> memref<6672xi32, #tpu.memory_space<hbm>>
        %dma_wait3A_105 = arith.constant 0 : i32
        %dma_wait3A_106 = tpu.memref_slice %arg15[%dma_wait3A_105] : memref<6672xi32, #tpu.memory_space<vmem>> -> memref<6672xi32, #tpu.memory_space<vmem>>
        %dma_wait3A_107 = arith.constant 80064 : i32
        %dma_wait3A_108 = tpu.memref_slice %arg2[%dma_wait3A_107] : memref<100000xi32, #tpu.memory_space<hbm>> -> memref<6672xi32, #tpu.memory_space<hbm>>
        tpu.wait_dma2 semaphore(%arg17 : memref<!tpu.dma_semaphore, #tpu.memory_space<semaphore_mem>>) src(%dma_wait3A_108 : memref<6672xi32, #tpu.memory_space<hbm>>) dst(%dma_wait3A_106 : memref<6672xi32, #tpu.memory_space<vmem>>)
        %dma_wait3A_109 = arith.constant 0 : i32
        %dma_wait3A_110 = tpu.memref_slice %arg16[%dma_wait3A_109] : memref<6672xf32, #tpu.memory_space<vmem>> -> memref<6672xf32, #tpu.memory_space<vmem>>
        %dma_wait3A_111 = arith.constant 80064 : i32
        %dma_wait3A_112 = tpu.memref_slice %arg3[%dma_wait3A_111] : memref<100000xf32, #tpu.memory_space<hbm>> -> memref<6672xf32, #tpu.memory_space<hbm>>
        %dma_wait3A_113 = arith.constant 0 : i32
        %dma_wait3A_114 = tpu.memref_slice %arg16[%dma_wait3A_113] : memref<6672xf32, #tpu.memory_space<vmem>> -> memref<6672xf32, #tpu.memory_space<vmem>>
        %dma_wait3A_115 = arith.constant 80064 : i32
        %dma_wait3A_116 = tpu.memref_slice %arg3[%dma_wait3A_115] : memref<100000xf32, #tpu.memory_space<hbm>> -> memref<6672xf32, #tpu.memory_space<hbm>>
        tpu.wait_dma2 semaphore(%arg18 : memref<!tpu.dma_semaphore, #tpu.memory_space<semaphore_mem>>) src(%dma_wait3A_116 : memref<6672xf32, #tpu.memory_space<hbm>>) dst(%dma_wait3A_114 : memref<6672xf32, #tpu.memory_space<vmem>>)
        %dma_start3A_117 = arith.constant 0 : i32
        %dma_start3A_118 = tpu.memref_slice %arg15[%dma_start3A_117] : memref<6672xi32, #tpu.memory_space<vmem>> -> memref<6672xi32, #tpu.memory_space<vmem>>
        %dma_start3A_119 = arith.constant 80064 : i32
        %dma_start3A_120 = tpu.memref_slice %arg5[%dma_start3A_119] : memref<100000xi32, #tpu.memory_space<hbm>> -> memref<6672xi32, #tpu.memory_space<hbm>>
        %dma_start3A_121 = arith.constant 80064 : i32
        %dma_start3A_122 = tpu.memref_slice %arg5[%dma_start3A_121] : memref<100000xi32, #tpu.memory_space<hbm>> -> memref<6672xi32, #tpu.memory_space<hbm>>
        %dma_start3A_123 = arith.constant 0 : i32
        %dma_start3A_124 = tpu.memref_slice %arg15[%dma_start3A_123] : memref<6672xi32, #tpu.memory_space<vmem>> -> memref<6672xi32, #tpu.memory_space<vmem>>
        tpu.enqueue_dma source(%dma_start3A_124 : memref<6672xi32, #tpu.memory_space<vmem>>) target(%dma_start3A_122 : memref<6672xi32, #tpu.memory_space<hbm>>) target_semaphore(%arg17 : memref<!tpu.dma_semaphore, #tpu.memory_space<semaphore_mem>>)
        %dma_start3A_125 = arith.constant 0 : i32
        %dma_start3A_126 = tpu.memref_slice %arg16[%dma_start3A_125] : memref<6672xf32, #tpu.memory_space<vmem>> -> memref<6672xf32, #tpu.memory_space<vmem>>
        %dma_start3A_127 = arith.constant 80064 : i32
        %dma_start3A_128 = tpu.memref_slice %arg6[%dma_start3A_127] : memref<100000xf32, #tpu.memory_space<hbm>> -> memref<6672xf32, #tpu.memory_space<hbm>>
        %dma_start3A_129 = arith.constant 80064 : i32
        %dma_start3A_130 = tpu.memref_slice %arg6[%dma_start3A_129] : memref<100000xf32, #tpu.memory_space<hbm>> -> memref<6672xf32, #tpu.memory_space<hbm>>
        %dma_start3A_131 = arith.constant 0 : i32
        %dma_start3A_132 = tpu.memref_slice %arg16[%dma_start3A_131] : memref<6672xf32, #tpu.memory_space<vmem>> -> memref<6672xf32, #tpu.memory_space<vmem>>
        tpu.enqueue_dma source(%dma_start3A_132 : memref<6672xf32, #tpu.memory_space<vmem>>) target(%dma_start3A_130 : memref<6672xf32, #tpu.memory_space<hbm>>) target_semaphore(%arg18 : memref<!tpu.dma_semaphore, #tpu.memory_space<semaphore_mem>>)
        %dma_wait3A_133 = arith.constant 0 : i32
        %dma_wait3A_134 = tpu.memref_slice %arg15[%dma_wait3A_133] : memref<6672xi32, #tpu.memory_space<vmem>> -> memref<6672xi32, #tpu.memory_space<vmem>>
        %dma_wait3A_135 = arith.constant 80064 : i32
        %dma_wait3A_136 = tpu.memref_slice %arg5[%dma_wait3A_135] : memref<100000xi32, #tpu.memory_space<hbm>> -> memref<6672xi32, #tpu.memory_space<hbm>>
        %dma_wait3A_137 = arith.constant 80064 : i32
        %dma_wait3A_138 = tpu.memref_slice %arg5[%dma_wait3A_137] : memref<100000xi32, #tpu.memory_space<hbm>> -> memref<6672xi32, #tpu.memory_space<hbm>>
        %dma_wait3A_139 = arith.constant 0 : i32
        %dma_wait3A_140 = tpu.memref_slice %arg15[%dma_wait3A_139] : memref<6672xi32, #tpu.memory_space<vmem>> -> memref<6672xi32, #tpu.memory_space<vmem>>
        tpu.wait_dma2 semaphore(%arg17 : memref<!tpu.dma_semaphore, #tpu.memory_space<semaphore_mem>>) src(%dma_wait3A_140 : memref<6672xi32, #tpu.memory_space<vmem>>) dst(%dma_wait3A_138 : memref<6672xi32, #tpu.memory_space<hbm>>)
        %dma_wait3A_141 = arith.constant 0 : i32
        %dma_wait3A_142 = tpu.memref_slice %arg16[%dma_wait3A_141] : memref<6672xf32, #tpu.memory_space<vmem>> -> memref<6672xf32, #tpu.memory_space<vmem>>
        %dma_wait3A_143 = arith.constant 80064 : i32
        %dma_wait3A_144 = tpu.memref_slice %arg6[%dma_wait3A_143] : memref<100000xf32, #tpu.memory_space<hbm>> -> memref<6672xf32, #tpu.memory_space<hbm>>
        %dma_wait3A_145 = arith.constant 80064 : i32
        %dma_wait3A_146 = tpu.memref_slice %arg6[%dma_wait3A_145] : memref<100000xf32, #tpu.memory_space<hbm>> -> memref<6672xf32, #tpu.memory_space<hbm>>
        %dma_wait3A_147 = arith.constant 0 : i32
        %dma_wait3A_148 = tpu.memref_slice %arg16[%dma_wait3A_147] : memref<6672xf32, #tpu.memory_space<vmem>> -> memref<6672xf32, #tpu.memory_space<vmem>>
        tpu.wait_dma2 semaphore(%arg18 : memref<!tpu.dma_semaphore, #tpu.memory_space<semaphore_mem>>) src(%dma_wait3A_148 : memref<6672xf32, #tpu.memory_space<vmem>>) dst(%dma_wait3A_146 : memref<6672xf32, #tpu.memory_space<hbm>>)
      } else {
      }
      %eq3A_67 = arith.constant 14 : i32
      %eq3A_68 = arith.cmpi eq, %arg1, %eq3A_67 : i32
      %convert_element_type3A_69 = arith.extui %eq3A_68 : i1 to i32
      %cond3A_70 = arith.constant 0 : i32
      %cond3A_71 = arith.cmpi ne, %convert_element_type3A_69, %cond3A_70 : i32
      scf.if %cond3A_71 {
        %dma_start3A = arith.constant 0 : i32
        %dma_start3A_87 = tpu.memref_slice %arg15[%dma_start3A] : memref<6672xi32, #tpu.memory_space<vmem>> -> memref<6672xi32, #tpu.memory_space<vmem>>
        %dma_start3A_88 = arith.constant 86736 : i32
        %dma_start3A_89 = tpu.memref_slice %arg2[%dma_start3A_88] : memref<100000xi32, #tpu.memory_space<hbm>> -> memref<6672xi32, #tpu.memory_space<hbm>>
        %dma_start3A_90 = arith.constant 0 : i32
        %dma_start3A_91 = tpu.memref_slice %arg15[%dma_start3A_90] : memref<6672xi32, #tpu.memory_space<vmem>> -> memref<6672xi32, #tpu.memory_space<vmem>>
        %dma_start3A_92 = arith.constant 86736 : i32
        %dma_start3A_93 = tpu.memref_slice %arg2[%dma_start3A_92] : memref<100000xi32, #tpu.memory_space<hbm>> -> memref<6672xi32, #tpu.memory_space<hbm>>
        tpu.enqueue_dma source(%dma_start3A_93 : memref<6672xi32, #tpu.memory_space<hbm>>) target(%dma_start3A_91 : memref<6672xi32, #tpu.memory_space<vmem>>) target_semaphore(%arg17 : memref<!tpu.dma_semaphore, #tpu.memory_space<semaphore_mem>>)
        %dma_start3A_94 = arith.constant 0 : i32
        %dma_start3A_95 = tpu.memref_slice %arg16[%dma_start3A_94] : memref<6672xf32, #tpu.memory_space<vmem>> -> memref<6672xf32, #tpu.memory_space<vmem>>
        %dma_start3A_96 = arith.constant 86736 : i32
        %dma_start3A_97 = tpu.memref_slice %arg3[%dma_start3A_96] : memref<100000xf32, #tpu.memory_space<hbm>> -> memref<6672xf32, #tpu.memory_space<hbm>>
        %dma_start3A_98 = arith.constant 0 : i32
        %dma_start3A_99 = tpu.memref_slice %arg16[%dma_start3A_98] : memref<6672xf32, #tpu.memory_space<vmem>> -> memref<6672xf32, #tpu.memory_space<vmem>>
        %dma_start3A_100 = arith.constant 86736 : i32
        %dma_start3A_101 = tpu.memref_slice %arg3[%dma_start3A_100] : memref<100000xf32, #tpu.memory_space<hbm>> -> memref<6672xf32, #tpu.memory_space<hbm>>
        tpu.enqueue_dma source(%dma_start3A_101 : memref<6672xf32, #tpu.memory_space<hbm>>) target(%dma_start3A_99 : memref<6672xf32, #tpu.memory_space<vmem>>) target_semaphore(%arg18 : memref<!tpu.dma_semaphore, #tpu.memory_space<semaphore_mem>>)
        %dma_wait3A = arith.constant 0 : i32
        %dma_wait3A_102 = tpu.memref_slice %arg15[%dma_wait3A] : memref<6672xi32, #tpu.memory_space<vmem>> -> memref<6672xi32, #tpu.memory_space<vmem>>
        %dma_wait3A_103 = arith.constant 86736 : i32
        %dma_wait3A_104 = tpu.memref_slice %arg2[%dma_wait3A_103] : memref<100000xi32, #tpu.memory_space<hbm>> -> memref<6672xi32, #tpu.memory_space<hbm>>
        %dma_wait3A_105 = arith.constant 0 : i32
        %dma_wait3A_106 = tpu.memref_slice %arg15[%dma_wait3A_105] : memref<6672xi32, #tpu.memory_space<vmem>> -> memref<6672xi32, #tpu.memory_space<vmem>>
        %dma_wait3A_107 = arith.constant 86736 : i32
        %dma_wait3A_108 = tpu.memref_slice %arg2[%dma_wait3A_107] : memref<100000xi32, #tpu.memory_space<hbm>> -> memref<6672xi32, #tpu.memory_space<hbm>>
        tpu.wait_dma2 semaphore(%arg17 : memref<!tpu.dma_semaphore, #tpu.memory_space<semaphore_mem>>) src(%dma_wait3A_108 : memref<6672xi32, #tpu.memory_space<hbm>>) dst(%dma_wait3A_106 : memref<6672xi32, #tpu.memory_space<vmem>>)
        %dma_wait3A_109 = arith.constant 0 : i32
        %dma_wait3A_110 = tpu.memref_slice %arg16[%dma_wait3A_109] : memref<6672xf32, #tpu.memory_space<vmem>> -> memref<6672xf32, #tpu.memory_space<vmem>>
        %dma_wait3A_111 = arith.constant 86736 : i32
        %dma_wait3A_112 = tpu.memref_slice %arg3[%dma_wait3A_111] : memref<100000xf32, #tpu.memory_space<hbm>> -> memref<6672xf32, #tpu.memory_space<hbm>>
        %dma_wait3A_113 = arith.constant 0 : i32
        %dma_wait3A_114 = tpu.memref_slice %arg16[%dma_wait3A_113] : memref<6672xf32, #tpu.memory_space<vmem>> -> memref<6672xf32, #tpu.memory_space<vmem>>
        %dma_wait3A_115 = arith.constant 86736 : i32
        %dma_wait3A_116 = tpu.memref_slice %arg3[%dma_wait3A_115] : memref<100000xf32, #tpu.memory_space<hbm>> -> memref<6672xf32, #tpu.memory_space<hbm>>
        tpu.wait_dma2 semaphore(%arg18 : memref<!tpu.dma_semaphore, #tpu.memory_space<semaphore_mem>>) src(%dma_wait3A_116 : memref<6672xf32, #tpu.memory_space<hbm>>) dst(%dma_wait3A_114 : memref<6672xf32, #tpu.memory_space<vmem>>)
        %dma_start3A_117 = arith.constant 0 : i32
        %dma_start3A_118 = tpu.memref_slice %arg15[%dma_start3A_117] : memref<6672xi32, #tpu.memory_space<vmem>> -> memref<6672xi32, #tpu.memory_space<vmem>>
        %dma_start3A_119 = arith.constant 86736 : i32
        %dma_start3A_120 = tpu.memref_slice %arg5[%dma_start3A_119] : memref<100000xi32, #tpu.memory_space<hbm>> -> memref<6672xi32, #tpu.memory_space<hbm>>
        %dma_start3A_121 = arith.constant 86736 : i32
        %dma_start3A_122 = tpu.memref_slice %arg5[%dma_start3A_121] : memref<100000xi32, #tpu.memory_space<hbm>> -> memref<6672xi32, #tpu.memory_space<hbm>>
        %dma_start3A_123 = arith.constant 0 : i32
        %dma_start3A_124 = tpu.memref_slice %arg15[%dma_start3A_123] : memref<6672xi32, #tpu.memory_space<vmem>> -> memref<6672xi32, #tpu.memory_space<vmem>>
        tpu.enqueue_dma source(%dma_start3A_124 : memref<6672xi32, #tpu.memory_space<vmem>>) target(%dma_start3A_122 : memref<6672xi32, #tpu.memory_space<hbm>>) target_semaphore(%arg17 : memref<!tpu.dma_semaphore, #tpu.memory_space<semaphore_mem>>)
        %dma_start3A_125 = arith.constant 0 : i32
        %dma_start3A_126 = tpu.memref_slice %arg16[%dma_start3A_125] : memref<6672xf32, #tpu.memory_space<vmem>> -> memref<6672xf32, #tpu.memory_space<vmem>>
        %dma_start3A_127 = arith.constant 86736 : i32
        %dma_start3A_128 = tpu.memref_slice %arg6[%dma_start3A_127] : memref<100000xf32, #tpu.memory_space<hbm>> -> memref<6672xf32, #tpu.memory_space<hbm>>
        %dma_start3A_129 = arith.constant 86736 : i32
        %dma_start3A_130 = tpu.memref_slice %arg6[%dma_start3A_129] : memref<100000xf32, #tpu.memory_space<hbm>> -> memref<6672xf32, #tpu.memory_space<hbm>>
        %dma_start3A_131 = arith.constant 0 : i32
        %dma_start3A_132 = tpu.memref_slice %arg16[%dma_start3A_131] : memref<6672xf32, #tpu.memory_space<vmem>> -> memref<6672xf32, #tpu.memory_space<vmem>>
        tpu.enqueue_dma source(%dma_start3A_132 : memref<6672xf32, #tpu.memory_space<vmem>>) target(%dma_start3A_130 : memref<6672xf32, #tpu.memory_space<hbm>>) target_semaphore(%arg18 : memref<!tpu.dma_semaphore, #tpu.memory_space<semaphore_mem>>)
        %dma_wait3A_133 = arith.constant 0 : i32
        %dma_wait3A_134 = tpu.memref_slice %arg15[%dma_wait3A_133] : memref<6672xi32, #tpu.memory_space<vmem>> -> memref<6672xi32, #tpu.memory_space<vmem>>
        %dma_wait3A_135 = arith.constant 86736 : i32
        %dma_wait3A_136 = tpu.memref_slice %arg5[%dma_wait3A_135] : memref<100000xi32, #tpu.memory_space<hbm>> -> memref<6672xi32, #tpu.memory_space<hbm>>
        %dma_wait3A_137 = arith.constant 86736 : i32
        %dma_wait3A_138 = tpu.memref_slice %arg5[%dma_wait3A_137] : memref<100000xi32, #tpu.memory_space<hbm>> -> memref<6672xi32, #tpu.memory_space<hbm>>
        %dma_wait3A_139 = arith.constant 0 : i32
        %dma_wait3A_140 = tpu.memref_slice %arg15[%dma_wait3A_139] : memref<6672xi32, #tpu.memory_space<vmem>> -> memref<6672xi32, #tpu.memory_space<vmem>>
        tpu.wait_dma2 semaphore(%arg17 : memref<!tpu.dma_semaphore, #tpu.memory_space<semaphore_mem>>) src(%dma_wait3A_140 : memref<6672xi32, #tpu.memory_space<vmem>>) dst(%dma_wait3A_138 : memref<6672xi32, #tpu.memory_space<hbm>>)
        %dma_wait3A_141 = arith.constant 0 : i32
        %dma_wait3A_142 = tpu.memref_slice %arg16[%dma_wait3A_141] : memref<6672xf32, #tpu.memory_space<vmem>> -> memref<6672xf32, #tpu.memory_space<vmem>>
        %dma_wait3A_143 = arith.constant 86736 : i32
        %dma_wait3A_144 = tpu.memref_slice %arg6[%dma_wait3A_143] : memref<100000xf32, #tpu.memory_space<hbm>> -> memref<6672xf32, #tpu.memory_space<hbm>>
        %dma_wait3A_145 = arith.constant 86736 : i32
        %dma_wait3A_146 = tpu.memref_slice %arg6[%dma_wait3A_145] : memref<100000xf32, #tpu.memory_space<hbm>> -> memref<6672xf32, #tpu.memory_space<hbm>>
        %dma_wait3A_147 = arith.constant 0 : i32
        %dma_wait3A_148 = tpu.memref_slice %arg16[%dma_wait3A_147] : memref<6672xf32, #tpu.memory_space<vmem>> -> memref<6672xf32, #tpu.memory_space<vmem>>
        tpu.wait_dma2 semaphore(%arg18 : memref<!tpu.dma_semaphore, #tpu.memory_space<semaphore_mem>>) src(%dma_wait3A_148 : memref<6672xf32, #tpu.memory_space<vmem>>) dst(%dma_wait3A_146 : memref<6672xf32, #tpu.memory_space<hbm>>)
      } else {
      }
      %eq3A_72 = arith.constant 15 : i32
      %eq3A_73 = arith.cmpi eq, %arg1, %eq3A_72 : i32
      %convert_element_type3A_74 = arith.extui %eq3A_73 : i1 to i32
      %cond3A_75 = arith.constant 0 : i32
      %cond3A_76 = arith.cmpi ne, %convert_element_type3A_74, %cond3A_75 : i32
      scf.if %cond3A_76 {
        %dma_start3A = arith.constant 0 : i32
        %dma_start3A_87 = tpu.memref_slice %arg15[%dma_start3A] : memref<6672xi32, #tpu.memory_space<vmem>> -> memref<6592xi32, #tpu.memory_space<vmem>>
        %dma_start3A_88 = arith.constant 93408 : i32
        %dma_start3A_89 = tpu.memref_slice %arg2[%dma_start3A_88] : memref<100000xi32, #tpu.memory_space<hbm>> -> memref<6592xi32, #tpu.memory_space<hbm>>
        %dma_start3A_90 = arith.constant 0 : i32
        %dma_start3A_91 = tpu.memref_slice %arg15[%dma_start3A_90] : memref<6672xi32, #tpu.memory_space<vmem>> -> memref<6592xi32, #tpu.memory_space<vmem>>
        %dma_start3A_92 = arith.constant 93408 : i32
        %dma_start3A_93 = tpu.memref_slice %arg2[%dma_start3A_92] : memref<100000xi32, #tpu.memory_space<hbm>> -> memref<6592xi32, #tpu.memory_space<hbm>>
        tpu.enqueue_dma source(%dma_start3A_93 : memref<6592xi32, #tpu.memory_space<hbm>>) target(%dma_start3A_91 : memref<6592xi32, #tpu.memory_space<vmem>>) target_semaphore(%arg17 : memref<!tpu.dma_semaphore, #tpu.memory_space<semaphore_mem>>)
        %dma_start3A_94 = arith.constant 0 : i32
        %dma_start3A_95 = tpu.memref_slice %arg16[%dma_start3A_94] : memref<6672xf32, #tpu.memory_space<vmem>> -> memref<6592xf32, #tpu.memory_space<vmem>>
        %dma_start3A_96 = arith.constant 93408 : i32
        %dma_start3A_97 = tpu.memref_slice %arg3[%dma_start3A_96] : memref<100000xf32, #tpu.memory_space<hbm>> -> memref<6592xf32, #tpu.memory_space<hbm>>
        %dma_start3A_98 = arith.constant 0 : i32
        %dma_start3A_99 = tpu.memref_slice %arg16[%dma_start3A_98] : memref<6672xf32, #tpu.memory_space<vmem>> -> memref<6592xf32, #tpu.memory_space<vmem>>
        %dma_start3A_100 = arith.constant 93408 : i32
        %dma_start3A_101 = tpu.memref_slice %arg3[%dma_start3A_100] : memref<100000xf32, #tpu.memory_space<hbm>> -> memref<6592xf32, #tpu.memory_space<hbm>>
        tpu.enqueue_dma source(%dma_start3A_101 : memref<6592xf32, #tpu.memory_space<hbm>>) target(%dma_start3A_99 : memref<6592xf32, #tpu.memory_space<vmem>>) target_semaphore(%arg18 : memref<!tpu.dma_semaphore, #tpu.memory_space<semaphore_mem>>)
        %dma_wait3A = arith.constant 0 : i32
        %dma_wait3A_102 = tpu.memref_slice %arg15[%dma_wait3A] : memref<6672xi32, #tpu.memory_space<vmem>> -> memref<6592xi32, #tpu.memory_space<vmem>>
        %dma_wait3A_103 = arith.constant 93408 : i32
        %dma_wait3A_104 = tpu.memref_slice %arg2[%dma_wait3A_103] : memref<100000xi32, #tpu.memory_space<hbm>> -> memref<6592xi32, #tpu.memory_space<hbm>>
        %dma_wait3A_105 = arith.constant 0 : i32
        %dma_wait3A_106 = tpu.memref_slice %arg15[%dma_wait3A_105] : memref<6672xi32, #tpu.memory_space<vmem>> -> memref<6592xi32, #tpu.memory_space<vmem>>
        %dma_wait3A_107 = arith.constant 93408 : i32
        %dma_wait3A_108 = tpu.memref_slice %arg2[%dma_wait3A_107] : memref<100000xi32, #tpu.memory_space<hbm>> -> memref<6592xi32, #tpu.memory_space<hbm>>
        tpu.wait_dma2 semaphore(%arg17 : memref<!tpu.dma_semaphore, #tpu.memory_space<semaphore_mem>>) src(%dma_wait3A_108 : memref<6592xi32, #tpu.memory_space<hbm>>) dst(%dma_wait3A_106 : memref<6592xi32, #tpu.memory_space<vmem>>)
        %dma_wait3A_109 = arith.constant 0 : i32
        %dma_wait3A_110 = tpu.memref_slice %arg16[%dma_wait3A_109] : memref<6672xf32, #tpu.memory_space<vmem>> -> memref<6592xf32, #tpu.memory_space<vmem>>
        %dma_wait3A_111 = arith.constant 93408 : i32
        %dma_wait3A_112 = tpu.memref_slice %arg3[%dma_wait3A_111] : memref<100000xf32, #tpu.memory_space<hbm>> -> memref<6592xf32, #tpu.memory_space<hbm>>
        %dma_wait3A_113 = arith.constant 0 : i32
        %dma_wait3A_114 = tpu.memref_slice %arg16[%dma_wait3A_113] : memref<6672xf32, #tpu.memory_space<vmem>> -> memref<6592xf32, #tpu.memory_space<vmem>>
        %dma_wait3A_115 = arith.constant 93408 : i32
        %dma_wait3A_116 = tpu.memref_slice %arg3[%dma_wait3A_115] : memref<100000xf32, #tpu.memory_space<hbm>> -> memref<6592xf32, #tpu.memory_space<hbm>>
        tpu.wait_dma2 semaphore(%arg18 : memref<!tpu.dma_semaphore, #tpu.memory_space<semaphore_mem>>) src(%dma_wait3A_116 : memref<6592xf32, #tpu.memory_space<hbm>>) dst(%dma_wait3A_114 : memref<6592xf32, #tpu.memory_space<vmem>>)
        %dma_start3A_117 = arith.constant 0 : i32
        %dma_start3A_118 = tpu.memref_slice %arg15[%dma_start3A_117] : memref<6672xi32, #tpu.memory_space<vmem>> -> memref<6592xi32, #tpu.memory_space<vmem>>
        %dma_start3A_119 = arith.constant 93408 : i32
        %dma_start3A_120 = tpu.memref_slice %arg5[%dma_start3A_119] : memref<100000xi32, #tpu.memory_space<hbm>> -> memref<6592xi32, #tpu.memory_space<hbm>>
        %dma_start3A_121 = arith.constant 93408 : i32
        %dma_start3A_122 = tpu.memref_slice %arg5[%dma_start3A_121] : memref<100000xi32, #tpu.memory_space<hbm>> -> memref<6592xi32, #tpu.memory_space<hbm>>
        %dma_start3A_123 = arith.constant 0 : i32
        %dma_start3A_124 = tpu.memref_slice %arg15[%dma_start3A_123] : memref<6672xi32, #tpu.memory_space<vmem>> -> memref<6592xi32, #tpu.memory_space<vmem>>
        tpu.enqueue_dma source(%dma_start3A_124 : memref<6592xi32, #tpu.memory_space<vmem>>) target(%dma_start3A_122 : memref<6592xi32, #tpu.memory_space<hbm>>) target_semaphore(%arg17 : memref<!tpu.dma_semaphore, #tpu.memory_space<semaphore_mem>>)
        %dma_start3A_125 = arith.constant 0 : i32
        %dma_start3A_126 = tpu.memref_slice %arg16[%dma_start3A_125] : memref<6672xf32, #tpu.memory_space<vmem>> -> memref<6592xf32, #tpu.memory_space<vmem>>
        %dma_start3A_127 = arith.constant 93408 : i32
        %dma_start3A_128 = tpu.memref_slice %arg6[%dma_start3A_127] : memref<100000xf32, #tpu.memory_space<hbm>> -> memref<6592xf32, #tpu.memory_space<hbm>>
        %dma_start3A_129 = arith.constant 93408 : i32
        %dma_start3A_130 = tpu.memref_slice %arg6[%dma_start3A_129] : memref<100000xf32, #tpu.memory_space<hbm>> -> memref<6592xf32, #tpu.memory_space<hbm>>
        %dma_start3A_131 = arith.constant 0 : i32
        %dma_start3A_132 = tpu.memref_slice %arg16[%dma_start3A_131] : memref<6672xf32, #tpu.memory_space<vmem>> -> memref<6592xf32, #tpu.memory_space<vmem>>
        tpu.enqueue_dma source(%dma_start3A_132 : memref<6592xf32, #tpu.memory_space<vmem>>) target(%dma_start3A_130 : memref<6592xf32, #tpu.memory_space<hbm>>) target_semaphore(%arg18 : memref<!tpu.dma_semaphore, #tpu.memory_space<semaphore_mem>>)
        %dma_wait3A_133 = arith.constant 0 : i32
        %dma_wait3A_134 = tpu.memref_slice %arg15[%dma_wait3A_133] : memref<6672xi32, #tpu.memory_space<vmem>> -> memref<6592xi32, #tpu.memory_space<vmem>>
        %dma_wait3A_135 = arith.constant 93408 : i32
        %dma_wait3A_136 = tpu.memref_slice %arg5[%dma_wait3A_135] : memref<100000xi32, #tpu.memory_space<hbm>> -> memref<6592xi32, #tpu.memory_space<hbm>>
        %dma_wait3A_137 = arith.constant 93408 : i32
        %dma_wait3A_138 = tpu.memref_slice %arg5[%dma_wait3A_137] : memref<100000xi32, #tpu.memory_space<hbm>> -> memref<6592xi32, #tpu.memory_space<hbm>>
        %dma_wait3A_139 = arith.constant 0 : i32
        %dma_wait3A_140 = tpu.memref_slice %arg15[%dma_wait3A_139] : memref<6672xi32, #tpu.memory_space<vmem>> -> memref<6592xi32, #tpu.memory_space<vmem>>
        tpu.wait_dma2 semaphore(%arg17 : memref<!tpu.dma_semaphore, #tpu.memory_space<semaphore_mem>>) src(%dma_wait3A_140 : memref<6592xi32, #tpu.memory_space<vmem>>) dst(%dma_wait3A_138 : memref<6592xi32, #tpu.memory_space<hbm>>)
        %dma_wait3A_141 = arith.constant 0 : i32
        %dma_wait3A_142 = tpu.memref_slice %arg16[%dma_wait3A_141] : memref<6672xf32, #tpu.memory_space<vmem>> -> memref<6592xf32, #tpu.memory_space<vmem>>
        %dma_wait3A_143 = arith.constant 93408 : i32
        %dma_wait3A_144 = tpu.memref_slice %arg6[%dma_wait3A_143] : memref<100000xf32, #tpu.memory_space<hbm>> -> memref<6592xf32, #tpu.memory_space<hbm>>
        %dma_wait3A_145 = arith.constant 93408 : i32
        %dma_wait3A_146 = tpu.memref_slice %arg6[%dma_wait3A_145] : memref<100000xf32, #tpu.memory_space<hbm>> -> memref<6592xf32, #tpu.memory_space<hbm>>
        %dma_wait3A_147 = arith.constant 0 : i32
        %dma_wait3A_148 = tpu.memref_slice %arg16[%dma_wait3A_147] : memref<6672xf32, #tpu.memory_space<vmem>> -> memref<6592xf32, #tpu.memory_space<vmem>>
        tpu.wait_dma2 semaphore(%arg18 : memref<!tpu.dma_semaphore, #tpu.memory_space<semaphore_mem>>) src(%dma_wait3A_148 : memref<6592xf32, #tpu.memory_space<vmem>>) dst(%dma_wait3A_146 : memref<6592xf32, #tpu.memory_space<hbm>>)
      } else {
      }
      %eq3A_77 = arith.constant 0 : i32
      %eq3A_78 = arith.cmpi eq, %arg1, %eq3A_77 : i32
      %convert_element_type3A_79 = arith.extui %eq3A_78 : i1 to i32
      %cond3A_80 = arith.constant 0 : i32
      %cond3A_81 = arith.cmpi ne, %convert_element_type3A_79, %cond3A_80 : i32
      scf.if %cond3A_81 {
        "tpu.region"() ({
          %run_scoped3A = tpu.sem_alloc : memref<!tpu.dma_semaphore, #tpu.memory_space<semaphore_mem>>
          tpu.enqueue_dma source(%arg4 : memref<16xi32, #tpu.memory_space<hbm>>) target(%arg7 : memref<16xi32, #tpu.memory_space<vmem>>) target_semaphore(%run_scoped3A : memref<!tpu.dma_semaphore, #tpu.memory_space<semaphore_mem>>)
          tpu.wait_dma2 semaphore(%run_scoped3A : memref<!tpu.dma_semaphore, #tpu.memory_space<semaphore_mem>>) src(%arg4 : memref<16xi32, #tpu.memory_space<hbm>>) dst(%arg7 : memref<16xi32, #tpu.memory_space<vmem>>)
          tpu.yield
        }) : () -> ()
        %get3A = arith.constant 0 : index
        %get3A_87 = tpu.vector_load %arg7[%get3A] {strides = array<i32>} : memref<16xi32, #tpu.memory_space<vmem>>, vector<16xi32>,
        %get3A_88 = vector.shape_cast %get3A_87 : vector<16xi32> to vector<16xi32>
        %slice3A = vector.extract_strided_slice %get3A_88 {offsets = [0], sizes = [1], strides = [1]} : vector<16xi32> to vector<1xi32>
        %squeeze3A = vector.extract %slice3A[0] : i32 from vector<1xi32>
        %slice3A_89 = vector.extract_strided_slice %get3A_88 {offsets = [1], sizes = [1], strides = [1]} : vector<16xi32> to vector<1xi32>
        %squeeze3A_90 = vector.extract %slice3A_89[0] : i32 from vector<1xi32>
        %slice3A_91 = vector.extract_strided_slice %get3A_88 {offsets = [2], sizes = [1], strides = [1]} : vector<16xi32> to vector<1xi32>
        %squeeze3A_92 = vector.extract %slice3A_91[0] : i32 from vector<1xi32>
        %eq3A_93 = arith.constant 0 : i32
        %eq3A_94 = vector.broadcast %eq3A_93 : i32 to vector<16xi32>
        %eq3A_95 = arith.cmpi eq, %iota3A, %eq3A_94 : vector<16xi32>
        %broadcast_in_dim3A = vector.broadcast %squeeze3A : i32 to vector<16xi32>
        %broadcast_in_dim3A_96 = vector.broadcast %squeeze3A_90 : i32 to vector<16xi32>
        %select_n3A = arith.select %eq3A_95, %broadcast_in_dim3A, %broadcast_in_dim3A_96 : vector<16xi1>, vector<16xi32>
        %swap3A = arith.constant 0 : index
        %swap3A_97 = tpu.vector_load %arg8[%swap3A] {strides = array<i32>} : memref<16xi32, #tpu.memory_space<vmem>>, vector<16xi32>,
        %swap3A_98 = vector.shape_cast %swap3A_97 : vector<16xi32> to vector<16xi32>
        %swap3A_99 = vector.shape_cast %select_n3A : vector<16xi32> to vector<16xi32>
        tpu.vector_store %arg8[%swap3A], %swap3A_99 {strides = array<i32>} : memref<16xi32, #tpu.memory_space<vmem>>, vector<16xi32>,
        %dma_start3A = arith.constant 0 : i32
        %dma_start3A_100 = tpu.memref_slice %arg2[%dma_start3A] : memref<100000xi32, #tpu.memory_space<hbm>> -> memref<100000xi32, #tpu.memory_space<hbm>>
        tpu.enqueue_indirect_dma source(%dma_start3A_100 : memref<100000xi32, #tpu.memory_space<hbm>>) target(%arg9 : memref<16xi32, #tpu.memory_space<vmem>>) offsets(%arg8 : memref<16xi32, #tpu.memory_space<vmem>>) semaphore(%arg17 : memref<!tpu.dma_semaphore, #tpu.memory_space<semaphore_mem>>)
        %dma_wait3A = arith.constant 0 : i32
        %dma_wait3A_101 = tpu.memref_slice %arg2[%dma_wait3A] : memref<100000xi32, #tpu.memory_space<hbm>> -> memref<100000xi32, #tpu.memory_space<hbm>>
        tpu.wait_indirect_dma semaphore(%arg17 : memref<!tpu.dma_semaphore, #tpu.memory_space<semaphore_mem>>) src(%dma_wait3A_101 : memref<100000xi32, #tpu.memory_space<hbm>>) dst(%arg9 : memref<16xi32, #tpu.memory_space<vmem>>)
        %get3A_102 = arith.constant 0 : index
        %get3A_103 = tpu.vector_load %arg9[%get3A_102] {strides = array<i32>} : memref<16xi32, #tpu.memory_space<vmem>>, vector<16xi32>,
        %get3A_104 = vector.shape_cast %get3A_103 : vector<16xi32> to vector<16xi32>
        %slice3A_105 = vector.extract_strided_slice %get3A_104 {offsets = [0], sizes = [1], strides = [1]} : vector<16xi32> to vector<1xi32>
        %squeeze3A_106 = vector.extract %slice3A_105[0] : i32 from vector<1xi32>
        %slice3A_107 = vector.extract_strided_slice %get3A_104 {offsets = [1], sizes = [1], strides = [1]} : vector<16xi32> to vector<1xi32>
        %squeeze3A_108 = vector.extract %slice3A_107[0] : i32 from vector<1xi32>
        %eq3A_109 = arith.cmpi eq, %squeeze3A_106, %squeeze3A : i32
        %convert_element_type3A_110 = arith.extui %eq3A_109 : i1 to i32
        %cond3A_111 = arith.constant 0 : i32
        %cond3A_112 = arith.cmpi ne, %convert_element_type3A_110, %cond3A_111 : i32
        %cond3A_113 = scf.if %cond3A_112 -> (i32) {
          scf.yield %squeeze3A : i32
        } else {
          %scan3A = arith.constant 0 : i32
          %scan3A_166 = arith.constant 17 : i32
          %scan3A_167 = arith.addi %scan3A, %scan3A_166 : i32
          %scan3A_168 = arith.constant 1 : i32
          %scan3A_169:2 = scf.for %scan3A_171 = %scan3A to %scan3A_167 step %scan3A_168 iter_args(%scan3A_172 = %squeeze3A, %scan3A_173 = %squeeze3A_106) -> (i32, i32)  : i32 {
            %eq3A_174 = arith.cmpi eq, %scan3A_173, %scan3A_172 : i32
            %shift_left3A = arith.constant 1 : i32
            %shift_left3A_175 = arith.shli %shift_left3A, %scan3A_171 : i32
            %jit3A = arith.constant 0 : i32
            %select_n3A_176 = arith.select %eq3A_174, %jit3A, %shift_left3A_175 : i32
            %while3A = arith.constant 0 : i32
            %while3A_177 = arith.subi %select_n3A_176, %while3A : i32
            %while3A_178 = arith.addi %while3A, %while3A_177 : i32
            %while3A_179 = arith.constant 1 : i32
            %while3A_180 = arith.divsi %while3A_177, %while3A_179 : i32
            %while3A_181 = arith.muli %while3A_180, %while3A_179 : i32
            %while3A_182 = arith.addi %while3A, %while3A_181 : i32
            %while3A_183 = arith.constant 1 : i32
            %while3A_184:2 = scf.for %while3A_187 = %while3A to %while3A_182 step %while3A_183 iter_args(%while3A_188 = %scan3A_172, %while3A_189 = %scan3A_173) -> (i32, i32)  : i32 {
              %broadcast_in_dim3A_190 = vector.broadcast %while3A_189 : i32 to vector<16xi32>
              %swap3A_191 = arith.constant 0 : index
              %swap3A_192 = tpu.vector_load %arg8[%swap3A_191] {strides = array<i32>} : memref<16xi32, #tpu.memory_space<vmem>>, vector<16xi32>,
              %swap3A_193 = vector.shape_cast %swap3A_192 : vector<16xi32> to vector<16xi32>
              %swap3A_194 = vector.shape_cast %broadcast_in_dim3A_190 : vector<16xi32> to vector<16xi32>
              tpu.vector_store %arg8[%swap3A_191], %swap3A_194 {strides = array<i32>} : memref<16xi32, #tpu.memory_space<vmem>>, vector<16xi32>,
              %dma_start3A_195 = arith.constant 0 : i32
              %dma_start3A_196 = tpu.memref_slice %arg2[%dma_start3A_195] : memref<100000xi32, #tpu.memory_space<hbm>> -> memref<100000xi32, #tpu.memory_space<hbm>>
              tpu.enqueue_indirect_dma source(%dma_start3A_196 : memref<100000xi32, #tpu.memory_space<hbm>>) target(%arg9 : memref<16xi32, #tpu.memory_space<vmem>>) offsets(%arg8 : memref<16xi32, #tpu.memory_space<vmem>>) semaphore(%arg17 : memref<!tpu.dma_semaphore, #tpu.memory_space<semaphore_mem>>)
              %dma_wait3A_197 = arith.constant 0 : i32
              %dma_wait3A_198 = tpu.memref_slice %arg2[%dma_wait3A_197] : memref<100000xi32, #tpu.memory_space<hbm>> -> memref<100000xi32, #tpu.memory_space<hbm>>
              tpu.wait_indirect_dma semaphore(%arg17 : memref<!tpu.dma_semaphore, #tpu.memory_space<semaphore_mem>>) src(%dma_wait3A_198 : memref<100000xi32, #tpu.memory_space<hbm>>) dst(%arg9 : memref<16xi32, #tpu.memory_space<vmem>>)
              %get3A_199 = arith.constant 0 : index
              %get3A_200 = tpu.vector_load %arg9[%get3A_199] {strides = array<i32>} : memref<16xi32, #tpu.memory_space<vmem>>, vector<16xi32>,
              %get3A_201 = vector.shape_cast %get3A_200 : vector<16xi32> to vector<16xi32>
              %slice3A_202 = vector.extract_strided_slice %get3A_201 {offsets = [0], sizes = [1], strides = [1]} : vector<16xi32> to vector<1xi32>
              %squeeze3A_203 = vector.extract %slice3A_202[0] : i32 from vector<1xi32>
              scf.yield %while3A_189, %squeeze3A_203 : i32, i32
            }
            %while3A_185 = arith.constant 1 : i32
            %while3A_186:2 = scf.for %while3A_187 = %while3A_182 to %while3A_178 step %while3A_185 iter_args(%while3A_188 = %while3A_184#0, %while3A_189 = %while3A_184#1) -> (i32, i32)  : i32 {
              %broadcast_in_dim3A_190 = vector.broadcast %while3A_189 : i32 to vector<16xi32>
              %swap3A_191 = arith.constant 0 : index
              %swap3A_192 = tpu.vector_load %arg8[%swap3A_191] {strides = array<i32>} : memref<16xi32, #tpu.memory_space<vmem>>, vector<16xi32>,
              %swap3A_193 = vector.shape_cast %swap3A_192 : vector<16xi32> to vector<16xi32>
              %swap3A_194 = vector.shape_cast %broadcast_in_dim3A_190 : vector<16xi32> to vector<16xi32>
              tpu.vector_store %arg8[%swap3A_191], %swap3A_194 {strides = array<i32>} : memref<16xi32, #tpu.memory_space<vmem>>, vector<16xi32>,
              %dma_start3A_195 = arith.constant 0 : i32
              %dma_start3A_196 = tpu.memref_slice %arg2[%dma_start3A_195] : memref<100000xi32, #tpu.memory_space<hbm>> -> memref<100000xi32, #tpu.memory_space<hbm>>
              tpu.enqueue_indirect_dma source(%dma_start3A_196 : memref<100000xi32, #tpu.memory_space<hbm>>) target(%arg9 : memref<16xi32, #tpu.memory_space<vmem>>) offsets(%arg8 : memref<16xi32, #tpu.memory_space<vmem>>) semaphore(%arg17 : memref<!tpu.dma_semaphore, #tpu.memory_space<semaphore_mem>>)
              %dma_wait3A_197 = arith.constant 0 : i32
              %dma_wait3A_198 = tpu.memref_slice %arg2[%dma_wait3A_197] : memref<100000xi32, #tpu.memory_space<hbm>> -> memref<100000xi32, #tpu.memory_space<hbm>>
              tpu.wait_indirect_dma semaphore(%arg17 : memref<!tpu.dma_semaphore, #tpu.memory_space<semaphore_mem>>) src(%dma_wait3A_198 : memref<100000xi32, #tpu.memory_space<hbm>>) dst(%arg9 : memref<16xi32, #tpu.memory_space<vmem>>)
              %get3A_199 = arith.constant 0 : index
              %get3A_200 = tpu.vector_load %arg9[%get3A_199] {strides = array<i32>} : memref<16xi32, #tpu.memory_space<vmem>>, vector<16xi32>,
              %get3A_201 = vector.shape_cast %get3A_200 : vector<16xi32> to vector<16xi32>
              %slice3A_202 = vector.extract_strided_slice %get3A_201 {offsets = [0], sizes = [1], strides = [1]} : vector<16xi32> to vector<1xi32>
              %squeeze3A_203 = vector.extract %slice3A_202[0] : i32 from vector<1xi32>
              scf.yield %while3A_189, %squeeze3A_203 : i32, i32
            }
            scf.yield %while3A_186#0, %while3A_186#1 : i32, i32
          }
          %scan3A_170 = arith.constant 17 : i32
          scf.yield %scan3A_169#0 : i32
        }
        %eq3A_114 = arith.cmpi eq, %squeeze3A_108, %squeeze3A_90 : i32
        %convert_element_type3A_115 = arith.extui %eq3A_114 : i1 to i32
        %cond3A_116 = arith.constant 0 : i32
        %cond3A_117 = arith.cmpi ne, %convert_element_type3A_115, %cond3A_116 : i32
        %cond3A_118 = scf.if %cond3A_117 -> (i32) {
          scf.yield %squeeze3A_90 : i32
        } else {
          %scan3A = arith.constant 0 : i32
          %scan3A_166 = arith.constant 17 : i32
          %scan3A_167 = arith.addi %scan3A, %scan3A_166 : i32
          %scan3A_168 = arith.constant 1 : i32
          %scan3A_169:2 = scf.for %scan3A_171 = %scan3A to %scan3A_167 step %scan3A_168 iter_args(%scan3A_172 = %squeeze3A_90, %scan3A_173 = %squeeze3A_108) -> (i32, i32)  : i32 {
            %eq3A_174 = arith.cmpi eq, %scan3A_173, %scan3A_172 : i32
            %shift_left3A = arith.constant 1 : i32
            %shift_left3A_175 = arith.shli %shift_left3A, %scan3A_171 : i32
            %jit3A = arith.constant 0 : i32
            %select_n3A_176 = arith.select %eq3A_174, %jit3A, %shift_left3A_175 : i32
            %while3A = arith.constant 0 : i32
            %while3A_177 = arith.subi %select_n3A_176, %while3A : i32
            %while3A_178 = arith.addi %while3A, %while3A_177 : i32
            %while3A_179 = arith.constant 1 : i32
            %while3A_180 = arith.divsi %while3A_177, %while3A_179 : i32
            %while3A_181 = arith.muli %while3A_180, %while3A_179 : i32
            %while3A_182 = arith.addi %while3A, %while3A_181 : i32
            %while3A_183 = arith.constant 1 : i32
            %while3A_184:2 = scf.for %while3A_187 = %while3A to %while3A_182 step %while3A_183 iter_args(%while3A_188 = %scan3A_172, %while3A_189 = %scan3A_173) -> (i32, i32)  : i32 {
              %broadcast_in_dim3A_190 = vector.broadcast %while3A_189 : i32 to vector<16xi32>
              %swap3A_191 = arith.constant 0 : index
              %swap3A_192 = tpu.vector_load %arg8[%swap3A_191] {strides = array<i32>} : memref<16xi32, #tpu.memory_space<vmem>>, vector<16xi32>,
              %swap3A_193 = vector.shape_cast %swap3A_192 : vector<16xi32> to vector<16xi32>
              %swap3A_194 = vector.shape_cast %broadcast_in_dim3A_190 : vector<16xi32> to vector<16xi32>
              tpu.vector_store %arg8[%swap3A_191], %swap3A_194 {strides = array<i32>} : memref<16xi32, #tpu.memory_space<vmem>>, vector<16xi32>,
              %dma_start3A_195 = arith.constant 0 : i32
              %dma_start3A_196 = tpu.memref_slice %arg2[%dma_start3A_195] : memref<100000xi32, #tpu.memory_space<hbm>> -> memref<100000xi32, #tpu.memory_space<hbm>>
              tpu.enqueue_indirect_dma source(%dma_start3A_196 : memref<100000xi32, #tpu.memory_space<hbm>>) target(%arg9 : memref<16xi32, #tpu.memory_space<vmem>>) offsets(%arg8 : memref<16xi32, #tpu.memory_space<vmem>>) semaphore(%arg17 : memref<!tpu.dma_semaphore, #tpu.memory_space<semaphore_mem>>)
              %dma_wait3A_197 = arith.constant 0 : i32
              %dma_wait3A_198 = tpu.memref_slice %arg2[%dma_wait3A_197] : memref<100000xi32, #tpu.memory_space<hbm>> -> memref<100000xi32, #tpu.memory_space<hbm>>
              tpu.wait_indirect_dma semaphore(%arg17 : memref<!tpu.dma_semaphore, #tpu.memory_space<semaphore_mem>>) src(%dma_wait3A_198 : memref<100000xi32, #tpu.memory_space<hbm>>) dst(%arg9 : memref<16xi32, #tpu.memory_space<vmem>>)
              %get3A_199 = arith.constant 0 : index
              %get3A_200 = tpu.vector_load %arg9[%get3A_199] {strides = array<i32>} : memref<16xi32, #tpu.memory_space<vmem>>, vector<16xi32>,
              %get3A_201 = vector.shape_cast %get3A_200 : vector<16xi32> to vector<16xi32>
              %slice3A_202 = vector.extract_strided_slice %get3A_201 {offsets = [0], sizes = [1], strides = [1]} : vector<16xi32> to vector<1xi32>
              %squeeze3A_203 = vector.extract %slice3A_202[0] : i32 from vector<1xi32>
              scf.yield %while3A_189, %squeeze3A_203 : i32, i32
            }
            %while3A_185 = arith.constant 1 : i32
            %while3A_186:2 = scf.for %while3A_187 = %while3A_182 to %while3A_178 step %while3A_185 iter_args(%while3A_188 = %while3A_184#0, %while3A_189 = %while3A_184#1) -> (i32, i32)  : i32 {
              %broadcast_in_dim3A_190 = vector.broadcast %while3A_189 : i32 to vector<16xi32>
              %swap3A_191 = arith.constant 0 : index
              %swap3A_192 = tpu.vector_load %arg8[%swap3A_191] {strides = array<i32>} : memref<16xi32, #tpu.memory_space<vmem>>, vector<16xi32>,
              %swap3A_193 = vector.shape_cast %swap3A_192 : vector<16xi32> to vector<16xi32>
              %swap3A_194 = vector.shape_cast %broadcast_in_dim3A_190 : vector<16xi32> to vector<16xi32>
              tpu.vector_store %arg8[%swap3A_191], %swap3A_194 {strides = array<i32>} : memref<16xi32, #tpu.memory_space<vmem>>, vector<16xi32>,
              %dma_start3A_195 = arith.constant 0 : i32
              %dma_start3A_196 = tpu.memref_slice %arg2[%dma_start3A_195] : memref<100000xi32, #tpu.memory_space<hbm>> -> memref<100000xi32, #tpu.memory_space<hbm>>
              tpu.enqueue_indirect_dma source(%dma_start3A_196 : memref<100000xi32, #tpu.memory_space<hbm>>) target(%arg9 : memref<16xi32, #tpu.memory_space<vmem>>) offsets(%arg8 : memref<16xi32, #tpu.memory_space<vmem>>) semaphore(%arg17 : memref<!tpu.dma_semaphore, #tpu.memory_space<semaphore_mem>>)
              %dma_wait3A_197 = arith.constant 0 : i32
              %dma_wait3A_198 = tpu.memref_slice %arg2[%dma_wait3A_197] : memref<100000xi32, #tpu.memory_space<hbm>> -> memref<100000xi32, #tpu.memory_space<hbm>>
              tpu.wait_indirect_dma semaphore(%arg17 : memref<!tpu.dma_semaphore, #tpu.memory_space<semaphore_mem>>) src(%dma_wait3A_198 : memref<100000xi32, #tpu.memory_space<hbm>>) dst(%arg9 : memref<16xi32, #tpu.memory_space<vmem>>)
              %get3A_199 = arith.constant 0 : index
              %get3A_200 = tpu.vector_load %arg9[%get3A_199] {strides = array<i32>} : memref<16xi32, #tpu.memory_space<vmem>>, vector<16xi32>,
              %get3A_201 = vector.shape_cast %get3A_200 : vector<16xi32> to vector<16xi32>
              %slice3A_202 = vector.extract_strided_slice %get3A_201 {offsets = [0], sizes = [1], strides = [1]} : vector<16xi32> to vector<1xi32>
              %squeeze3A_203 = vector.extract %slice3A_202[0] : i32 from vector<1xi32>
              scf.yield %while3A_189, %squeeze3A_203 : i32, i32
            }
            scf.yield %while3A_186#0, %while3A_186#1 : i32, i32
          }
          %scan3A_170 = arith.constant 17 : i32
          scf.yield %scan3A_169#0 : i32
        }
        %eq3A_119 = arith.constant 0 : i32
        %eq3A_120 = vector.broadcast %eq3A_119 : i32 to vector<16xi32>
        %eq3A_121 = arith.cmpi eq, %iota3A, %eq3A_120 : vector<16xi32>
        %broadcast_in_dim3A_122 = vector.broadcast %cond3A_113 : i32 to vector<16xi32>
        %broadcast_in_dim3A_123 = vector.broadcast %cond3A_118 : i32 to vector<16xi32>
        %select_n3A_124 = arith.select %eq3A_121, %broadcast_in_dim3A_122, %broadcast_in_dim3A_123 : vector<16xi1>, vector<16xi32>
        %swap3A_125 = arith.constant 0 : index
        %swap3A_126 = tpu.vector_load %arg8[%swap3A_125] {strides = array<i32>} : memref<16xi32, #tpu.memory_space<vmem>>, vector<16xi32>,
        %swap3A_127 = vector.shape_cast %swap3A_126 : vector<16xi32> to vector<16xi32>
        %swap3A_128 = vector.shape_cast %select_n3A_124 : vector<16xi32> to vector<16xi32>
        tpu.vector_store %arg8[%swap3A_125], %swap3A_128 {strides = array<i32>} : memref<16xi32, #tpu.memory_space<vmem>>, vector<16xi32>,
        %dma_start3A_129 = arith.constant 0 : i32
        %dma_start3A_130 = tpu.memref_slice %arg3[%dma_start3A_129] : memref<100000xf32, #tpu.memory_space<hbm>> -> memref<100000xf32, #tpu.memory_space<hbm>>
        tpu.enqueue_indirect_dma source(%dma_start3A_130 : memref<100000xf32, #tpu.memory_space<hbm>>) target(%arg10 : memref<16xf32, #tpu.memory_space<vmem>>) offsets(%arg8 : memref<16xi32, #tpu.memory_space<vmem>>) semaphore(%arg17 : memref<!tpu.dma_semaphore, #tpu.memory_space<semaphore_mem>>)
        %eq3A_131 = arith.constant 0 : i32
        %eq3A_132 = vector.broadcast %eq3A_131 : i32 to vector<16xi32>
        %eq3A_133 = arith.cmpi eq, %iota3A, %eq3A_132 : vector<16xi32>
        %broadcast_in_dim3A_134 = vector.broadcast %squeeze3A : i32 to vector<16xi32>
        %broadcast_in_dim3A_135 = vector.broadcast %squeeze3A_90 : i32 to vector<16xi32>
        %select_n3A_136 = arith.select %eq3A_133, %broadcast_in_dim3A_134, %broadcast_in_dim3A_135 : vector<16xi1>, vector<16xi32>
        %eq3A_137 = arith.constant 2 : i32
        %eq3A_138 = vector.broadcast %eq3A_137 : i32 to vector<16xi32>
        %eq3A_139 = arith.cmpi eq, %iota3A, %eq3A_138 : vector<16xi32>
        %broadcast_in_dim3A_140 = vector.broadcast %squeeze3A_106 : i32 to vector<16xi32>
        %select_n3A_141 = arith.select %eq3A_139, %broadcast_in_dim3A_140, %select_n3A_136 : vector<16xi1>, vector<16xi32>
        %eq3A_142 = arith.constant 3 : i32
        %eq3A_143 = vector.broadcast %eq3A_142 : i32 to vector<16xi32>
        %eq3A_144 = arith.cmpi eq, %iota3A, %eq3A_143 : vector<16xi32>
        %broadcast_in_dim3A_145 = vector.broadcast %squeeze3A_108 : i32 to vector<16xi32>
        %select_n3A_146 = arith.select %eq3A_144, %broadcast_in_dim3A_145, %select_n3A_141 : vector<16xi1>, vector<16xi32>
        %eq3A_147 = arith.constant 4 : i32
        %eq3A_148 = vector.broadcast %eq3A_147 : i32 to vector<16xi32>
        %eq3A_149 = arith.cmpi eq, %iota3A, %eq3A_148 : vector<16xi32>
        %broadcast_in_dim3A_150 = vector.broadcast %cond3A_113 : i32 to vector<16xi32>
        %select_n3A_151 = arith.select %eq3A_149, %broadcast_in_dim3A_150, %select_n3A_146 : vector<16xi1>, vector<16xi32>
        %eq3A_152 = arith.constant 5 : i32
        %eq3A_153 = vector.broadcast %eq3A_152 : i32 to vector<16xi32>
        %eq3A_154 = arith.cmpi eq, %iota3A, %eq3A_153 : vector<16xi32>
        %broadcast_in_dim3A_155 = vector.broadcast %cond3A_118 : i32 to vector<16xi32>
        %select_n3A_156 = arith.select %eq3A_154, %broadcast_in_dim3A_155, %select_n3A_151 : vector<16xi1>, vector<16xi32>
        %eq3A_157 = arith.constant 6 : i32
        %eq3A_158 = vector.broadcast %eq3A_157 : i32 to vector<16xi32>
        %eq3A_159 = arith.cmpi eq, %iota3A, %eq3A_158 : vector<16xi32>
        %broadcast_in_dim3A_160 = vector.broadcast %squeeze3A_92 : i32 to vector<16xi32>
        %select_n3A_161 = arith.select %eq3A_159, %broadcast_in_dim3A_160, %select_n3A_156 : vector<16xi1>, vector<16xi32>
        %swap3A_162 = arith.constant 0 : index
        %swap3A_163 = tpu.vector_load %arg13[%swap3A_162] {strides = array<i32>} : memref<16xi32, #tpu.memory_space<vmem>>, vector<16xi32>,
        %swap3A_164 = vector.shape_cast %swap3A_163 : vector<16xi32> to vector<16xi32>
        %swap3A_165 = vector.shape_cast %select_n3A_161 : vector<16xi32> to vector<16xi32>
        tpu.vector_store %arg13[%swap3A_162], %swap3A_165 {strides = array<i32>} : memref<16xi32, #tpu.memory_space<vmem>>, vector<16xi32>,
      } else {
      }
      %barrier3A = arith.constant 0 : index
      tpu.barrier barrier_id(%barrier3A)
      %eq3A_82 = arith.constant 0 : i32
      %eq3A_83 = arith.cmpi eq, %arg1, %eq3A_82 : i32
      %convert_element_type3A_84 = arith.extui %eq3A_83 : i1 to i32
      %cond3A_85 = arith.constant 0 : i32
      %cond3A_86 = arith.cmpi ne, %convert_element_type3A_84, %cond3A_85 : i32
      scf.if %cond3A_86 {
        %get3A = arith.constant 0 : index
        %get3A_87 = tpu.vector_load %arg13[%get3A] {strides = array<i32>} : memref<16xi32, #tpu.memory_space<vmem>>, vector<16xi32>,
        %get3A_88 = vector.shape_cast %get3A_87 : vector<16xi32> to vector<16xi32>
        %slice3A = vector.extract_strided_slice %get3A_88 {offsets = [0], sizes = [1], strides = [1]} : vector<16xi32> to vector<1xi32>
        %squeeze3A = vector.extract %slice3A[0] : i32 from vector<1xi32>
        %slice3A_89 = vector.extract_strided_slice %get3A_88 {offsets = [1], sizes = [1], strides = [1]} : vector<16xi32> to vector<1xi32>
        %squeeze3A_90 = vector.extract %slice3A_89[0] : i32 from vector<1xi32>
        %slice3A_91 = vector.extract_strided_slice %get3A_88 {offsets = [2], sizes = [1], strides = [1]} : vector<16xi32> to vector<1xi32>
        %squeeze3A_92 = vector.extract %slice3A_91[0] : i32 from vector<1xi32>
        %slice3A_93 = vector.extract_strided_slice %get3A_88 {offsets = [3], sizes = [1], strides = [1]} : vector<16xi32> to vector<1xi32>
        %squeeze3A_94 = vector.extract %slice3A_93[0] : i32 from vector<1xi32>
        %slice3A_95 = vector.extract_strided_slice %get3A_88 {offsets = [4], sizes = [1], strides = [1]} : vector<16xi32> to vector<1xi32>
        %squeeze3A_96 = vector.extract %slice3A_95[0] : i32 from vector<1xi32>
        %slice3A_97 = vector.extract_strided_slice %get3A_88 {offsets = [5], sizes = [1], strides = [1]} : vector<16xi32> to vector<1xi32>
        %squeeze3A_98 = vector.extract %slice3A_97[0] : i32 from vector<1xi32>
        %slice3A_99 = vector.extract_strided_slice %get3A_88 {offsets = [6], sizes = [1], strides = [1]} : vector<16xi32> to vector<1xi32>
        %squeeze3A_100 = vector.extract %slice3A_99[0] : i32 from vector<1xi32>
        %dma_wait3A = arith.constant 0 : i32
        %dma_wait3A_101 = tpu.memref_slice %arg3[%dma_wait3A] : memref<100000xf32, #tpu.memory_space<hbm>> -> memref<100000xf32, #tpu.memory_space<hbm>>
        tpu.wait_indirect_dma semaphore(%arg17 : memref<!tpu.dma_semaphore, #tpu.memory_space<semaphore_mem>>) src(%dma_wait3A_101 : memref<100000xf32, #tpu.memory_space<hbm>>) dst(%arg10 : memref<16xf32, #tpu.memory_space<vmem>>)
        %get3A_102 = arith.constant 0 : index
        %get3A_103 = tpu.vector_load %arg10[%get3A_102] {strides = array<i32>} : memref<16xf32, #tpu.memory_space<vmem>>, vector<16xf32>,
        %get3A_104 = vector.shape_cast %get3A_103 : vector<16xf32> to vector<16xf32>
        %slice3A_105 = vector.extract_strided_slice %get3A_104 {offsets = [0], sizes = [1], strides = [1]} : vector<16xf32> to vector<1xf32>
        %squeeze3A_106 = vector.extract %slice3A_105[0] : f32 from vector<1xf32>
        %slice3A_107 = vector.extract_strided_slice %get3A_104 {offsets = [1], sizes = [1], strides = [1]} : vector<16xf32> to vector<1xf32>
        %squeeze3A_108 = vector.extract %slice3A_107[0] : f32 from vector<1xf32>
        %ne3A = arith.cmpi ne, %squeeze3A_92, %squeeze3A_96 : i32
        %convert_element_type3A_109 = arith.extui %ne3A : i1 to i32
        %cond3A_110 = arith.constant 0 : i32
        %cond3A_111 = arith.cmpi ne, %convert_element_type3A_109, %cond3A_110 : i32
        scf.if %cond3A_111 {
          %scan3A = arith.constant 0 : i32
          %scan3A_122 = arith.constant 17 : i32
          %scan3A_123 = arith.addi %scan3A, %scan3A_122 : i32
          %scan3A_124 = arith.constant 1 : i32
          %scan3A_125:2 = scf.for %scan3A_127 = %scan3A to %scan3A_123 step %scan3A_124 iter_args(%scan3A_128 = %squeeze3A, %scan3A_129 = %squeeze3A_92) -> (i32, i32)  : i32 {
            %eq3A_130 = arith.cmpi eq, %scan3A_129, %squeeze3A_96 : i32
            %shift_left3A = arith.constant 1 : i32
            %shift_left3A_131 = arith.shli %shift_left3A, %scan3A_127 : i32
            %jit3A = arith.constant 0 : i32
            %select_n3A = arith.select %eq3A_130, %jit3A, %shift_left3A_131 : i32
            %while3A = arith.constant 0 : i32
            %while3A_132 = arith.subi %select_n3A, %while3A : i32
            %while3A_133 = arith.addi %while3A, %while3A_132 : i32
            %while3A_134 = arith.constant 1 : i32
            %while3A_135 = arith.divsi %while3A_132, %while3A_134 : i32
            %while3A_136 = arith.muli %while3A_135, %while3A_134 : i32
            %while3A_137 = arith.addi %while3A, %while3A_136 : i32
            %while3A_138 = arith.constant 1 : i32
            %while3A_139:2 = scf.for %while3A_142 = %while3A to %while3A_137 step %while3A_138 iter_args(%while3A_143 = %scan3A_128, %while3A_144 = %scan3A_129) -> (i32, i32)  : i32 {
              %broadcast_in_dim3A = vector.broadcast %while3A_143 : i32 to vector<16xi32>
              %swap3A = arith.constant 0 : index
              %swap3A_145 = tpu.vector_load %arg8[%swap3A] {strides = array<i32>} : memref<16xi32, #tpu.memory_space<vmem>>, vector<16xi32>,
              %swap3A_146 = vector.shape_cast %swap3A_145 : vector<16xi32> to vector<16xi32>
              %swap3A_147 = vector.shape_cast %broadcast_in_dim3A : vector<16xi32> to vector<16xi32>
              tpu.vector_store %arg8[%swap3A], %swap3A_147 {strides = array<i32>} : memref<16xi32, #tpu.memory_space<vmem>>, vector<16xi32>,
              %broadcast_in_dim3A_148 = vector.broadcast %squeeze3A_96 : i32 to vector<16xi32>
              %swap3A_149 = arith.constant 0 : index
              %swap3A_150 = tpu.vector_load %arg11[%swap3A_149] {strides = array<i32>} : memref<16xi32, #tpu.memory_space<vmem>>, vector<16xi32>,
              %swap3A_151 = vector.shape_cast %swap3A_150 : vector<16xi32> to vector<16xi32>
              %swap3A_152 = vector.shape_cast %broadcast_in_dim3A_148 : vector<16xi32> to vector<16xi32>
              tpu.vector_store %arg11[%swap3A_149], %swap3A_152 {strides = array<i32>} : memref<16xi32, #tpu.memory_space<vmem>>, vector<16xi32>,
              %dma_start3A = arith.constant 0 : i32
              %dma_start3A_153 = tpu.memref_slice %arg5[%dma_start3A] : memref<100000xi32, #tpu.memory_space<hbm>> -> memref<100000xi32, #tpu.memory_space<hbm>>
              tpu.enqueue_indirect_dma source(%arg11 : memref<16xi32, #tpu.memory_space<vmem>>) target(%dma_start3A_153 : memref<100000xi32, #tpu.memory_space<hbm>>) offsets(%arg8 : memref<16xi32, #tpu.memory_space<vmem>>) semaphore(%arg17 : memref<!tpu.dma_semaphore, #tpu.memory_space<semaphore_mem>>)
              %dma_wait3A_154 = arith.constant 0 : i32
              %dma_wait3A_155 = tpu.memref_slice %arg5[%dma_wait3A_154] : memref<100000xi32, #tpu.memory_space<hbm>> -> memref<100000xi32, #tpu.memory_space<hbm>>
              tpu.wait_indirect_dma semaphore(%arg17 : memref<!tpu.dma_semaphore, #tpu.memory_space<semaphore_mem>>) src(%arg11 : memref<16xi32, #tpu.memory_space<vmem>>) dst(%dma_wait3A_155 : memref<100000xi32, #tpu.memory_space<hbm>>)
              %broadcast_in_dim3A_156 = vector.broadcast %while3A_144 : i32 to vector<16xi32>
              %swap3A_157 = arith.constant 0 : index
              %swap3A_158 = tpu.vector_load %arg8[%swap3A_157] {strides = array<i32>} : memref<16xi32, #tpu.memory_space<vmem>>, vector<16xi32>,
              %swap3A_159 = vector.shape_cast %swap3A_158 : vector<16xi32> to vector<16xi32>
              %swap3A_160 = vector.shape_cast %broadcast_in_dim3A_156 : vector<16xi32> to vector<16xi32>
              tpu.vector_store %arg8[%swap3A_157], %swap3A_160 {strides = array<i32>} : memref<16xi32, #tpu.memory_space<vmem>>, vector<16xi32>,
              %dma_start3A_161 = arith.constant 0 : i32
              %dma_start3A_162 = tpu.memref_slice %arg2[%dma_start3A_161] : memref<100000xi32, #tpu.memory_space<hbm>> -> memref<100000xi32, #tpu.memory_space<hbm>>
              tpu.enqueue_indirect_dma source(%dma_start3A_162 : memref<100000xi32, #tpu.memory_space<hbm>>) target(%arg9 : memref<16xi32, #tpu.memory_space<vmem>>) offsets(%arg8 : memref<16xi32, #tpu.memory_space<vmem>>) semaphore(%arg17 : memref<!tpu.dma_semaphore, #tpu.memory_space<semaphore_mem>>)
              %dma_wait3A_163 = arith.constant 0 : i32
              %dma_wait3A_164 = tpu.memref_slice %arg2[%dma_wait3A_163] : memref<100000xi32, #tpu.memory_space<hbm>> -> memref<100000xi32, #tpu.memory_space<hbm>>
              tpu.wait_indirect_dma semaphore(%arg17 : memref<!tpu.dma_semaphore, #tpu.memory_space<semaphore_mem>>) src(%dma_wait3A_164 : memref<100000xi32, #tpu.memory_space<hbm>>) dst(%arg9 : memref<16xi32, #tpu.memory_space<vmem>>)
              %get3A_165 = arith.constant 0 : index
              %get3A_166 = tpu.vector_load %arg9[%get3A_165] {strides = array<i32>} : memref<16xi32, #tpu.memory_space<vmem>>, vector<16xi32>,
              %get3A_167 = vector.shape_cast %get3A_166 : vector<16xi32> to vector<16xi32>
              %slice3A_168 = vector.extract_strided_slice %get3A_167 {offsets = [0], sizes = [1], strides = [1]} : vector<16xi32> to vector<1xi32>
              %squeeze3A_169 = vector.extract %slice3A_168[0] : i32 from vector<1xi32>
              scf.yield %while3A_144, %squeeze3A_169 : i32, i32
            }
            %while3A_140 = arith.constant 1 : i32
            %while3A_141:2 = scf.for %while3A_142 = %while3A_137 to %while3A_133 step %while3A_140 iter_args(%while3A_143 = %while3A_139#0, %while3A_144 = %while3A_139#1) -> (i32, i32)  : i32 {
              %broadcast_in_dim3A = vector.broadcast %while3A_143 : i32 to vector<16xi32>
              %swap3A = arith.constant 0 : index
              %swap3A_145 = tpu.vector_load %arg8[%swap3A] {strides = array<i32>} : memref<16xi32, #tpu.memory_space<vmem>>, vector<16xi32>,
              %swap3A_146 = vector.shape_cast %swap3A_145 : vector<16xi32> to vector<16xi32>
              %swap3A_147 = vector.shape_cast %broadcast_in_dim3A : vector<16xi32> to vector<16xi32>
              tpu.vector_store %arg8[%swap3A], %swap3A_147 {strides = array<i32>} : memref<16xi32, #tpu.memory_space<vmem>>, vector<16xi32>,
              %broadcast_in_dim3A_148 = vector.broadcast %squeeze3A_96 : i32 to vector<16xi32>
              %swap3A_149 = arith.constant 0 : index
              %swap3A_150 = tpu.vector_load %arg11[%swap3A_149] {strides = array<i32>} : memref<16xi32, #tpu.memory_space<vmem>>, vector<16xi32>,
              %swap3A_151 = vector.shape_cast %swap3A_150 : vector<16xi32> to vector<16xi32>
              %swap3A_152 = vector.shape_cast %broadcast_in_dim3A_148 : vector<16xi32> to vector<16xi32>
              tpu.vector_store %arg11[%swap3A_149], %swap3A_152 {strides = array<i32>} : memref<16xi32, #tpu.memory_space<vmem>>, vector<16xi32>,
              %dma_start3A = arith.constant 0 : i32
              %dma_start3A_153 = tpu.memref_slice %arg5[%dma_start3A] : memref<100000xi32, #tpu.memory_space<hbm>> -> memref<100000xi32, #tpu.memory_space<hbm>>
              tpu.enqueue_indirect_dma source(%arg11 : memref<16xi32, #tpu.memory_space<vmem>>) target(%dma_start3A_153 : memref<100000xi32, #tpu.memory_space<hbm>>) offsets(%arg8 : memref<16xi32, #tpu.memory_space<vmem>>) semaphore(%arg17 : memref<!tpu.dma_semaphore, #tpu.memory_space<semaphore_mem>>)
              %dma_wait3A_154 = arith.constant 0 : i32
              %dma_wait3A_155 = tpu.memref_slice %arg5[%dma_wait3A_154] : memref<100000xi32, #tpu.memory_space<hbm>> -> memref<100000xi32, #tpu.memory_space<hbm>>
              tpu.wait_indirect_dma semaphore(%arg17 : memref<!tpu.dma_semaphore, #tpu.memory_space<semaphore_mem>>) src(%arg11 : memref<16xi32, #tpu.memory_space<vmem>>) dst(%dma_wait3A_155 : memref<100000xi32, #tpu.memory_space<hbm>>)
              %broadcast_in_dim3A_156 = vector.broadcast %while3A_144 : i32 to vector<16xi32>
              %swap3A_157 = arith.constant 0 : index
              %swap3A_158 = tpu.vector_load %arg8[%swap3A_157] {strides = array<i32>} : memref<16xi32, #tpu.memory_space<vmem>>, vector<16xi32>,
              %swap3A_159 = vector.shape_cast %swap3A_158 : vector<16xi32> to vector<16xi32>
              %swap3A_160 = vector.shape_cast %broadcast_in_dim3A_156 : vector<16xi32> to vector<16xi32>
              tpu.vector_store %arg8[%swap3A_157], %swap3A_160 {strides = array<i32>} : memref<16xi32, #tpu.memory_space<vmem>>, vector<16xi32>,
              %dma_start3A_161 = arith.constant 0 : i32
              %dma_start3A_162 = tpu.memref_slice %arg2[%dma_start3A_161] : memref<100000xi32, #tpu.memory_space<hbm>> -> memref<100000xi32, #tpu.memory_space<hbm>>
              tpu.enqueue_indirect_dma source(%dma_start3A_162 : memref<100000xi32, #tpu.memory_space<hbm>>) target(%arg9 : memref<16xi32, #tpu.memory_space<vmem>>) offsets(%arg8 : memref<16xi32, #tpu.memory_space<vmem>>) semaphore(%arg17 : memref<!tpu.dma_semaphore, #tpu.memory_space<semaphore_mem>>)
              %dma_wait3A_163 = arith.constant 0 : i32
              %dma_wait3A_164 = tpu.memref_slice %arg2[%dma_wait3A_163] : memref<100000xi32, #tpu.memory_space<hbm>> -> memref<100000xi32, #tpu.memory_space<hbm>>
              tpu.wait_indirect_dma semaphore(%arg17 : memref<!tpu.dma_semaphore, #tpu.memory_space<semaphore_mem>>) src(%dma_wait3A_164 : memref<100000xi32, #tpu.memory_space<hbm>>) dst(%arg9 : memref<16xi32, #tpu.memory_space<vmem>>)
              %get3A_165 = arith.constant 0 : index
              %get3A_166 = tpu.vector_load %arg9[%get3A_165] {strides = array<i32>} : memref<16xi32, #tpu.memory_space<vmem>>, vector<16xi32>,
              %get3A_167 = vector.shape_cast %get3A_166 : vector<16xi32> to vector<16xi32>
              %slice3A_168 = vector.extract_strided_slice %get3A_167 {offsets = [0], sizes = [1], strides = [1]} : vector<16xi32> to vector<1xi32>
              %squeeze3A_169 = vector.extract %slice3A_168[0] : i32 from vector<1xi32>
              scf.yield %while3A_144, %squeeze3A_169 : i32, i32
            }
            scf.yield %while3A_141#0, %while3A_141#1 : i32, i32
          }
          %scan3A_126 = arith.constant 17 : i32
        } else {
        }
        %ne3A_112 = arith.cmpi ne, %squeeze3A_94, %squeeze3A_98 : i32
        %convert_element_type3A_113 = arith.extui %ne3A_112 : i1 to i32
        %cond3A_114 = arith.constant 0 : i32
        %cond3A_115 = arith.cmpi ne, %convert_element_type3A_113, %cond3A_114 : i32
        scf.if %cond3A_115 {
          %scan3A = arith.constant 0 : i32
          %scan3A_122 = arith.constant 17 : i32
          %scan3A_123 = arith.addi %scan3A, %scan3A_122 : i32
          %scan3A_124 = arith.constant 1 : i32
          %scan3A_125:2 = scf.for %scan3A_127 = %scan3A to %scan3A_123 step %scan3A_124 iter_args(%scan3A_128 = %squeeze3A_90, %scan3A_129 = %squeeze3A_94) -> (i32, i32)  : i32 {
            %eq3A_130 = arith.cmpi eq, %scan3A_129, %squeeze3A_98 : i32
            %shift_left3A = arith.constant 1 : i32
            %shift_left3A_131 = arith.shli %shift_left3A, %scan3A_127 : i32
            %jit3A = arith.constant 0 : i32
            %select_n3A = arith.select %eq3A_130, %jit3A, %shift_left3A_131 : i32
            %while3A = arith.constant 0 : i32
            %while3A_132 = arith.subi %select_n3A, %while3A : i32
            %while3A_133 = arith.addi %while3A, %while3A_132 : i32
            %while3A_134 = arith.constant 1 : i32
            %while3A_135 = arith.divsi %while3A_132, %while3A_134 : i32
            %while3A_136 = arith.muli %while3A_135, %while3A_134 : i32
            %while3A_137 = arith.addi %while3A, %while3A_136 : i32
            %while3A_138 = arith.constant 1 : i32
            %while3A_139:2 = scf.for %while3A_142 = %while3A to %while3A_137 step %while3A_138 iter_args(%while3A_143 = %scan3A_128, %while3A_144 = %scan3A_129) -> (i32, i32)  : i32 {
              %broadcast_in_dim3A = vector.broadcast %while3A_143 : i32 to vector<16xi32>
              %swap3A = arith.constant 0 : index
              %swap3A_145 = tpu.vector_load %arg8[%swap3A] {strides = array<i32>} : memref<16xi32, #tpu.memory_space<vmem>>, vector<16xi32>,
              %swap3A_146 = vector.shape_cast %swap3A_145 : vector<16xi32> to vector<16xi32>
              %swap3A_147 = vector.shape_cast %broadcast_in_dim3A : vector<16xi32> to vector<16xi32>
              tpu.vector_store %arg8[%swap3A], %swap3A_147 {strides = array<i32>} : memref<16xi32, #tpu.memory_space<vmem>>, vector<16xi32>,
              %broadcast_in_dim3A_148 = vector.broadcast %squeeze3A_98 : i32 to vector<16xi32>
              %swap3A_149 = arith.constant 0 : index
              %swap3A_150 = tpu.vector_load %arg11[%swap3A_149] {strides = array<i32>} : memref<16xi32, #tpu.memory_space<vmem>>, vector<16xi32>,
              %swap3A_151 = vector.shape_cast %swap3A_150 : vector<16xi32> to vector<16xi32>
              %swap3A_152 = vector.shape_cast %broadcast_in_dim3A_148 : vector<16xi32> to vector<16xi32>
              tpu.vector_store %arg11[%swap3A_149], %swap3A_152 {strides = array<i32>} : memref<16xi32, #tpu.memory_space<vmem>>, vector<16xi32>,
              %dma_start3A = arith.constant 0 : i32
              %dma_start3A_153 = tpu.memref_slice %arg5[%dma_start3A] : memref<100000xi32, #tpu.memory_space<hbm>> -> memref<100000xi32, #tpu.memory_space<hbm>>
              tpu.enqueue_indirect_dma source(%arg11 : memref<16xi32, #tpu.memory_space<vmem>>) target(%dma_start3A_153 : memref<100000xi32, #tpu.memory_space<hbm>>) offsets(%arg8 : memref<16xi32, #tpu.memory_space<vmem>>) semaphore(%arg17 : memref<!tpu.dma_semaphore, #tpu.memory_space<semaphore_mem>>)
              %dma_wait3A_154 = arith.constant 0 : i32
              %dma_wait3A_155 = tpu.memref_slice %arg5[%dma_wait3A_154] : memref<100000xi32, #tpu.memory_space<hbm>> -> memref<100000xi32, #tpu.memory_space<hbm>>
              tpu.wait_indirect_dma semaphore(%arg17 : memref<!tpu.dma_semaphore, #tpu.memory_space<semaphore_mem>>) src(%arg11 : memref<16xi32, #tpu.memory_space<vmem>>) dst(%dma_wait3A_155 : memref<100000xi32, #tpu.memory_space<hbm>>)
              %broadcast_in_dim3A_156 = vector.broadcast %while3A_144 : i32 to vector<16xi32>
              %swap3A_157 = arith.constant 0 : index
              %swap3A_158 = tpu.vector_load %arg8[%swap3A_157] {strides = array<i32>} : memref<16xi32, #tpu.memory_space<vmem>>, vector<16xi32>,
              %swap3A_159 = vector.shape_cast %swap3A_158 : vector<16xi32> to vector<16xi32>
              %swap3A_160 = vector.shape_cast %broadcast_in_dim3A_156 : vector<16xi32> to vector<16xi32>
              tpu.vector_store %arg8[%swap3A_157], %swap3A_160 {strides = array<i32>} : memref<16xi32, #tpu.memory_space<vmem>>, vector<16xi32>,
              %dma_start3A_161 = arith.constant 0 : i32
              %dma_start3A_162 = tpu.memref_slice %arg2[%dma_start3A_161] : memref<100000xi32, #tpu.memory_space<hbm>> -> memref<100000xi32, #tpu.memory_space<hbm>>
              tpu.enqueue_indirect_dma source(%dma_start3A_162 : memref<100000xi32, #tpu.memory_space<hbm>>) target(%arg9 : memref<16xi32, #tpu.memory_space<vmem>>) offsets(%arg8 : memref<16xi32, #tpu.memory_space<vmem>>) semaphore(%arg17 : memref<!tpu.dma_semaphore, #tpu.memory_space<semaphore_mem>>)
              %dma_wait3A_163 = arith.constant 0 : i32
              %dma_wait3A_164 = tpu.memref_slice %arg2[%dma_wait3A_163] : memref<100000xi32, #tpu.memory_space<hbm>> -> memref<100000xi32, #tpu.memory_space<hbm>>
              tpu.wait_indirect_dma semaphore(%arg17 : memref<!tpu.dma_semaphore, #tpu.memory_space<semaphore_mem>>) src(%dma_wait3A_164 : memref<100000xi32, #tpu.memory_space<hbm>>) dst(%arg9 : memref<16xi32, #tpu.memory_space<vmem>>)
              %get3A_165 = arith.constant 0 : index
              %get3A_166 = tpu.vector_load %arg9[%get3A_165] {strides = array<i32>} : memref<16xi32, #tpu.memory_space<vmem>>, vector<16xi32>,
              %get3A_167 = vector.shape_cast %get3A_166 : vector<16xi32> to vector<16xi32>
              %slice3A_168 = vector.extract_strided_slice %get3A_167 {offsets = [0], sizes = [1], strides = [1]} : vector<16xi32> to vector<1xi32>
              %squeeze3A_169 = vector.extract %slice3A_168[0] : i32 from vector<1xi32>
              scf.yield %while3A_144, %squeeze3A_169 : i32, i32
            }
            %while3A_140 = arith.constant 1 : i32
            %while3A_141:2 = scf.for %while3A_142 = %while3A_137 to %while3A_133 step %while3A_140 iter_args(%while3A_143 = %while3A_139#0, %while3A_144 = %while3A_139#1) -> (i32, i32)  : i32 {
              %broadcast_in_dim3A = vector.broadcast %while3A_143 : i32 to vector<16xi32>
              %swap3A = arith.constant 0 : index
              %swap3A_145 = tpu.vector_load %arg8[%swap3A] {strides = array<i32>} : memref<16xi32, #tpu.memory_space<vmem>>, vector<16xi32>,
              %swap3A_146 = vector.shape_cast %swap3A_145 : vector<16xi32> to vector<16xi32>
              %swap3A_147 = vector.shape_cast %broadcast_in_dim3A : vector<16xi32> to vector<16xi32>
              tpu.vector_store %arg8[%swap3A], %swap3A_147 {strides = array<i32>} : memref<16xi32, #tpu.memory_space<vmem>>, vector<16xi32>,
              %broadcast_in_dim3A_148 = vector.broadcast %squeeze3A_98 : i32 to vector<16xi32>
              %swap3A_149 = arith.constant 0 : index
              %swap3A_150 = tpu.vector_load %arg11[%swap3A_149] {strides = array<i32>} : memref<16xi32, #tpu.memory_space<vmem>>, vector<16xi32>,
              %swap3A_151 = vector.shape_cast %swap3A_150 : vector<16xi32> to vector<16xi32>
              %swap3A_152 = vector.shape_cast %broadcast_in_dim3A_148 : vector<16xi32> to vector<16xi32>
              tpu.vector_store %arg11[%swap3A_149], %swap3A_152 {strides = array<i32>} : memref<16xi32, #tpu.memory_space<vmem>>, vector<16xi32>,
              %dma_start3A = arith.constant 0 : i32
              %dma_start3A_153 = tpu.memref_slice %arg5[%dma_start3A] : memref<100000xi32, #tpu.memory_space<hbm>> -> memref<100000xi32, #tpu.memory_space<hbm>>
              tpu.enqueue_indirect_dma source(%arg11 : memref<16xi32, #tpu.memory_space<vmem>>) target(%dma_start3A_153 : memref<100000xi32, #tpu.memory_space<hbm>>) offsets(%arg8 : memref<16xi32, #tpu.memory_space<vmem>>) semaphore(%arg17 : memref<!tpu.dma_semaphore, #tpu.memory_space<semaphore_mem>>)
              %dma_wait3A_154 = arith.constant 0 : i32
              %dma_wait3A_155 = tpu.memref_slice %arg5[%dma_wait3A_154] : memref<100000xi32, #tpu.memory_space<hbm>> -> memref<100000xi32, #tpu.memory_space<hbm>>
              tpu.wait_indirect_dma semaphore(%arg17 : memref<!tpu.dma_semaphore, #tpu.memory_space<semaphore_mem>>) src(%arg11 : memref<16xi32, #tpu.memory_space<vmem>>) dst(%dma_wait3A_155 : memref<100000xi32, #tpu.memory_space<hbm>>)
              %broadcast_in_dim3A_156 = vector.broadcast %while3A_144 : i32 to vector<16xi32>
              %swap3A_157 = arith.constant 0 : index
              %swap3A_158 = tpu.vector_load %arg8[%swap3A_157] {strides = array<i32>} : memref<16xi32, #tpu.memory_space<vmem>>, vector<16xi32>,
              %swap3A_159 = vector.shape_cast %swap3A_158 : vector<16xi32> to vector<16xi32>
              %swap3A_160 = vector.shape_cast %broadcast_in_dim3A_156 : vector<16xi32> to vector<16xi32>
              tpu.vector_store %arg8[%swap3A_157], %swap3A_160 {strides = array<i32>} : memref<16xi32, #tpu.memory_space<vmem>>, vector<16xi32>,
              %dma_start3A_161 = arith.constant 0 : i32
              %dma_start3A_162 = tpu.memref_slice %arg2[%dma_start3A_161] : memref<100000xi32, #tpu.memory_space<hbm>> -> memref<100000xi32, #tpu.memory_space<hbm>>
              tpu.enqueue_indirect_dma source(%dma_start3A_162 : memref<100000xi32, #tpu.memory_space<hbm>>) target(%arg9 : memref<16xi32, #tpu.memory_space<vmem>>) offsets(%arg8 : memref<16xi32, #tpu.memory_space<vmem>>) semaphore(%arg17 : memref<!tpu.dma_semaphore, #tpu.memory_space<semaphore_mem>>)
              %dma_wait3A_163 = arith.constant 0 : i32
              %dma_wait3A_164 = tpu.memref_slice %arg2[%dma_wait3A_163] : memref<100000xi32, #tpu.memory_space<hbm>> -> memref<100000xi32, #tpu.memory_space<hbm>>
              tpu.wait_indirect_dma semaphore(%arg17 : memref<!tpu.dma_semaphore, #tpu.memory_space<semaphore_mem>>) src(%dma_wait3A_164 : memref<100000xi32, #tpu.memory_space<hbm>>) dst(%arg9 : memref<16xi32, #tpu.memory_space<vmem>>)
              %get3A_165 = arith.constant 0 : index
              %get3A_166 = tpu.vector_load %arg9[%get3A_165] {strides = array<i32>} : memref<16xi32, #tpu.memory_space<vmem>>, vector<16xi32>,
              %get3A_167 = vector.shape_cast %get3A_166 : vector<16xi32> to vector<16xi32>
              %slice3A_168 = vector.extract_strided_slice %get3A_167 {offsets = [0], sizes = [1], strides = [1]} : vector<16xi32> to vector<1xi32>
              %squeeze3A_169 = vector.extract %slice3A_168[0] : i32 from vector<1xi32>
              scf.yield %while3A_144, %squeeze3A_169 : i32, i32
            }
            scf.yield %while3A_141#0, %while3A_141#1 : i32, i32
          }
          %scan3A_126 = arith.constant 17 : i32
        } else {
        }
        %ne3A_116 = arith.cmpi ne, %squeeze3A_96, %squeeze3A_98 : i32
        %ne3A_117 = arith.constant 0 : i32
        %ne3A_118 = arith.cmpi ne, %squeeze3A_100, %ne3A_117 : i32
        %and3A = arith.andi %ne3A_116, %ne3A_118 : i1
        %convert_element_type3A_119 = arith.extui %and3A : i1 to i32
        %cond3A_120 = arith.constant 0 : i32
        %cond3A_121 = arith.cmpi ne, %convert_element_type3A_119, %cond3A_120 : i32
        scf.if %cond3A_121 {
          %gt3A = arith.cmpf ogt, %squeeze3A_106, %squeeze3A_108 : f32
          %select_n3A = arith.select %gt3A, %squeeze3A_96, %squeeze3A_98 : i32
          %select_n3A_122 = arith.select %gt3A, %squeeze3A_98, %squeeze3A_96 : i32
          %broadcast_in_dim3A = vector.broadcast %select_n3A_122 : i32 to vector<16xi32>
          %swap3A = arith.constant 0 : index
          %swap3A_123 = tpu.vector_load %arg8[%swap3A] {strides = array<i32>} : memref<16xi32, #tpu.memory_space<vmem>>, vector<16xi32>,
          %swap3A_124 = vector.shape_cast %swap3A_123 : vector<16xi32> to vector<16xi32>
          %swap3A_125 = vector.shape_cast %broadcast_in_dim3A : vector<16xi32> to vector<16xi32>
          tpu.vector_store %arg8[%swap3A], %swap3A_125 {strides = array<i32>} : memref<16xi32, #tpu.memory_space<vmem>>, vector<16xi32>,
          %broadcast_in_dim3A_126 = vector.broadcast %select_n3A : i32 to vector<16xi32>
          %swap3A_127 = arith.constant 0 : index
          %swap3A_128 = tpu.vector_load %arg11[%swap3A_127] {strides = array<i32>} : memref<16xi32, #tpu.memory_space<vmem>>, vector<16xi32>,
          %swap3A_129 = vector.shape_cast %swap3A_128 : vector<16xi32> to vector<16xi32>
          %swap3A_130 = vector.shape_cast %broadcast_in_dim3A_126 : vector<16xi32> to vector<16xi32>
          tpu.vector_store %arg11[%swap3A_127], %swap3A_130 {strides = array<i32>} : memref<16xi32, #tpu.memory_space<vmem>>, vector<16xi32>,
          %dma_start3A = arith.constant 0 : i32
          %dma_start3A_131 = tpu.memref_slice %arg5[%dma_start3A] : memref<100000xi32, #tpu.memory_space<hbm>> -> memref<100000xi32, #tpu.memory_space<hbm>>
          tpu.enqueue_indirect_dma source(%arg11 : memref<16xi32, #tpu.memory_space<vmem>>) target(%dma_start3A_131 : memref<100000xi32, #tpu.memory_space<hbm>>) offsets(%arg8 : memref<16xi32, #tpu.memory_space<vmem>>) semaphore(%arg17 : memref<!tpu.dma_semaphore, #tpu.memory_space<semaphore_mem>>)
          %broadcast_in_dim3A_132 = vector.broadcast %select_n3A : i32 to vector<16xi32>
          %swap3A_133 = arith.constant 0 : index
          %swap3A_134 = tpu.vector_load %arg9[%swap3A_133] {strides = array<i32>} : memref<16xi32, #tpu.memory_space<vmem>>, vector<16xi32>,
          %swap3A_135 = vector.shape_cast %swap3A_134 : vector<16xi32> to vector<16xi32>
          %swap3A_136 = vector.shape_cast %broadcast_in_dim3A_132 : vector<16xi32> to vector<16xi32>
          tpu.vector_store %arg9[%swap3A_133], %swap3A_136 {strides = array<i32>} : memref<16xi32, #tpu.memory_space<vmem>>, vector<16xi32>,
          %add3A = arith.addf %squeeze3A_106, %squeeze3A_108 : f32
          %broadcast_in_dim3A_137 = vector.broadcast %add3A : f32 to vector<16xf32>
          %swap3A_138 = arith.constant 0 : index
          %swap3A_139 = tpu.vector_load %arg12[%swap3A_138] {strides = array<i32>} : memref<16xf32, #tpu.memory_space<vmem>>, vector<16xf32>,
          %swap3A_140 = vector.shape_cast %swap3A_139 : vector<16xf32> to vector<16xf32>
          %swap3A_141 = vector.shape_cast %broadcast_in_dim3A_137 : vector<16xf32> to vector<16xf32>
          tpu.vector_store %arg12[%swap3A_138], %swap3A_141 {strides = array<i32>} : memref<16xf32, #tpu.memory_space<vmem>>, vector<16xf32>,
          %dma_start3A_142 = arith.constant 0 : i32
          %dma_start3A_143 = tpu.memref_slice %arg6[%dma_start3A_142] : memref<100000xf32, #tpu.memory_space<hbm>> -> memref<100000xf32, #tpu.memory_space<hbm>>
          tpu.enqueue_indirect_dma source(%arg12 : memref<16xf32, #tpu.memory_space<vmem>>) target(%dma_start3A_143 : memref<100000xf32, #tpu.memory_space<hbm>>) offsets(%arg9 : memref<16xi32, #tpu.memory_space<vmem>>) semaphore(%arg18 : memref<!tpu.dma_semaphore, #tpu.memory_space<semaphore_mem>>)
          %dma_wait3A_144 = arith.constant 0 : i32
          %dma_wait3A_145 = tpu.memref_slice %arg5[%dma_wait3A_144] : memref<100000xi32, #tpu.memory_space<hbm>> -> memref<100000xi32, #tpu.memory_space<hbm>>
          tpu.wait_indirect_dma semaphore(%arg17 : memref<!tpu.dma_semaphore, #tpu.memory_space<semaphore_mem>>) src(%arg11 : memref<16xi32, #tpu.memory_space<vmem>>) dst(%dma_wait3A_145 : memref<100000xi32, #tpu.memory_space<hbm>>)
          %dma_wait3A_146 = arith.constant 0 : i32
          %dma_wait3A_147 = tpu.memref_slice %arg6[%dma_wait3A_146] : memref<100000xf32, #tpu.memory_space<hbm>> -> memref<100000xf32, #tpu.memory_space<hbm>>
          tpu.wait_indirect_dma semaphore(%arg18 : memref<!tpu.dma_semaphore, #tpu.memory_space<semaphore_mem>>) src(%arg12 : memref<16xf32, #tpu.memory_space<vmem>>) dst(%dma_wait3A_147 : memref<100000xf32, #tpu.memory_space<hbm>>)
        } else {
        }
      } else {
      }
    } else {
    }
    return
  }
}

</mosaic_0001>

<sc_bundles>
// kernel: kernel.3.cloned.1.call-start
scs
__scs_entry_jumppad:
0x0: {  	(pc) =	sbr.rel $0x88, $3  }
0x1: {  	(tag) =	ssettag $0x0;
	lr =	simm.s32 $0x1  }
0x2: {  	[smem:$0x3F9C] =	sst lr;
	_ =	strace $0xD0000000  }
0x3: {  	_ = 	snop  }
0x4: {  	_ = 	snop  }
0x5: {  	_ = 	snop  }
0x6: {  	_ = 	snop  }
0x7: {  	_ = 	snop  }
__scs_overlays_trampoline_lowered:
0x8: {  	[smem:$0x3FAB] =	sst s0  }
0x9: {  	[smem:$0x3FAC] =	sst s1  }
0xa: {  	[smem:$0x3FAD] =	sst s2  }
0xb: {  	[smem:$0x3FAE] =	sst s3  }
0xc: {  	[smem:$0x3FAF] =	sst s4  }
0xd: {  	[smem:$0x3FB0] =	sst s5  }
0xe: {  	[smem:$0x3FB1] =	sst s6  }
0xf: {  	[smem:$0x3FB2] =	sst s7  }
0x10: {  	[smem:$0x3FB3] =	sst s8  }
0x11: {  	[smem:$0x3FB4] =	sst s9;
	s0 =	simm.s32 @!p0 $0x0  }
0x12: {  	s1 =	sld [smem:$0x3F9A];
	s0 =	simm.s32 @p0 $0x1  }
0x13: {  	[smem:$0x3FB5] =	sst s0;
	s0 =	simm.s32 @!p1 $0x0  }
0x14: {  	s2 =	sld [smem:$0x3F99];
	s0 =	simm.s32 @p1 $0x1  }
0x15: {  	[smem:$0x3FB6] =	sst s0;
	s0 =	simm.s32 @!p2 $0x0  }
0x16: {  	s3 =	sld [smem:$0x3FDB];
	s0 =	simm.s32 @p2 $0x1  }
0x17: {  	s4 =	simm.s32 $0x1BF5;
	[smem:$0x3FB8] =	sst s0  }
0x18: {  	s0 =	sld [smem:$0x3F9B];
	_ =	swait.ge [sflag:s4], $0x0  }
0x19: {  	s7 =	sld [smem:$0x3F9C]  }
0x1a: {  	s8 =	sadd.s32 $0xFFFFE003, lr  }
0x1b: {  	s9 =	sadd.s32 $0xFFFFFEF7, lr;
	s5 =	simm.s32 $0xFFFFFFFF;
	p2 =	slt.u32 s8, $0xFFFFF086  }
0x1c: {  	p1 =	slt.u32 s9, $0xF7A;
	s5 =	simm.s32 @!p2 $0x0  }
0x1d: {  	s5 =	simm.s32 @p1 $0x1;
	p0 =	seq.s32 s7, s2  }
0x1e: {  	s7 =	smul.u32 @!p0 $0xF7A, s2;
	p2 =	seq.s32 @!p0 s5, $0x0  }
0x1f: {  	s9 =	smul.u32 $0xF7A, s1;
	s8 =	simm.s32 @!p0 $0x1BF5;
	p2 =	por !p2, p0  }
0x20: {  	[sflag:s8] =	ssyncset.s32 @!p0 $0xFFFFF086;
	s6 =	sadd.s32 @!p0 s3, s7;
	s7 =	simm.s32 @!p0 $0x108  }
0x21: {  	s3 =	sadd.s32 s3, s9;
	s6 =	sadd.s32 @!p0 $0x88, s6;
	s7 =	simm.s32 @p2 $0x1082  }
0x22: {  	[simem:s7], [sflag:s8] =	dma.local @!p0 [hbm:s6], $0xF7A  }
0x23: {  	s9 =	sor.u32 $0xD0000000, s2;
	s6 =	simm.s32 $0x108;
	_ =	swait.ge @!p0 [sflag:s8], $0x0  }
0x24: {  	s3 =	sadd.s32 $0x88, s3;
	s6 =	simm.s32 @!p1 $0x1082;
	[sflag:s4] =	ssyncset.s32 $0xFFFFF086  }
0x25: {  	[simem:s6], [sflag:s4] =	dma.local [hbm:s3], $0xF7A  }
0x26: {  	[smem:$0x3F9C] =	sst s1;
	(tag) =	ssettag s2;
	_ =	strace s9  }
0x27: {  	s1 =	sld [smem:$0x3FAC]  }
0x28: {  	s2 =	sld [smem:$0x3FAD]  }
0x29: {  	s4 =	sld [smem:$0x3FAF]  }
0x2a: {  	p0 =	seq.s32 s5, $0x0;
	s5 =	sld [smem:$0x3FB0]  }
0x2b: {  	s6 =	sld [smem:$0x3FB1]  }
0x2c: {  	s7 =	sld [smem:$0x3FB2]  }
0x2d: {  	s3 =	simm.s32 $0x108;
	s8 =	sld [smem:$0x3FB3]  }
0x2e: {  	s3 =	simm.s32 @!p0 $0x1082;
	s9 =	sld [smem:$0x3FB4]  }
0x2f: {  	lr =	sadd.s32 s0, s3;
	s0 =	sld [smem:$0x3FAB]  }
0x30: {  	s3 =	sld [smem:$0x3FAE]  }
0x31: {  	[smem:$0x3FB7] =	sst s10  }
0x32: {  	s10 =	sld [smem:$0x3FB5];
	_ =	sdelay $0x3  }
0x33: {  	p0 =	seq.s32 s10, $0x1;
	s10 =	sld [smem:$0x3FB7];
	_ =	sdelay $0x3  }
0x34: {  	[smem:$0x3FB7] =	sst s10  }
0x35: {  	s10 =	sld [smem:$0x3FB6];
	_ =	sdelay $0x3  }
0x36: {  	p1 =	seq.s32 s10, $0x1;
	s10 =	sld [smem:$0x3FB7];
	_ =	sdelay $0x3  }
0x37: {  	[smem:$0x3FB7] =	sst s10  }
0x38: {  	s10 =	sld [smem:$0x3FB8]  }
0x39: {  	_ = 	snop;
	(pc) =	sbr.ind lr, $3  }
0x3a: {  	_ = 	snop  }
0x3b: {  	_ = 	snop  }
0x3c: {  	p2 =	seq.s32 s10, $0x1;
	s10 =	sld [smem:$0x3FB7]  }
0x3d: {  	_ =	shalt  }
0x3e: {  	_ =	shalt  }
0x3f: {  	_ =	shalt  }
0x40: {  	_ =	shalt  }
0x41: {  	_ =	shalt  }
0x42: {  	_ =	shalt  }
0x43: {  	_ =	shalt  }
0x44: {  	_ =	shalt  }
0x45: {  	_ =	shalt  }
0x46: {  	_ =	shalt  }
0x47: {  	_ =	shalt  }
0x48: {  	_ =	shalt  }
0x49: {  	_ =	shalt  }
0x4a: {  	_ =	shalt  }
0x4b: {  	_ =	shalt  }
0x4c: {  	_ =	shalt  }
0x4d: {  	_ =	shalt  }
0x4e: {  	_ =	shalt  }
0x4f: {  	_ =	shalt  }
0x50: {  	_ =	shalt  }
0x51: {  	_ =	shalt  }
0x52: {  	_ =	shalt  }
0x53: {  	_ =	shalt  }
0x54: {  	_ =	shalt  }
0x55: {  	_ =	shalt  }
0x56: {  	_ =	shalt  }
0x57: {  	_ =	shalt  }
0x58: {  	_ =	shalt  }
0x59: {  	_ =	shalt  }
0x5a: {  	_ =	shalt  }
0x5b: {  	_ =	shalt  }
0x5c: {  	_ =	shalt  }
0x5d: {  	_ =	shalt  }
0x5e: {  	_ =	shalt  }
0x5f: {  	_ =	shalt  }
0x60: {  	_ =	shalt  }
0x61: {  	_ =	shalt  }
0x62: {  	_ =	shalt  }
0x63: {  	_ =	shalt  }
0x64: {  	_ =	shalt  }
0x65: {  	_ =	shalt  }
0x66: {  	_ =	shalt  }
0x67: {  	_ =	shalt  }
0x68: {  	_ =	shalt  }
0x69: {  	_ =	shalt  }
0x6a: {  	_ =	shalt  }
0x6b: {  	_ =	shalt  }
0x6c: {  	_ =	shalt  }
0x6d: {  	_ =	shalt  }
0x6e: {  	_ =	shalt  }
0x6f: {  	_ =	shalt  }
0x70: {  	_ =	shalt  }
0x71: {  	_ =	shalt  }
0x72: {  	_ =	shalt  }
0x73: {  	_ =	shalt  }
0x74: {  	_ =	shalt  }
0x75: {  	_ =	shalt  }
0x76: {  	_ =	shalt  }
0x77: {  	_ =	shalt  }
0x78: {  	_ =	shalt  }
0x79: {  	_ =	shalt  }
0x7a: {  	_ =	shalt  }
0x7b: {  	_ =	shalt  }
0x7c: {  	_ =	shalt  }
0x7d: {  	_ =	shalt  }
0x7e: {  	_ =	shalt  }
0x7f: {  	_ =	shalt  }
0x80: {  	_ =	shalt  }
0x81: {  	_ =	shalt  }
0x82: {  	_ =	shalt  }
0x83: {  	_ =	shalt  }
0x84: {  	_ =	shalt  }
0x85: {  	_ =	shalt  }
0x86: {  	_ =	shalt  }
0x87: {  	_ =	shalt  }
.Lfunc_end0:
.L_simem_size_0:
called_computation_lowered:
.L_overlay_start_0:
0x88: {  	s0 =	sld [smem:$0x3FD9]  }
0x89: {  	s1 =	sld [smem:$0x3FFE];
	_ =	sdelay $0x3  }
0x8a: {  	s0 =	sadd.s32 s1, s0  }
0x8b: {  	[smem:$0x3FC3] =	sst s0  }
0x8c: {  	_ = 	snop  }
0x8d: {  	s0 =	sld [smem:$0x3FD0];
	_ =	sdelay $0x1  }
0x8e: {  	s13 =	sld [smem:$0x3FC9]  }
0x8f: {  	s3 =	simm.s32 $0xA;
	s4 =	simm.s32 $0x10;
	s2 =	sld [smem:$0x3FC8]  }
0x90: {  	[smem:s4], [sflag:s3] =	dma.local [hbm:s0], $0x1  }
0x91: {  	_ =	swait.eq [sflag:s3], $0x1  }
0x92: {  	[sflag:s3] =	ssyncset.done $0x0  }
0x93: {  	s14 =	sld [smem:$0x10];
	[sflag:s3] =	ssyncadd.s32 $0xFFFFFFFF  }
0x94: {  	s15 =	sld [smem:$0x11];
	(tm) =	ssettm $0x1  }
0x95: {  	s16 =	sld [smem:$0x3FFB];
	_ =	sdelay $0x3  }
0x96: {  	_ =	strace s16  }
0x97: {  	s4 =	sld [smem:$0x3FFC];
	_ =	sdelay $0x3  }
0x98: {  	_ =	strace s4  }
0x99: {  	s4 =	sld [smem:$0x3FFD];
	_ =	sdelay $0x3  }
0x9a: {  	_ =	strace s4  }
0x9b: {  	_ =	strace $0x8FFFFFFF  }
0x9c: {  	s17 =	sld [smem:$0x3FDB];
	_ =	sdelay $0x1  }
0x9d: {  	s5 =	simm.s32 $_scs_section_size  }
0x9e: {  	s6 =	simm.s32 $_size__tile_overlayer_lowered;
	s7 =	simm.s32 $_tile_overlayer_lowered  }
0x9f: {  	s20 =	simm.s32 $0x1BFF;
	s19 =	sshll.u32 s7, $0x1;
	s4 =	sadd.s32 s5, s17  }
0xa0: {  	s8 =	simm.s32 $0x0;
	s18 =	sshll.u32 s6, $0x1;
	s6 =	sadd.s32 s19, s4  }
0xa1: {  	[timem:s8], [sflag:s20] =	dma.local [hbm:s6], s18  }
0xa2: {  	_ =	swait.ge [sflag:s20], s18  }
0xa3: {  	s5 =	ssub.s32 $0x0, s18;
	[sflag:s20] =	ssyncset.done $0x0  }
0xa4: {  	[sflag:s20] =	ssyncadd.s32 s5;
	_ =	sdelay $0x1  }
0xa5: {  	s21 =	simm.s32 $0x1B8B  }
0xa6: {  	_ =	swait.ge [sflag:s21], $0x1  }
0xa7: {  	[sflag:s21] =	ssyncset.done $0x0  }
0xa8: {  	s23 =	simm.s32 $0x1B8E;
	s22 =	sld [smem:$0x3FFE];
	[sflag:s21] =	ssyncadd.s32 $0xFFFFFFFF  }
0xa9: {  	s24 =	simm.s32 $execute0_lowered;
	[smem:$0x3FD2] =	sst s23  }
0xaa: {  	s6 =	sshll.u32 s24, $0x1;
	_ =	strace $0x80000046;
	[dreg:$0x1] =	wrdreg $0xFFFFFFFF  }
0xab: {  	s25 =	simm.s32 $_size_execute0_lowered;
	s4 =	sadd.s32 s4, s6;
	[dreg:$0x0] =	wrdreg $0x0  }
0xac: {  	s6 =	sshll.u32 s25, $0x1;
	[dreg:$0x2] =	wrdreg s4  }
0xad: {  	[dreg:$0x3] =	wrdreg s6  }
0xae: {  	[dreg:$0x4] =	wrdreg $0xC0  }
0xaf: {  	_ =	task [dreg:s8], $0x5FFFF  }
0xb0: {  	[dreg:$0x1] =	wrdreg $0xFFFFFFFF  }
0xb1: {  	[dreg:$0x0] =	wrdreg $0x60  }
0xb2: {  	[dreg:$0x2] =	wrdreg s13  }
0xb3: {  	[dreg:$0x3] =	wrdreg s2  }
0xb4: {  	[dreg:$0x4] =	wrdreg s22  }
0xb5: {  	[dreg:$0x5] =	wrdreg s14  }
0xb6: {  	[dreg:$0x6] =	wrdreg s15  }
0xb7: {  	[dreg:$0x7] =	wrdreg $0x9  }
0xb8: {  	_ =	task.clear_ibuf [dreg:s8], $0x8FFFF;
	_ =	strace $0x90000046  }
0xb9: {  	s26 =	simm.s32 $0x9;
	_ =	strace $0x80000048  }
0xba: {  	_ =	swait.ge [sflag:s26], $0x1  }
0xbb: {  	[sflag:s26] =	ssyncadd.s32 $0xFFFFFFFF  }
0xbc: {  	_ =	strace $0x90000048  }
0xbd: {  	_ =	sfence  }
0xbe: {  	s28 =	sld [smem:$0x0];
	_ =	sdelay $0x1  }
0xbf: {  	s29 =	srdreg.scid  }
0xc0: {  	s30 =	sshll.u32 s29, $0xD;
	s31 =	sshrl.u32 s29, $0x2  }
0xc1: {  	s1 =	sand.u32 $0x1, s29;
	s2 =	sand.u32 $0x4000, s30;
	s0 =	sadd.s32 s31, s28  }
0xc2: {  	s1 =	sor.u32 s2, s1;
	s0 =	sshll.u32 s0, $0x11  }
0xc3: {  	s0 =	sor.u32 s0, s1  }
0xc4: {  	s0 =	sadd.s32 $0x8F2B, s0  }
0xc5: {  	[sflag:s0] =	ssyncadd.remote.s32 $0x1  }
0xc6: {  	_ =	sfence.sel $0xFFFF  }
0xc7: {  	[dreg:$0x0] =	wrdreg $0xFFFFFFFF;
	(pc) =	sbr.abs _section_cstart, $3  }
0xc8: {  	[dreg:$0x1] =	wrdreg $0xFFFFFFFF  }
0xc9: {  	_ =	task.clear_ibuf [dreg:s8], $0x2FFFF;
	_ =	strace $0x9FFFFFFF  }
0xca: {  	(tm) =	ssettm $0x7FFFFFFF  }
0xcb: {  	_ =	shalt  }
tec
execute0_lowered:
.L_overlay_start_1:
0x0: {  	(tag) =	ssettag $0x1  }
0x1: {  	s4 =	rddreg [dreg:$0x0];
	s1 =	stileid.u32  }
0x2: {  	s5 =	rddreg [dreg:$0x1];
	p0 =	sgt.s32 s1, $0x7  }
.Ltmp0:
0x3: {  	s6 =	rddreg [dreg:$0x2];
	(pc) =	sbr.rel @p0 .LBB2_6-.Ltmp0, $4  }
0x4: {  	s3 =	rddreg [dreg:$0x3]  }
0x5: {  	s2 =	rddreg [dreg:$0x4];
	s7 =	simm.s32 $0x0  }
0x6: {  	[smem:$0x7FF] =	sst s7  }
0x7: {  	s0 =	rddreg [dreg:$0x5];
	_ =	strace $0x80000047  }
0x8: {  	p0 =	sgt.s32 s1, $0x3  }
.Ltmp1:
0x9: {  	_ = 	snop;
	(pc) =	sbr.rel @p0 .LBB2_5-.Ltmp1, $1  }
0xa: {  	_ =	sdelay $0x3  }
0xb: {  	p0 =	sgt.s32 s1, $0x1  }
.Ltmp2:
0xc: {  	_ = 	snop;
	(pc) =	sbr.rel @p0 .LBB2_29-.Ltmp2, $1  }
0xd: {  	_ =	sdelay $0x3  }
0xe: {  	p0 =	seq.s32 s1, $0x0  }
.Ltmp3:
0xf: {  	_ = 	snop;
	(pc) =	sbr.rel @!p0 .LBB2_4-.Ltmp3, $1  }
0x10: {  	_ =	sdelay $0x3  }
0x11: {  	s6 =	sadd.s32 $0x800, s6;
	s8 =	simm.s32 $0x0;
	s31 =	simm.s32 $0x3  }
0x12: {  	[tilespmem:s8], [sflag:$0x3] =	stream.linear.gather [hbm4b:s6+s8], $0x80, $0x38;
	[tilespmem:$0x3880] =	vst v63  }
0x13: {  	_ =	swait.ge [sflag:s31], $0x80  }
0x14: {  	[sflag:s31] =	ssyncset.done $0x0  }
0x15: {  	[sflag:s31] =	ssyncadd.s32 $0xFFFFFF80  }
0x16: {  	v0 =	vld [tilespmem:$0x0];
	_ =	sdelay $0x4  }
0x17: {  	(v2sf) =	vpush v0, $0x0  }
0x18: {  	(v2sf) =	vpush v0, $0x1;
	_ =	sdelay $0x8  }
0x19: {  	v1 =	vbroadcast v0, $0x1  }
0x1a: {  	vm0 =	vcmask $0x3F04  }
0x1b: {  	v1 =	vsel vm0, v1, v0  }
0x1c: {  	s10 =	simm.s32 $0x10;
	s11 =	simm.s32 $0x80;
	s12 =	simm.s32 $0x100;
	[tilespmem:$0x80] =	vst v1  }
0x1d: {  	[tilespmem:s12], [sflag:$0x1] =	stream.indirect.gather [hbm4b:s4+s10], $0x1, s11, s10, $0xb8;
	[tilespmem:$0x3880] =	vst v63  }
0x1e: {  	s6 =	spop (v2sf)  }
0x1f: {  	s13 =	simm.s32 $0x1;
	s7 =	spop (v2sf)  }
0x20: {  	_ =	swait.ge [sflag:s13], $0x10  }
0x21: {  	[sflag:s13] =	ssyncset.done $0x0  }
0x22: {  	[sflag:s13] =	ssyncadd.s32 $0xFFFFFFF0  }
0x23: {  	v2 =	vld [tilespmem:$0x100];
	_ =	sdelay $0x4  }
0x24: {  	(v2sf) =	vpush v2, $0x0;
	_ =	sdelay $0x5  }
0x25: {  	(v2sf) =	vpush v2, $0x1;
	_ =	sdelay $0x8  }
0x26: {  	s14 =	spop (v2sf)  }
0x27: {  	p0 =	seq.s32 s14, s6  }
.Ltmp4:
0x28: {  	_ = 	snop;
	(pc) =	sbr.rel @!p0 .LBB2_10-.Ltmp4, $2  }
0x29: {  	_ =	sdelay $0x2  }
0x2a: {  	s9 =	spop (v2sf)  }
.LBB2_13:
0x2b: {  	p0 =	seq.s32 s9, s7  }
.Ltmp5:
0x2c: {  	_ = 	snop;
	(pc) =	sbr.rel @!p0 .LBB2_14-.Ltmp5, $1  }
0x2d: {  	_ =	sdelay $0x3  }
.LBB2_18:
0x2e: {  	v3 =	vbroadcast v2, $0x0  }
0x2f: {  	vm0 =	vcmask $0xB08;
	v2 =	vbroadcast v2, $0x1;
	vm12 =	vmmov $0x1  }
0x30: {  	vm1 =	vcmask $0xB1C;
	vm13 =	vcmask $0xF1C;
	v1 =	vsel vm0, v3, v1  }
0x31: {  	vm14 =	vcmask $0x131C;
	v3 =	vmov s7;
	v1 =	vsel vm1, v1, v2  }
0x32: {  	v0 =	vbroadcast v0, $0x2;
	v3 =	vsel vm12, s6, v3;
	v1 =	vnsel vm13, s6, v1  }
0x33: {  	s12 =	simm.s32 $0x10;
	s13 =	simm.s32 $0x80;
	s31 =	simm.s32 $0x180;
	vm15 =	vcmask $0x171C;
	[tilespmem:$0x80] =	vst v3;
	v1 =	vnsel vm14, s7, v1  }
0x34: {  	[tilespmem:s31], [sflag:$0x1] =	stream.indirect.gather [hbm4b:s5+s12], $0x1, s13, s12, $0xb8;
	v0 =	vsel vm15, v1, v0;
	[tilespmem:$0x3880] =	vst v63  }
0x35: {  	[tilespmem:$0x300] =	vst v0  }
0x36: {  	[bflag:$0x0] =	sbarrier.arrive $0xFFFF  }
0x37: {  	v0 =	vld [tilespmem:$0x300];
	_ =	sdelay $0x4  }
0x38: {  	(v2sf) =	vpush v0, $0x1  }
0x39: {  	(v2sf) =	vpush v0, $0x2  }
0x3a: {  	(v2sf) =	vpush v0, $0x3  }
0x3b: {  	(v2sf) =	vpush v0, $0x4  }
0x3c: {  	(v2sf) =	vpush v0, $0x5  }
0x3d: {  	(v2sf) =	vpush v0, $0x6;
	_ =	sdelay $0x9  }
0x3e: {  	s10 =	spop (v2sf)  }
0x3f: {  	s15 =	spop (v2sf)  }
0x40: {  	s11 =	spop (v2sf)  }
0x41: {  	s5 =	spop (v2sf)  }
0x42: {  	s6 =	spop (v2sf)  }
0x43: {  	s14 =	simm.s32 $0x1;
	s9 =	spop (v2sf)  }
0x44: {  	_ =	swait.ge [sflag:s14], $0x10  }
0x45: {  	[sflag:s14] =	ssyncset.done $0x0  }
0x46: {  	[sflag:s14] =	ssyncadd.s32 $0xFFFFFFF0  }
0x47: {  	v1 =	vld [tilespmem:$0x180];
	_ =	sdelay $0x4  }
0x48: {  	(v2sf) =	vpush v1, $0x0  }
0x49: {  	(v2sf) =	vpush v1, $0x1;
	_ =	sdelay $0x9  }
0x4a: {  	p0 =	seq.s32 s15, s5  }
.Ltmp6:
0x4b: {  	_ = 	snop;
	(pc) =	sbr.rel @!p0 .LBB2_19-.Ltmp6, $3  }
0x4c: {  	_ =	sdelay $0x1  }
0x4d: {  	s7 =	spop (v2sf)  }
0x4e: {  	s8 =	spop (v2sf)  }
.LBB2_23:
0x4f: {  	p0 =	seq.s32 s11, s6  }
.Ltmp7:
0x50: {  	_ = 	snop;
	(pc) =	sbr.rel @!p0 .LBB2_24-.Ltmp7, $1  }
0x51: {  	_ =	sdelay $0x3  }
.LBB2_28:
0x52: {  	p1 =	seq.s32 s5, s6  }
0x53: {  	p2 =	seq.s32 @!p1 s9, $0x0  }
0x54: {  	p0 =	por p2, p1  }
0x55: {  	p3 =	sgt.f32 @!p0 s7, s8;
	_ =	sdelay $0x1  }
0x56: {  	p2 =	por @!p1 !p3, p2  }
0x57: {  	s4 =	smov.u32 s6;
	p1 =	por !p2, p1  }
0x58: {  	s4 =	smov.u32 @p1 s5;
	s5 =	smov.u32 @p1 s6  }
0x59: {  	v0 =	vmov @!p0 s5  }
0x5a: {  	s7 =	sadd.f32 @!p0 s8, s7;
	[tilespmem:$0x80] =	vst @!p0 v0;
	v0 =	vmov @!p0 s4  }
0x5b: {  	s6 =	simm.s32 @!p0 $0x200;
	s5 =	simm.s32 @!p0 $0x80;
	s4 =	simm.s32 @!p0 $0x10;
	[tilespmem:$0x200] =	vst @!p0 v0  }
0x5c: {  	[hbm4b:s3+s4] =	stream.indirect.scatter @!p0 [tilespmem:s6], [sflag:$0x1], $0x1, s5, s4, $0xb8;
	[tilespmem:$0x3880] =	vst v63  }
0x5d: {  	[tilespmem:$0x100] =	vst @!p0 v0;
	v0 =	vmov @!p0 s7  }
0x5e: {  	s3 =	simm.s32 @!p0 $0x100;
	s5 =	simm.s32 @!p0 $0x280;
	[tilespmem:$0x280] =	vst @!p0 v0  }
0x5f: {  	[hbm4b:s2+s4] =	stream.indirect.scatter @!p0 [tilespmem:s5], [sflag:$0x2], $0x1, s3, s4, $0xb8;
	[tilespmem:$0x3880] =	vst v63  }
0x60: {  	s2 =	simm.s32 @!p0 $0x1  }
0x61: {  	_ =	swait.ge @!p0 [sflag:s2], $0x10  }
.Ltmp8:
0x62: {  	[sflag:s2] =	ssyncset.done @!p0 $0x0;
	(pc) =	sbr.rel .LBB2_31-.Ltmp8, $4  }
0x63: {  	[sflag:s2] =	ssyncadd.s32 @!p0 $0xFFFFFFF0;
	s2 =	simm.s32 @!p0 $0x2  }
0x64: {  	_ =	swait.ge @!p0 [sflag:s2], $0x10  }
0x65: {  	[sflag:s2] =	ssyncset.done @!p0 $0x0  }
0x66: {  	[sflag:s2] =	ssyncadd.s32 @!p0 $0xFFFFFFF0  }
.LBB2_12:
0x67: {  	s8 =	sadd.s32 $0x1, s8  }
0x68: {  	p0 =	sne.s32 s8, $0x11  }
.Ltmp9:
0x69: {  	_ = 	snop;
	(pc) =	sbr.rel @!p0 .LBB2_13-.Ltmp9, $1  }
0x6a: {  	_ =	sdelay $0x3  }
.LBB2_10:
0x6b: {  	p0 =	seq.s32 s14, s6  }
.Ltmp10:
0x6c: {  	_ = 	snop;
	(pc) =	sbr.rel @p0 .LBB2_12-.Ltmp10, $2  }
0x6d: {  	_ =	sdelay $0x2  }
0x6e: {  	s15 =	simm.s32 $0x1;
	s6 =	smov.u32 s14  }
.LBB2_11:
0x6f: {  	v3 =	vmov s14  }
0x70: {  	[tilespmem:$0x80] =	vst v3  }
0x71: {  	[tilespmem:s12], [sflag:$0x1] =	stream.indirect.gather [hbm4b:s4+s10], $0x1, s11, s10, $0xb8;
	[tilespmem:$0x3880] =	vst v63  }
0x72: {  	_ =	swait.ge [sflag:s13], $0x10  }
0x73: {  	[sflag:s13] =	ssyncset.done $0x0  }
0x74: {  	[sflag:s13] =	ssyncadd.s32 $0xFFFFFFF0  }
0x75: {  	v3 =	vld [tilespmem:$0x100];
	_ =	sdelay $0x4  }
0x76: {  	(v2sf) =	vpush v3, $0x0;
	_ =	sdelay $0x8  }
0x77: {  	s31 =	sshrl.u32 s15, s8  }
0x78: {  	p0 =	seq.s32 s31, $0x0  }
.Ltmp11:
0x79: {  	_ = 	snop;
	(pc) =	sbr.rel @p0 .LBB2_11-.Ltmp11, $2  }
0x7a: {  	_ =	sdelay $0x2  }
0x7b: {  	s6 =	smov.u32 s14;
	s15 =	sadd.s32 $0x1, s15;
	s14 =	spop (v2sf)  }
.Ltmp12:
0x7c: {  	_ = 	snop;
	(pc) =	sbr.rel .LBB2_12-.Ltmp12, $1  }
0x7d: {  	_ =	sdelay $0x3  }
.LBB2_6:
0x7e: {  	p0 =	sgt.s32 s1, $0xB  }
.Ltmp13:
0x7f: {  	_ = 	snop;
	(pc) =	sbr.rel @p0 .LBB2_8-.Ltmp13, $1  }
0x80: {  	_ =	sdelay $0x3  }
0x81: {  	p0 =	sgt.s32 s1, $0x9  }
0x82: {  	p1 =	seq.s32 @p0 s1, $0xA  }
0x83: {  	p2 =	por !p1, !p0  }
0x84: {  	s6 =	sadd.s32 @!p2 $0x1D52, s4;
	s7 =	simm.s32 @!p2 $0x0;
	s8 =	simm.s32 @!p2 $0x380  }
0x85: {  	[tilespmem:s8], [sflag:$0x1] =	stream.linear.gather @!p2 [hbm4b:s6+s7], $0x1A10, $0x38;
	[tilespmem:$0x3880] =	vst v63  }
0x86: {  	s9 =	simm.s32 @!p2 $0x1E00;
	s6 =	sadd.s32 @!p2 $0x1D52, s5  }
0x87: {  	[tilespmem:s9], [sflag:$0x2] =	stream.linear.gather @!p2 [hbm4b:s6+s7], $0x1A10, $0x38;
	[tilespmem:$0x3880] =	vst v63  }
0x88: {  	s6 =	simm.s32 @!p2 $0x1  }
0x89: {  	_ =	swait.ge @!p2 [sflag:s6], $0x1A10  }
0x8a: {  	[sflag:s6] =	ssyncset.done @!p2 $0x0  }
0x8b: {  	s10 =	simm.s32 @!p2 $0x2;
	[sflag:s6] =	ssyncadd.s32 @!p2 $0xFFFFE5F0  }
0x8c: {  	_ =	swait.ge @!p2 [sflag:s10], $0x1A10  }
0x8d: {  	[sflag:s10] =	ssyncset.done @!p2 $0x0  }
0x8e: {  	s11 =	sadd.s32 @!p2 $0x1D52, s3;
	[sflag:s10] =	ssyncadd.s32 @!p2 $0xFFFFE5F0  }
0x8f: {  	[hbm4b:s11+s7] =	stream.linear.scatter @!p2 [tilespmem:s8], [sflag:$0x1], $0x1A10, $0x38;
	[tilespmem:$0x3880] =	vst v63  }
0x90: {  	s8 =	sadd.s32 @!p2 $0x1D52, s2  }
0x91: {  	[hbm4b:s8+s7] =	stream.linear.scatter @!p2 [tilespmem:s9], [sflag:$0x2], $0x1A10, $0x38;
	[tilespmem:$0x3880] =	vst v63  }
0x92: {  	_ =	swait.ge @!p2 [sflag:s6], $0x1A10  }
0x93: {  	[sflag:s6] =	ssyncset.done @!p2 $0x0  }
0x94: {  	[sflag:s6] =	ssyncadd.s32 @!p2 $0xFFFFE5F0  }
0x95: {  	_ =	swait.ge @!p2 [sflag:s10], $0x1A10  }
0x96: {  	[sflag:s10] =	ssyncset.done @!p2 $0x0  }
0x97: {  	[sflag:s10] =	ssyncadd.s32 @!p2 $0xFFFFE5F0;
	p2 =	por p1, !p0  }
0x98: {  	s6 =	sadd.s32 @!p2 $0x2094, s4;
	s7 =	simm.s32 @!p2 $0x0;
	s8 =	simm.s32 @!p2 $0x380  }
0x99: {  	[tilespmem:s8], [sflag:$0x1] =	stream.linear.gather @!p2 [hbm4b:s6+s7], $0x1A10, $0x38;
	[tilespmem:$0x3880] =	vst v63  }
0x9a: {  	s9 =	simm.s32 @!p2 $0x1E00;
	s6 =	sadd.s32 @!p2 $0x2094, s5  }
0x9b: {  	[tilespmem:s9], [sflag:$0x2] =	stream.linear.gather @!p2 [hbm4b:s6+s7], $0x1A10, $0x38;
	[tilespmem:$0x3880] =	vst v63  }
0x9c: {  	s6 =	simm.s32 @!p2 $0x1  }
0x9d: {  	_ =	swait.ge @!p2 [sflag:s6], $0x1A10  }
0x9e: {  	[sflag:s6] =	ssyncset.done @!p2 $0x0  }
0x9f: {  	s10 =	simm.s32 @!p2 $0x2;
	[sflag:s6] =	ssyncadd.s32 @!p2 $0xFFFFE5F0  }
0xa0: {  	_ =	swait.ge @!p2 [sflag:s10], $0x1A10  }
0xa1: {  	[sflag:s10] =	ssyncset.done @!p2 $0x0  }
0xa2: {  	s11 =	sadd.s32 @!p2 $0x2094, s3;
	[sflag:s10] =	ssyncadd.s32 @!p2 $0xFFFFE5F0  }
0xa3: {  	[hbm4b:s11+s7] =	stream.linear.scatter @!p2 [tilespmem:s8], [sflag:$0x1], $0x1A10, $0x38;
	[tilespmem:$0x3880] =	vst v63  }
0xa4: {  	s8 =	sadd.s32 @!p2 $0x2094, s2  }
0xa5: {  	[hbm4b:s8+s7] =	stream.linear.scatter @!p2 [tilespmem:s9], [sflag:$0x2], $0x1A10, $0x38;
	[tilespmem:$0x3880] =	vst v63  }
0xa6: {  	_ =	swait.ge @!p2 [sflag:s6], $0x1A10  }
0xa7: {  	[sflag:s6] =	ssyncset.done @!p2 $0x0  }
0xa8: {  	[sflag:s6] =	ssyncadd.s32 @!p2 $0xFFFFE5F0  }
0xa9: {  	_ =	swait.ge @!p2 [sflag:s10], $0x1A10  }
0xaa: {  	p1 =	seq.s32 @!p0 s1, $0x8;
	[sflag:s10] =	ssyncset.done @!p2 $0x0  }
0xab: {  	[sflag:s10] =	ssyncadd.s32 @!p2 $0xFFFFE5F0;
	p2 =	por !p1, p0  }
0xac: {  	s6 =	sadd.s32 @!p2 $0x16CE, s4;
	s7 =	simm.s32 @!p2 $0x0;
	s8 =	simm.s32 @!p2 $0x380  }
0xad: {  	[tilespmem:s8], [sflag:$0x1] =	stream.linear.gather @!p2 [hbm4b:s6+s7], $0x1A10, $0x38;
	[tilespmem:$0x3880] =	vst v63  }
0xae: {  	s9 =	simm.s32 @!p2 $0x1E00;
	s6 =	sadd.s32 @!p2 $0x16CE, s5  }
0xaf: {  	[tilespmem:s9], [sflag:$0x2] =	stream.linear.gather @!p2 [hbm4b:s6+s7], $0x1A10, $0x38;
	[tilespmem:$0x3880] =	vst v63  }
0xb0: {  	s6 =	simm.s32 @!p2 $0x1  }
0xb1: {  	_ =	swait.ge @!p2 [sflag:s6], $0x1A10  }
0xb2: {  	[sflag:s6] =	ssyncset.done @!p2 $0x0  }
0xb3: {  	s10 =	simm.s32 @!p2 $0x2;
	[sflag:s6] =	ssyncadd.s32 @!p2 $0xFFFFE5F0  }
0xb4: {  	_ =	swait.ge @!p2 [sflag:s10], $0x1A10  }
0xb5: {  	[sflag:s10] =	ssyncset.done @!p2 $0x0  }
0xb6: {  	s11 =	sadd.s32 @!p2 $0x16CE, s3;
	[sflag:s10] =	ssyncadd.s32 @!p2 $0xFFFFE5F0  }
0xb7: {  	[hbm4b:s11+s7] =	stream.linear.scatter @!p2 [tilespmem:s8], [sflag:$0x1], $0x1A10, $0x38;
	[tilespmem:$0x3880] =	vst v63  }
0xb8: {  	s8 =	sadd.s32 @!p2 $0x16CE, s2  }
0xb9: {  	[hbm4b:s8+s7] =	stream.linear.scatter @!p2 [tilespmem:s9], [sflag:$0x2], $0x1A10, $0x38;
	[tilespmem:$0x3880] =	vst v63  }
0xba: {  	_ =	swait.ge @!p2 [sflag:s6], $0x1A10  }
0xbb: {  	[sflag:s6] =	ssyncset.done @!p2 $0x0  }
0xbc: {  	[sflag:s6] =	ssyncadd.s32 @!p2 $0xFFFFE5F0  }
0xbd: {  	p0 =	por p1, p0;
	_ =	swait.ge @!p2 [sflag:s10], $0x1A10  }
0xbe: {  	s4 =	sadd.s32 @!p0 $0x1A10, s4;
	[sflag:s10] =	ssyncset.done @!p2 $0x0  }
0xbf: {  	s7 =	simm.s32 @!p0 $0x380;
	s6 =	simm.s32 @!p0 $0x0;
	[sflag:s10] =	ssyncadd.s32 @!p2 $0xFFFFE5F0  }
0xc0: {  	[tilespmem:s7], [sflag:$0x1] =	stream.linear.gather @!p0 [hbm4b:s4+s6], $0x1A10, $0x38;
	[tilespmem:$0x3880] =	vst v63  }
0xc1: {  	s4 =	sadd.s32 @!p0 $0x1A10, s5;
	s5 =	simm.s32 @!p0 $0x1E00  }
0xc2: {  	[tilespmem:s5], [sflag:$0x2] =	stream.linear.gather @!p0 [hbm4b:s4+s6], $0x1A10, $0x38;
	[tilespmem:$0x3880] =	vst v63  }
0xc3: {  	s4 =	simm.s32 @!p0 $0x1  }
0xc4: {  	_ =	swait.ge @!p0 [sflag:s4], $0x1A10  }
0xc5: {  	[sflag:s4] =	ssyncset.done @!p0 $0x0  }
0xc6: {  	s8 =	simm.s32 @!p0 $0x2;
	[sflag:s4] =	ssyncadd.s32 @!p0 $0xFFFFE5F0  }
0xc7: {  	_ =	swait.ge @!p0 [sflag:s8], $0x1A10  }
0xc8: {  	[sflag:s8] =	ssyncset.done @!p0 $0x0  }
0xc9: {  	s3 =	sadd.s32 @!p0 $0x1A10, s3;
	[sflag:s8] =	ssyncadd.s32 @!p0 $0xFFFFE5F0  }
0xca: {  	[hbm4b:s3+s6] =	stream.linear.scatter @!p0 [tilespmem:s7], [sflag:$0x1], $0x1A10, $0x38;
	[tilespmem:$0x3880] =	vst v63  }
0xcb: {  	s2 =	sadd.s32 @!p0 $0x1A10, s2  }
0xcc: {  	[hbm4b:s2+s6] =	stream.linear.scatter @!p0 [tilespmem:s5], [sflag:$0x2], $0x1A10, $0x38;
	[tilespmem:$0x3880] =	vst v63  }
0xcd: {  	_ =	swait.ge @!p0 [sflag:s4], $0x1A10  }
.Ltmp14:
0xce: {  	[sflag:s4] =	ssyncset.done @!p0 $0x0;
	(pc) =	sbr.rel .LBB2_30-.Ltmp14, $4  }
0xcf: {  	[sflag:s4] =	ssyncadd.s32 @!p0 $0xFFFFE5F0  }
0xd0: {  	_ =	swait.ge @!p0 [sflag:s8], $0x1A10  }
0xd1: {  	[sflag:s8] =	ssyncset.done @!p0 $0x0  }
0xd2: {  	[sflag:s8] =	ssyncadd.s32 @!p0 $0xFFFFE5F0  }
.LBB2_5:
0xd3: {  	p0 =	sgt.s32 s1, $0x5  }
0xd4: {  	p1 =	seq.s32 @p0 s1, $0x6  }
0xd5: {  	p2 =	por !p1, !p0  }
0xd6: {  	s6 =	sadd.s32 @!p2 $0x104A, s4;
	s7 =	simm.s32 @!p2 $0x0;
	s8 =	simm.s32 @!p2 $0x380  }
0xd7: {  	[tilespmem:s8], [sflag:$0x1] =	stream.linear.gather @!p2 [hbm4b:s6+s7], $0x1A10, $0x38;
	[tilespmem:$0x3880] =	vst v63  }
0xd8: {  	s9 =	simm.s32 @!p2 $0x1E00;
	s6 =	sadd.s32 @!p2 $0x104A, s5  }
0xd9: {  	[tilespmem:s9], [sflag:$0x2] =	stream.linear.gather @!p2 [hbm4b:s6+s7], $0x1A10, $0x38;
	[tilespmem:$0x3880] =	vst v63  }
0xda: {  	s6 =	simm.s32 @!p2 $0x1  }
0xdb: {  	_ =	swait.ge @!p2 [sflag:s6], $0x1A10  }
0xdc: {  	[sflag:s6] =	ssyncset.done @!p2 $0x0  }
0xdd: {  	s10 =	simm.s32 @!p2 $0x2;
	[sflag:s6] =	ssyncadd.s32 @!p2 $0xFFFFE5F0  }
0xde: {  	_ =	swait.ge @!p2 [sflag:s10], $0x1A10  }
0xdf: {  	[sflag:s10] =	ssyncset.done @!p2 $0x0  }
0xe0: {  	s11 =	sadd.s32 @!p2 $0x104A, s3;
	[sflag:s10] =	ssyncadd.s32 @!p2 $0xFFFFE5F0  }
0xe1: {  	[hbm4b:s11+s7] =	stream.linear.scatter @!p2 [tilespmem:s8], [sflag:$0x1], $0x1A10, $0x38;
	[tilespmem:$0x3880] =	vst v63  }
0xe2: {  	s8 =	sadd.s32 @!p2 $0x104A, s2  }
0xe3: {  	[hbm4b:s8+s7] =	stream.linear.scatter @!p2 [tilespmem:s9], [sflag:$0x2], $0x1A10, $0x38;
	[tilespmem:$0x3880] =	vst v63  }
0xe4: {  	_ =	swait.ge @!p2 [sflag:s6], $0x1A10  }
0xe5: {  	[sflag:s6] =	ssyncset.done @!p2 $0x0  }
0xe6: {  	[sflag:s6] =	ssyncadd.s32 @!p2 $0xFFFFE5F0  }
0xe7: {  	_ =	swait.ge @!p2 [sflag:s10], $0x1A10  }
0xe8: {  	[sflag:s10] =	ssyncset.done @!p2 $0x0  }
0xe9: {  	[sflag:s10] =	ssyncadd.s32 @!p2 $0xFFFFE5F0;
	p2 =	por p1, !p0  }
0xea: {  	s6 =	sadd.s32 @!p2 $0x138C, s4;
	s7 =	simm.s32 @!p2 $0x0;
	s8 =	simm.s32 @!p2 $0x380  }
0xeb: {  	[tilespmem:s8], [sflag:$0x1] =	stream.linear.gather @!p2 [hbm4b:s6+s7], $0x1A10, $0x38;
	[tilespmem:$0x3880] =	vst v63  }
0xec: {  	s9 =	simm.s32 @!p2 $0x1E00;
	s6 =	sadd.s32 @!p2 $0x138C, s5  }
0xed: {  	[tilespmem:s9], [sflag:$0x2] =	stream.linear.gather @!p2 [hbm4b:s6+s7], $0x1A10, $0x38;
	[tilespmem:$0x3880] =	vst v63  }
0xee: {  	s6 =	simm.s32 @!p2 $0x1  }
0xef: {  	_ =	swait.ge @!p2 [sflag:s6], $0x1A10  }
0xf0: {  	[sflag:s6] =	ssyncset.done @!p2 $0x0  }
0xf1: {  	s10 =	simm.s32 @!p2 $0x2;
	[sflag:s6] =	ssyncadd.s32 @!p2 $0xFFFFE5F0  }
0xf2: {  	_ =	swait.ge @!p2 [sflag:s10], $0x1A10  }
0xf3: {  	[sflag:s10] =	ssyncset.done @!p2 $0x0  }
0xf4: {  	s11 =	sadd.s32 @!p2 $0x138C, s3;
	[sflag:s10] =	ssyncadd.s32 @!p2 $0xFFFFE5F0  }
0xf5: {  	[hbm4b:s11+s7] =	stream.linear.scatter @!p2 [tilespmem:s8], [sflag:$0x1], $0x1A10, $0x38;
	[tilespmem:$0x3880] =	vst v63  }
0xf6: {  	s8 =	sadd.s32 @!p2 $0x138C, s2  }
0xf7: {  	[hbm4b:s8+s7] =	stream.linear.scatter @!p2 [tilespmem:s9], [sflag:$0x2], $0x1A10, $0x38;
	[tilespmem:$0x3880] =	vst v63  }
0xf8: {  	_ =	swait.ge @!p2 [sflag:s6], $0x1A10  }
0xf9: {  	[sflag:s6] =	ssyncset.done @!p2 $0x0  }
0xfa: {  	[sflag:s6] =	ssyncadd.s32 @!p2 $0xFFFFE5F0  }
0xfb: {  	_ =	swait.ge @!p2 [sflag:s10], $0x1A10  }
0xfc: {  	p1 =	seq.s32 @!p0 s1, $0x4;
	[sflag:s10] =	ssyncset.done @!p2 $0x0  }
0xfd: {  	[sflag:s10] =	ssyncadd.s32 @!p2 $0xFFFFE5F0;
	p2 =	por !p1, p0  }
0xfe: {  	s6 =	sadd.s32 @!p2 $0x9C6, s4;
	s7 =	simm.s32 @!p2 $0x0;
	s8 =	simm.s32 @!p2 $0x380  }
0xff: {  	[tilespmem:s8], [sflag:$0x1] =	stream.linear.gather @!p2 [hbm4b:s6+s7], $0x1A10, $0x38;
	[tilespmem:$0x3880] =	vst v63  }
0x100: {  	s9 =	simm.s32 @!p2 $0x1E00;
	s6 =	sadd.s32 @!p2 $0x9C6, s5  }
0x101: {  	[tilespmem:s9], [sflag:$0x2] =	stream.linear.gather @!p2 [hbm4b:s6+s7], $0x1A10, $0x38;
	[tilespmem:$0x3880] =	vst v63  }
0x102: {  	s6 =	simm.s32 @!p2 $0x1  }
0x103: {  	_ =	swait.ge @!p2 [sflag:s6], $0x1A10  }
0x104: {  	[sflag:s6] =	ssyncset.done @!p2 $0x0  }
0x105: {  	s10 =	simm.s32 @!p2 $0x2;
	[sflag:s6] =	ssyncadd.s32 @!p2 $0xFFFFE5F0  }
0x106: {  	_ =	swait.ge @!p2 [sflag:s10], $0x1A10  }
0x107: {  	[sflag:s10] =	ssyncset.done @!p2 $0x0  }
0x108: {  	s11 =	sadd.s32 @!p2 $0x9C6, s3;
	[sflag:s10] =	ssyncadd.s32 @!p2 $0xFFFFE5F0  }
0x109: {  	[hbm4b:s11+s7] =	stream.linear.scatter @!p2 [tilespmem:s8], [sflag:$0x1], $0x1A10, $0x38;
	[tilespmem:$0x3880] =	vst v63  }
0x10a: {  	s8 =	sadd.s32 @!p2 $0x9C6, s2  }
0x10b: {  	[hbm4b:s8+s7] =	stream.linear.scatter @!p2 [tilespmem:s9], [sflag:$0x2], $0x1A10, $0x38;
	[tilespmem:$0x3880] =	vst v63  }
0x10c: {  	_ =	swait.ge @!p2 [sflag:s6], $0x1A10  }
0x10d: {  	[sflag:s6] =	ssyncset.done @!p2 $0x0  }
0x10e: {  	[sflag:s6] =	ssyncadd.s32 @!p2 $0xFFFFE5F0  }
0x10f: {  	p0 =	por p1, p0;
	_ =	swait.ge @!p2 [sflag:s10], $0x1A10  }
0x110: {  	s4 =	sadd.s32 @!p0 $0xD08, s4;
	[sflag:s10] =	ssyncset.done @!p2 $0x0  }
0x111: {  	s7 =	simm.s32 @!p0 $0x380;
	s6 =	simm.s32 @!p0 $0x0;
	[sflag:s10] =	ssyncadd.s32 @!p2 $0xFFFFE5F0  }
0x112: {  	[tilespmem:s7], [sflag:$0x1] =	stream.linear.gather @!p0 [hbm4b:s4+s6], $0x1A10, $0x38;
	[tilespmem:$0x3880] =	vst v63  }
0x113: {  	s4 =	sadd.s32 @!p0 $0xD08, s5;
	s5 =	simm.s32 @!p0 $0x1E00  }
0x114: {  	[tilespmem:s5], [sflag:$0x2] =	stream.linear.gather @!p0 [hbm4b:s4+s6], $0x1A10, $0x38;
	[tilespmem:$0x3880] =	vst v63  }
0x115: {  	s4 =	simm.s32 @!p0 $0x1  }
0x116: {  	_ =	swait.ge @!p0 [sflag:s4], $0x1A10  }
0x117: {  	[sflag:s4] =	ssyncset.done @!p0 $0x0  }
0x118: {  	s8 =	simm.s32 @!p0 $0x2;
	[sflag:s4] =	ssyncadd.s32 @!p0 $0xFFFFE5F0  }
0x119: {  	_ =	swait.ge @!p0 [sflag:s8], $0x1A10  }
0x11a: {  	[sflag:s8] =	ssyncset.done @!p0 $0x0  }
0x11b: {  	s3 =	sadd.s32 @!p0 $0xD08, s3;
	[sflag:s8] =	ssyncadd.s32 @!p0 $0xFFFFE5F0  }
0x11c: {  	[hbm4b:s3+s6] =	stream.linear.scatter @!p0 [tilespmem:s7], [sflag:$0x1], $0x1A10, $0x38;
	[tilespmem:$0x3880] =	vst v63  }
0x11d: {  	s2 =	sadd.s32 @!p0 $0xD08, s2  }
0x11e: {  	[hbm4b:s2+s6] =	stream.linear.scatter @!p0 [tilespmem:s5], [sflag:$0x2], $0x1A10, $0x38;
	[tilespmem:$0x3880] =	vst v63  }
0x11f: {  	_ =	swait.ge @!p0 [sflag:s4], $0x1A10  }
.Ltmp15:
0x120: {  	[sflag:s4] =	ssyncset.done @!p0 $0x0;
	(pc) =	sbr.rel .LBB2_30-.Ltmp15, $4  }
0x121: {  	[sflag:s4] =	ssyncadd.s32 @!p0 $0xFFFFE5F0  }
0x122: {  	_ =	swait.ge @!p0 [sflag:s8], $0x1A10  }
0x123: {  	[sflag:s8] =	ssyncset.done @!p0 $0x0  }
0x124: {  	[sflag:s8] =	ssyncadd.s32 @!p0 $0xFFFFE5F0  }
.LBB2_8:
0x125: {  	p0 =	sgt.s32 s1, $0xD  }
0x126: {  	p1 =	seq.s32 @p0 s1, $0xE  }
0x127: {  	p2 =	por !p1, !p0  }
0x128: {  	s6 =	sadd.s32 @!p2 $0x2A5A, s4;
	s7 =	simm.s32 @!p2 $0x0;
	s8 =	simm.s32 @!p2 $0x380  }
0x129: {  	[tilespmem:s8], [sflag:$0x1] =	stream.linear.gather @!p2 [hbm4b:s6+s7], $0x1A10, $0x38;
	[tilespmem:$0x3880] =	vst v63  }
0x12a: {  	s9 =	simm.s32 @!p2 $0x1E00;
	s6 =	sadd.s32 @!p2 $0x2A5A, s5  }
0x12b: {  	[tilespmem:s9], [sflag:$0x2] =	stream.linear.gather @!p2 [hbm4b:s6+s7], $0x1A10, $0x38;
	[tilespmem:$0x3880] =	vst v63  }
0x12c: {  	s6 =	simm.s32 @!p2 $0x1  }
0x12d: {  	_ =	swait.ge @!p2 [sflag:s6], $0x1A10  }
0x12e: {  	[sflag:s6] =	ssyncset.done @!p2 $0x0  }
0x12f: {  	s10 =	simm.s32 @!p2 $0x2;
	[sflag:s6] =	ssyncadd.s32 @!p2 $0xFFFFE5F0  }
0x130: {  	_ =	swait.ge @!p2 [sflag:s10], $0x1A10  }
0x131: {  	[sflag:s10] =	ssyncset.done @!p2 $0x0  }
0x132: {  	s11 =	sadd.s32 @!p2 $0x2A5A, s3;
	[sflag:s10] =	ssyncadd.s32 @!p2 $0xFFFFE5F0  }
0x133: {  	[hbm4b:s11+s7] =	stream.linear.scatter @!p2 [tilespmem:s8], [sflag:$0x1], $0x1A10, $0x38;
	[tilespmem:$0x3880] =	vst v63  }
0x134: {  	s8 =	sadd.s32 @!p2 $0x2A5A, s2  }
0x135: {  	[hbm4b:s8+s7] =	stream.linear.scatter @!p2 [tilespmem:s9], [sflag:$0x2], $0x1A10, $0x38;
	[tilespmem:$0x3880] =	vst v63  }
0x136: {  	_ =	swait.ge @!p2 [sflag:s6], $0x1A10  }
0x137: {  	[sflag:s6] =	ssyncset.done @!p2 $0x0  }
0x138: {  	[sflag:s6] =	ssyncadd.s32 @!p2 $0xFFFFE5F0  }
0x139: {  	_ =	swait.ge @!p2 [sflag:s10], $0x1A10  }
0x13a: {  	[sflag:s10] =	ssyncset.done @!p2 $0x0  }
0x13b: {  	[sflag:s10] =	ssyncadd.s32 @!p2 $0xFFFFE5F0;
	p2 =	por p1, !p0  }
0x13c: {  	s6 =	sadd.s32 @!p2 $0x2D9C, s4;
	s7 =	simm.s32 @!p2 $0x0;
	s8 =	simm.s32 @!p2 $0x380  }
0x13d: {  	[tilespmem:s8], [sflag:$0x1] =	stream.linear.gather @!p2 [hbm4b:s6+s7], $0x19C0, $0x38;
	[tilespmem:$0x3880] =	vst v63  }
0x13e: {  	s9 =	simm.s32 @!p2 $0x1E00;
	s6 =	sadd.s32 @!p2 $0x2D9C, s5  }
0x13f: {  	[tilespmem:s9], [sflag:$0x2] =	stream.linear.gather @!p2 [hbm4b:s6+s7], $0x19C0, $0x38;
	[tilespmem:$0x3880] =	vst v63  }
0x140: {  	s6 =	simm.s32 @!p2 $0x1  }
0x141: {  	_ =	swait.ge @!p2 [sflag:s6], $0x19C0  }
0x142: {  	[sflag:s6] =	ssyncset.done @!p2 $0x0  }
0x143: {  	s10 =	simm.s32 @!p2 $0x2;
	[sflag:s6] =	ssyncadd.s32 @!p2 $0xFFFFE640  }
0x144: {  	_ =	swait.ge @!p2 [sflag:s10], $0x19C0  }
0x145: {  	[sflag:s10] =	ssyncset.done @!p2 $0x0  }
0x146: {  	s11 =	sadd.s32 @!p2 $0x2D9C, s3;
	[sflag:s10] =	ssyncadd.s32 @!p2 $0xFFFFE640  }
0x147: {  	[hbm4b:s11+s7] =	stream.linear.scatter @!p2 [tilespmem:s8], [sflag:$0x1], $0x19C0, $0x38;
	[tilespmem:$0x3880] =	vst v63  }
0x148: {  	s8 =	sadd.s32 @!p2 $0x2D9C, s2  }
0x149: {  	[hbm4b:s8+s7] =	stream.linear.scatter @!p2 [tilespmem:s9], [sflag:$0x2], $0x19C0, $0x38;
	[tilespmem:$0x3880] =	vst v63  }
0x14a: {  	_ =	swait.ge @!p2 [sflag:s6], $0x19C0  }
0x14b: {  	[sflag:s6] =	ssyncset.done @!p2 $0x0  }
0x14c: {  	[sflag:s6] =	ssyncadd.s32 @!p2 $0xFFFFE640  }
0x14d: {  	_ =	swait.ge @!p2 [sflag:s10], $0x19C0  }
0x14e: {  	p1 =	seq.s32 @!p0 s1, $0xC;
	[sflag:s10] =	ssyncset.done @!p2 $0x0  }
0x14f: {  	[sflag:s10] =	ssyncadd.s32 @!p2 $0xFFFFE640;
	p2 =	por !p1, p0  }
0x150: {  	s6 =	sadd.s32 @!p2 $0x23D6, s4;
	s7 =	simm.s32 @!p2 $0x0;
	s8 =	simm.s32 @!p2 $0x380  }
0x151: {  	[tilespmem:s8], [sflag:$0x1] =	stream.linear.gather @!p2 [hbm4b:s6+s7], $0x1A10, $0x38;
	[tilespmem:$0x3880] =	vst v63  }
0x152: {  	s9 =	simm.s32 @!p2 $0x1E00;
	s6 =	sadd.s32 @!p2 $0x23D6, s5  }
0x153: {  	[tilespmem:s9], [sflag:$0x2] =	stream.linear.gather @!p2 [hbm4b:s6+s7], $0x1A10, $0x38;
	[tilespmem:$0x3880] =	vst v63  }
0x154: {  	s6 =	simm.s32 @!p2 $0x1  }
0x155: {  	_ =	swait.ge @!p2 [sflag:s6], $0x1A10  }
0x156: {  	[sflag:s6] =	ssyncset.done @!p2 $0x0  }
0x157: {  	s10 =	simm.s32 @!p2 $0x2;
	[sflag:s6] =	ssyncadd.s32 @!p2 $0xFFFFE5F0  }
0x158: {  	_ =	swait.ge @!p2 [sflag:s10], $0x1A10  }
0x159: {  	[sflag:s10] =	ssyncset.done @!p2 $0x0  }
0x15a: {  	s11 =	sadd.s32 @!p2 $0x23D6, s3;
	[sflag:s10] =	ssyncadd.s32 @!p2 $0xFFFFE5F0  }
0x15b: {  	[hbm4b:s11+s7] =	stream.linear.scatter @!p2 [tilespmem:s8], [sflag:$0x1], $0x1A10, $0x38;
	[tilespmem:$0x3880] =	vst v63  }
0x15c: {  	s8 =	sadd.s32 @!p2 $0x23D6, s2  }
0x15d: {  	[hbm4b:s8+s7] =	stream.linear.scatter @!p2 [tilespmem:s9], [sflag:$0x2], $0x1A10, $0x38;
	[tilespmem:$0x3880] =	vst v63  }
0x15e: {  	_ =	swait.ge @!p2 [sflag:s6], $0x1A10  }
0x15f: {  	[sflag:s6] =	ssyncset.done @!p2 $0x0  }
0x160: {  	[sflag:s6] =	ssyncadd.s32 @!p2 $0xFFFFE5F0  }
0x161: {  	p0 =	por p1, p0;
	_ =	swait.ge @!p2 [sflag:s10], $0x1A10  }
0x162: {  	s4 =	sadd.s32 @!p0 $0x2718, s4;
	[sflag:s10] =	ssyncset.done @!p2 $0x0  }
0x163: {  	s7 =	simm.s32 @!p0 $0x380;
	s6 =	simm.s32 @!p0 $0x0;
	[sflag:s10] =	ssyncadd.s32 @!p2 $0xFFFFE5F0  }
0x164: {  	[tilespmem:s7], [sflag:$0x1] =	stream.linear.gather @!p0 [hbm4b:s4+s6], $0x1A10, $0x38;
	[tilespmem:$0x3880] =	vst v63  }
0x165: {  	s4 =	sadd.s32 @!p0 $0x2718, s5;
	s5 =	simm.s32 @!p0 $0x1E00  }
0x166: {  	[tilespmem:s5], [sflag:$0x2] =	stream.linear.gather @!p0 [hbm4b:s4+s6], $0x1A10, $0x38;
	[tilespmem:$0x3880] =	vst v63  }
0x167: {  	s4 =	simm.s32 @!p0 $0x1  }
0x168: {  	_ =	swait.ge @!p0 [sflag:s4], $0x1A10  }
0x169: {  	[sflag:s4] =	ssyncset.done @!p0 $0x0  }
0x16a: {  	s8 =	simm.s32 @!p0 $0x2;
	[sflag:s4] =	ssyncadd.s32 @!p0 $0xFFFFE5F0  }
0x16b: {  	_ =	swait.ge @!p0 [sflag:s8], $0x1A10  }
0x16c: {  	[sflag:s8] =	ssyncset.done @!p0 $0x0  }
0x16d: {  	s3 =	sadd.s32 @!p0 $0x2718, s3;
	[sflag:s8] =	ssyncadd.s32 @!p0 $0xFFFFE5F0  }
0x16e: {  	[hbm4b:s3+s6] =	stream.linear.scatter @!p0 [tilespmem:s7], [sflag:$0x1], $0x1A10, $0x38;
	[tilespmem:$0x3880] =	vst v63  }
0x16f: {  	s2 =	sadd.s32 @!p0 $0x2718, s2  }
0x170: {  	[hbm4b:s2+s6] =	stream.linear.scatter @!p0 [tilespmem:s5], [sflag:$0x2], $0x1A10, $0x38;
	[tilespmem:$0x3880] =	vst v63  }
0x171: {  	_ =	swait.ge @!p0 [sflag:s4], $0x1A10  }
.Ltmp16:
0x172: {  	[sflag:s4] =	ssyncset.done @!p0 $0x0;
	(pc) =	sbr.rel .LBB2_30-.Ltmp16, $4  }
0x173: {  	[sflag:s4] =	ssyncadd.s32 @!p0 $0xFFFFE5F0  }
0x174: {  	_ =	swait.ge @!p0 [sflag:s8], $0x1A10  }
0x175: {  	[sflag:s8] =	ssyncset.done @!p0 $0x0  }
0x176: {  	[sflag:s8] =	ssyncadd.s32 @!p0 $0xFFFFE5F0  }
.LBB2_29:
0x177: {  	p0 =	seq.s32 s1, $0x2  }
0x178: {  	s6 =	sadd.s32 @p0 $0x342, s4;
	s7 =	simm.s32 @p0 $0x0;
	s8 =	simm.s32 @p0 $0x380  }
0x179: {  	[tilespmem:s8], [sflag:$0x1] =	stream.linear.gather @p0 [hbm4b:s6+s7], $0x1A10, $0x38;
	[tilespmem:$0x3880] =	vst v63  }
0x17a: {  	s9 =	simm.s32 @p0 $0x1E00;
	s6 =	sadd.s32 @p0 $0x342, s5  }
0x17b: {  	[tilespmem:s9], [sflag:$0x2] =	stream.linear.gather @p0 [hbm4b:s6+s7], $0x1A10, $0x38;
	[tilespmem:$0x3880] =	vst v63  }
0x17c: {  	s6 =	simm.s32 @p0 $0x1  }
0x17d: {  	_ =	swait.ge @p0 [sflag:s6], $0x1A10  }
0x17e: {  	[sflag:s6] =	ssyncset.done @p0 $0x0  }
0x17f: {  	s10 =	simm.s32 @p0 $0x2;
	[sflag:s6] =	ssyncadd.s32 @p0 $0xFFFFE5F0  }
0x180: {  	_ =	swait.ge @p0 [sflag:s10], $0x1A10  }
0x181: {  	[sflag:s10] =	ssyncset.done @p0 $0x0  }
0x182: {  	s11 =	sadd.s32 @p0 $0x342, s3;
	[sflag:s10] =	ssyncadd.s32 @p0 $0xFFFFE5F0  }
0x183: {  	[hbm4b:s11+s7] =	stream.linear.scatter @p0 [tilespmem:s8], [sflag:$0x1], $0x1A10, $0x38;
	[tilespmem:$0x3880] =	vst v63  }
0x184: {  	s8 =	sadd.s32 @p0 $0x342, s2  }
0x185: {  	[hbm4b:s8+s7] =	stream.linear.scatter @p0 [tilespmem:s9], [sflag:$0x2], $0x1A10, $0x38;
	[tilespmem:$0x3880] =	vst v63  }
0x186: {  	_ =	swait.ge @p0 [sflag:s6], $0x1A10  }
0x187: {  	[sflag:s6] =	ssyncset.done @p0 $0x0  }
0x188: {  	[sflag:s6] =	ssyncadd.s32 @p0 $0xFFFFE5F0  }
0x189: {  	_ =	swait.ge @p0 [sflag:s10], $0x1A10  }
0x18a: {  	s4 =	sadd.s32 @!p0 $0x684, s4;
	[sflag:s10] =	ssyncset.done @p0 $0x0  }
0x18b: {  	s7 =	simm.s32 @!p0 $0x380;
	s6 =	simm.s32 @!p0 $0x0;
	[sflag:s10] =	ssyncadd.s32 @p0 $0xFFFFE5F0  }
0x18c: {  	[tilespmem:s7], [sflag:$0x1] =	stream.linear.gather @!p0 [hbm4b:s4+s6], $0x1A10, $0x38;
	[tilespmem:$0x3880] =	vst v63  }
0x18d: {  	s4 =	sadd.s32 @!p0 $0x684, s5;
	s5 =	simm.s32 @!p0 $0x1E00  }
0x18e: {  	[tilespmem:s5], [sflag:$0x2] =	stream.linear.gather @!p0 [hbm4b:s4+s6], $0x1A10, $0x38;
	[tilespmem:$0x3880] =	vst v63  }
0x18f: {  	s4 =	simm.s32 @!p0 $0x1  }
0x190: {  	_ =	swait.ge @!p0 [sflag:s4], $0x1A10  }
0x191: {  	[sflag:s4] =	ssyncset.done @!p0 $0x0  }
0x192: {  	s8 =	simm.s32 @!p0 $0x2;
	[sflag:s4] =	ssyncadd.s32 @!p0 $0xFFFFE5F0  }
0x193: {  	_ =	swait.ge @!p0 [sflag:s8], $0x1A10  }
0x194: {  	[sflag:s8] =	ssyncset.done @!p0 $0x0  }
0x195: {  	s3 =	sadd.s32 @!p0 $0x684, s3;
	[sflag:s8] =	ssyncadd.s32 @!p0 $0xFFFFE5F0  }
0x196: {  	[hbm4b:s3+s6] =	stream.linear.scatter @!p0 [tilespmem:s7], [sflag:$0x1], $0x1A10, $0x38;
	[tilespmem:$0x3880] =	vst v63  }
0x197: {  	s2 =	sadd.s32 @!p0 $0x684, s2  }
0x198: {  	[hbm4b:s2+s6] =	stream.linear.scatter @!p0 [tilespmem:s5], [sflag:$0x2], $0x1A10, $0x38;
	[tilespmem:$0x3880] =	vst v63  }
0x199: {  	_ =	swait.ge @!p0 [sflag:s4], $0x1A10  }
.Ltmp17:
0x19a: {  	[sflag:s4] =	ssyncset.done @!p0 $0x0;
	(pc) =	sbr.rel .LBB2_30-.Ltmp17, $4  }
0x19b: {  	[sflag:s4] =	ssyncadd.s32 @!p0 $0xFFFFE5F0  }
0x19c: {  	_ =	swait.ge @!p0 [sflag:s8], $0x1A10  }
0x19d: {  	[sflag:s8] =	ssyncset.done @!p0 $0x0  }
0x19e: {  	[sflag:s8] =	ssyncadd.s32 @!p0 $0xFFFFE5F0  }
.LBB2_4:
0x19f: {  	s6 =	simm.s32 $0x0;
	s7 =	simm.s32 $0x380  }
0x1a0: {  	[tilespmem:s7], [sflag:$0x1] =	stream.linear.gather [hbm4b:s4+s6], $0x1A10, $0x38;
	[tilespmem:$0x3880] =	vst v63  }
0x1a1: {  	s30 =	simm.s32 $0x1E00;
	s31 =	simm.s32 $0x1  }
0x1a2: {  	[tilespmem:s30], [sflag:$0x2] =	stream.linear.gather [hbm4b:s5+s6], $0x1A10, $0x38;
	[tilespmem:$0x3880] =	vst v63  }
0x1a3: {  	_ =	swait.ge [sflag:s31], $0x1A10  }
0x1a4: {  	[sflag:s31] =	ssyncset.done $0x0  }
0x1a5: {  	s8 =	simm.s32 $0x2;
	[sflag:s31] =	ssyncadd.s32 $0xFFFFE5F0  }
0x1a6: {  	_ =	swait.ge [sflag:s8], $0x1A10  }
0x1a7: {  	[sflag:s8] =	ssyncset.done $0x0  }
0x1a8: {  	[sflag:s8] =	ssyncadd.s32 $0xFFFFE5F0  }
0x1a9: {  	[hbm4b:s3+s6] =	stream.linear.scatter [tilespmem:s7], [sflag:$0x1], $0x1A10, $0x38;
	[tilespmem:$0x3880] =	vst v63  }
0x1aa: {  	_ = 	snop  }
0x1ab: {  	[hbm4b:s2+s6] =	stream.linear.scatter [tilespmem:s30], [sflag:$0x2], $0x1A10, $0x38;
	[tilespmem:$0x3880] =	vst v63  }
0x1ac: {  	_ =	swait.ge [sflag:s31], $0x1A10  }
0x1ad: {  	[sflag:s31] =	ssyncset.done $0x0  }
0x1ae: {  	[sflag:s31] =	ssyncadd.s32 $0xFFFFE5F0  }
0x1af: {  	_ =	swait.ge [sflag:s8], $0x1A10  }
0x1b0: {  	[sflag:s8] =	ssyncset.done $0x0  }
0x1b1: {  	[sflag:s8] =	ssyncadd.s32 $0xFFFFE5F0  }
.LBB2_30:
0x1b2: {  	[bflag:$0x0] =	sbarrier.arrive $0xFFFF  }
.LBB2_31:
0x1b3: {  	_ =	sfence.sel $0x180000  }
0x1b4: {  	[bflag:$0x0] =	sbarrier.arrive $0xFFFF  }
0x1b5: {  	p0 =	sne.s32 s1, $0x0;
	_ =	strace $0x90000047  }
0x1b6: {  	s0 =	sadd.s32 @!p0 $0x100000, s0;
	[bflag:$0x2] =	sbarrier.arrive $0xFFFF  }
0x1b7: {  	[sflag:s0] =	ssyncadd.tile.s32 @!p0 $0x1;
	_ =	shalt  }
.LBB2_14:
.Ltmp18:
0x1b8: {  	(pc) =	sbr.rel .LBB2_15-.Ltmp18, $3  }
0x1b9: {  	_ =	sdelay $0x1  }
0x1ba: {  	s8 =	simm.s32 $0x0;
	s10 =	simm.s32 $0x10  }
0x1bb: {  	s11 =	simm.s32 $0x80;
	s12 =	simm.s32 $0x100;
	s13 =	simm.s32 $0x1  }
.LBB2_17:
0x1bc: {  	s8 =	sadd.s32 $0x1, s8  }
0x1bd: {  	p0 =	sne.s32 s8, $0x11  }
.Ltmp19:
0x1be: {  	_ = 	snop;
	(pc) =	sbr.rel @!p0 .LBB2_18-.Ltmp19, $1  }
0x1bf: {  	_ =	sdelay $0x3  }
.LBB2_15:
0x1c0: {  	p0 =	seq.s32 s9, s7  }
.Ltmp20:
0x1c1: {  	_ = 	snop;
	(pc) =	sbr.rel @p0 .LBB2_17-.Ltmp20, $2  }
0x1c2: {  	_ =	sdelay $0x2  }
0x1c3: {  	s14 =	simm.s32 $0x1;
	s7 =	smov.u32 s9  }
.LBB2_16:
0x1c4: {  	v3 =	vmov s9  }
0x1c5: {  	[tilespmem:$0x80] =	vst v3  }
0x1c6: {  	[tilespmem:s12], [sflag:$0x1] =	stream.indirect.gather [hbm4b:s4+s10], $0x1, s11, s10, $0xb8;
	[tilespmem:$0x3880] =	vst v63  }
0x1c7: {  	_ =	swait.ge [sflag:s13], $0x10  }
0x1c8: {  	[sflag:s13] =	ssyncset.done $0x0  }
0x1c9: {  	[sflag:s13] =	ssyncadd.s32 $0xFFFFFFF0  }
0x1ca: {  	v3 =	vld [tilespmem:$0x100];
	_ =	sdelay $0x4  }
0x1cb: {  	(v2sf) =	vpush v3, $0x0;
	_ =	sdelay $0x8  }
0x1cc: {  	s31 =	sshrl.u32 s14, s8  }
0x1cd: {  	p0 =	seq.s32 s31, $0x0  }
.Ltmp21:
0x1ce: {  	_ = 	snop;
	(pc) =	sbr.rel @p0 .LBB2_16-.Ltmp21, $2  }
0x1cf: {  	_ =	sdelay $0x2  }
0x1d0: {  	s7 =	smov.u32 s9;
	s14 =	sadd.s32 $0x1, s14;
	s9 =	spop (v2sf)  }
.Ltmp22:
0x1d1: {  	_ = 	snop;
	(pc) =	sbr.rel .LBB2_17-.Ltmp22, $1  }
0x1d2: {  	_ =	sdelay $0x3  }
.LBB2_19:
0x1d3: {  	(v2sf) =	vpush v0, $0x0;
	_ =	sdelay $0xa  }
.Ltmp23:
0x1d4: {  	_ = 	snop;
	(pc) =	sbr.rel .LBB2_20-.Ltmp23, $3  }
0x1d5: {  	_ =	sdelay $0x1  }
0x1d6: {  	v1 =	vbroadcast v0, $0x4;
	s16 =	simm.s32 $0x0  }
0x1d7: {  	s17 =	simm.s32 $0x200;
	s18 =	simm.s32 $0x100;
	s19 =	spop (v2sf)  }
.LBB2_22:
0x1d8: {  	s16 =	sadd.s32 $0x1, s16  }
0x1d9: {  	p0 =	sne.s32 s16, $0x11  }
.Ltmp24:
0x1da: {  	_ = 	snop;
	(pc) =	sbr.rel @!p0 .LBB2_23-.Ltmp24, $2  }
0x1db: {  	_ =	sdelay $0x2  }
0x1dc: {  	s15 =	smov.u32 s21  }
.LBB2_20:
0x1dd: {  	p0 =	seq.s32 s15, s5  }
.Ltmp25:
0x1de: {  	_ = 	snop;
	(pc) =	sbr.rel @p0 .LBB2_22-.Ltmp25, $2  }
0x1df: {  	_ =	sdelay $0x2  }
0x1e0: {  	s20 =	simm.s32 $0x1;
	s21 =	smov.u32 s5  }
.LBB2_21:
0x1e1: {  	v2 =	vmov s19;
	[tilespmem:$0x200] =	vst v1  }
0x1e2: {  	[tilespmem:$0x80] =	vst v2  }
0x1e3: {  	[hbm4b:s3+s12] =	stream.indirect.scatter [tilespmem:s17], [sflag:$0x1], $0x1, s13, s12, $0xb8;
	[tilespmem:$0x3880] =	vst v63  }
0x1e4: {  	_ =	swait.ge [sflag:s14], $0x10  }
0x1e5: {  	[sflag:s14] =	ssyncset.done $0x0  }
0x1e6: {  	v2 =	vmov s15;
	[sflag:s14] =	ssyncadd.s32 $0xFFFFFFF0  }
0x1e7: {  	[tilespmem:$0x80] =	vst v2  }
0x1e8: {  	[tilespmem:s18], [sflag:$0x1] =	stream.indirect.gather [hbm4b:s4+s12], $0x1, s13, s12, $0xb8;
	[tilespmem:$0x3880] =	vst v63  }
0x1e9: {  	_ =	swait.ge [sflag:s14], $0x10  }
0x1ea: {  	[sflag:s14] =	ssyncset.done $0x0  }
0x1eb: {  	[sflag:s14] =	ssyncadd.s32 $0xFFFFFFF0  }
0x1ec: {  	v2 =	vld [tilespmem:$0x100];
	_ =	sdelay $0x4  }
0x1ed: {  	(v2sf) =	vpush v2, $0x0;
	_ =	sdelay $0x9  }
0x1ee: {  	s21 =	sshrl.u32 s20, s16  }
0x1ef: {  	p0 =	seq.s32 s21, $0x0  }
.Ltmp26:
0x1f0: {  	_ = 	snop;
	(pc) =	sbr.rel @p0 .LBB2_21-.Ltmp26, $3  }
0x1f1: {  	_ =	sdelay $0x1  }
0x1f2: {  	s19 =	smov.u32 s15;
	s15 =	spop (v2sf)  }
0x1f3: {  	s20 =	sadd.s32 $0x1, s20;
	s21 =	smov.u32 s15  }
.Ltmp27:
0x1f4: {  	_ = 	snop;
	(pc) =	sbr.rel .LBB2_22-.Ltmp27, $1  }
0x1f5: {  	_ =	sdelay $0x3  }
.LBB2_24:
.Ltmp28:
0x1f6: {  	(pc) =	sbr.rel .LBB2_25-.Ltmp28, $3  }
0x1f7: {  	_ =	sdelay $0x1  }
0x1f8: {  	s12 =	simm.s32 $0x0;
	s13 =	simm.s32 $0x10;
	s14 =	simm.s32 $0x80;
	v0 =	vbroadcast v0, $0x5  }
0x1f9: {  	s15 =	simm.s32 $0x200;
	s16 =	simm.s32 $0x1;
	s17 =	simm.s32 $0x100  }
.LBB2_27:
0x1fa: {  	s12 =	sadd.s32 $0x1, s12  }
0x1fb: {  	p0 =	sne.s32 s12, $0x11  }
.Ltmp29:
0x1fc: {  	_ = 	snop;
	(pc) =	sbr.rel @!p0 .LBB2_28-.Ltmp29, $2  }
0x1fd: {  	_ =	sdelay $0x2  }
0x1fe: {  	s11 =	smov.u32 s19  }
.LBB2_25:
0x1ff: {  	p0 =	seq.s32 s11, s6  }
.Ltmp30:
0x200: {  	_ = 	snop;
	(pc) =	sbr.rel @p0 .LBB2_27-.Ltmp30, $2  }
0x201: {  	_ =	sdelay $0x2  }
0x202: {  	s18 =	simm.s32 $0x1;
	s19 =	smov.u32 s6  }
.LBB2_26:
0x203: {  	v1 =	vmov s10;
	[tilespmem:$0x200] =	vst v0  }
0x204: {  	[tilespmem:$0x80] =	vst v1  }
0x205: {  	[hbm4b:s3+s13] =	stream.indirect.scatter [tilespmem:s15], [sflag:$0x1], $0x1, s14, s13, $0xb8;
	[tilespmem:$0x3880] =	vst v63  }
0x206: {  	_ =	swait.ge [sflag:s16], $0x10  }
0x207: {  	[sflag:s16] =	ssyncset.done $0x0  }
0x208: {  	v1 =	vmov s11;
	[sflag:s16] =	ssyncadd.s32 $0xFFFFFFF0  }
0x209: {  	[tilespmem:$0x80] =	vst v1  }
0x20a: {  	[tilespmem:s17], [sflag:$0x1] =	stream.indirect.gather [hbm4b:s4+s13], $0x1, s14, s13, $0xb8;
	[tilespmem:$0x3880] =	vst v63  }
0x20b: {  	_ =	swait.ge [sflag:s16], $0x10  }
0x20c: {  	[sflag:s16] =	ssyncset.done $0x0  }
0x20d: {  	[sflag:s16] =	ssyncadd.s32 $0xFFFFFFF0  }
0x20e: {  	v1 =	vld [tilespmem:$0x100];
	_ =	sdelay $0x4  }
0x20f: {  	(v2sf) =	vpush v1, $0x0;
	_ =	sdelay $0x9  }
0x210: {  	s19 =	sshrl.u32 s18, s12  }
0x211: {  	p0 =	seq.s32 s19, $0x0  }
.Ltmp31:
0x212: {  	_ = 	snop;
	(pc) =	sbr.rel @p0 .LBB2_26-.Ltmp31, $3  }
0x213: {  	_ =	sdelay $0x1  }
0x214: {  	s10 =	smov.u32 s11;
	s11 =	spop (v2sf)  }
0x215: {  	s18 =	sadd.s32 $0x1, s18;
	s19 =	smov.u32 s11  }
.Ltmp32:
0x216: {  	_ = 	snop;
	(pc) =	sbr.rel .LBB2_27-.Ltmp32, $1  }
0x217: {  	_ =	sdelay $0x3  }
.Lfunc_end2:
_tile_overlayer_lowered:
.L_overlay_start_2:
0x218: {  	(tag) =	ssettag $0x2  }
0x219: {  	s0 =	rddreg [dreg:$0x0];
	s2 =	stileid.u32  }
0x21a: {  	s1 =	rddreg [dreg:$0x1];
	p0 =	sne.s32 s2, $0x0  }
0x21b: {  	s3 =	rddreg [dreg:$0x2];
	[bflag:$0x3] =	sbarrier.arrive $0xFFFF;
	s2 =	simm.s32 @!p0 $0x1C03  }
0x21c: {  	[timem:s3], [sflag:s2] =	dma.local @!p0 [hbm:s0], s1  }
0x21d: {  	s0 =	simm.s32 @!p0 $0x3  }
0x21e: {  	_ =	swait.ge @!p0 [sflag:s0], s1  }
0x21f: {  	s1 =	ssub.s32 @!p0 $0x0, s1;
	[sflag:s0] =	ssyncset.done @!p0 $0x0  }
0x220: {  	[sflag:s0] =	ssyncadd.s32 @!p0 s1  }
0x221: {  	[bflag:$0x3] =	sbarrier.arrive $0xFFFF  }
0x222: {  	_ =	shalt  }

</sc_bundles>
